<compile_context>
chip_gen: v7x
topology: tpu7x:2x2x1
jax: 0.10.2.dev20260603
libtpu: 0.0.44.dev20260713+nightly
codegen_flags: <defaults>
</compile_context>

<pallas_src>
import functools

import jax
import jax.numpy as jnp
from jax import lax
from jax.experimental import pallas as pl
from jax.experimental.pallas import tpu as pltpu
from jax.experimental.pallas import tpu_sc as plsc

_OHEM_RATIO = 0.7
_EPS = 1e-07

_NW = 32
_LANES = 16
_NG = 2
_NB_A = 1024
_NB_B = 2048


def _loss_map_body(pred_ref, target_ref, out_ref):
    x = pred_ref[0]
    t = target_ref[0]
    m = jnp.max(x, axis=0)
    s = jnp.sum(jnp.exp(x - m[None]), axis=0)
    tsum = jnp.sum(t, axis=0)
    dot = jnp.sum(t * x, axis=0)
    loss = tsum * (m + jnp.log(s)) - dot
    out_ref[0] = jnp.maximum(loss, 0.0)


def _lane_iota():
    return lax.iota(jnp.int32, _LANES)


def _scalar_at(v, i):
    return jnp.sum(jnp.where(_lane_iota() == i, v, jnp.zeros_like(v)))


def _zero_hist(hist_ref, nwords):
    z = jnp.zeros((_LANES,), jnp.int32)

    def body(j, c):
        for u in range(8):
            hist_ref[pl.ds((j * 8 + u) * _LANES, _LANES)] = z
        return c

    lax.fori_loop(0, nwords // (8 * _LANES), body, 0)


def _lane_reduce(hist_ref, out_ref, nb):

    def body(j, c):
        acc = hist_ref[pl.ds(j * _LANES, _LANES)]
        for l in range(1, _LANES):
            acc = acc + hist_ref[pl.ds(l * (nb + 17) + j * _LANES, _LANES)]
        out_ref[pl.ds(j * _LANES, _LANES)] = acc
        return c

    lax.fori_loop(0, nb // _LANES, body, 0)


def _merge_find(hbuf_ref, nrows, nb, r):
    ngroups = nb // _LANES

    def body(jj, carry):
        found, bstar, r_rem, acc = carry
        j = ngroups - 1 - jj
        h = hbuf_ref[0, pl.ds(j * _LANES, _LANES)]
        for t in range(1, nrows):
            h = h + hbuf_ref[t, pl.ds(j * _LANES, _LANES)]
        rev = lax.rev(h, (0,))
        cs = plsc.cumsum(rev) + acc
        mask = cs >= r
        pc = jnp.max(plsc.all_reduce_population_count(mask))
        tstar = jnp.max(plsc.all_reduce_ffs(mask))
        hit = jnp.logical_and(pc > 0, jnp.logical_not(found))
        b_new = j * _LANES + (_LANES - 1) - tstar
        r_new = r - (_scalar_at(cs, tstar) - _scalar_at(rev, tstar))
        bstar = jnp.where(hit, b_new, bstar)
        r_rem = jnp.where(hit, r_new, r_rem)
        found = jnp.logical_or(found, pc > 0)
        acc = _scalar_at(cs, _LANES - 1)
        return found, bstar, r_rem, acc

    _, bstar, r_rem, _ = lax.fori_loop(
        0, ngroups, body,
        (jnp.bool_(False), jnp.int32(0), jnp.int32(1), jnp.int32(0)))
    return bstar, r_rem


def _wid():
    return lax.axis_index("s") * 2 + lax.axis_index("c")


def _sc_pass_a(bits_hbm, h1_hbm, chunk, hist, hrow):
    wid = _wid()
    pltpu.sync_copy(bits_hbm.at[wid], chunk)
    _zero_hist(hist, (_NB_A + 16) * _LANES)
    lane = _lane_iota()
    ones = jnp.ones((_LANES,), jnp.int32)
    nit = chunk.shape[0] // _LANES
    lane_nb = lane * (_NB_A + 17)
    U = 8

    def body(i, c):
        for u in range(U):
            bits = chunk[pl.ds((i * U + u) * _LANES, _LANES)]
            idx = lane_nb + jnp.right_shift(bits, 21)
            plsc.addupdate_scatter(hist, [idx], ones)
        return c

    lax.fori_loop(0, nit // U, body, 0)
    _lane_reduce(hist, hrow, _NB_A)
    pltpu.sync_copy(hrow, h1_hbm.at[wid])


def _sc_pass_b(bits_hbm, h1_hbm, h2_hbm, rec1_hbm, hbuf, chunk, hist, hrow,
               recbuf, *, k):
    wid = _wid()
    pltpu.sync_copy(h1_hbm, hbuf)
    pa, ra = _merge_find(hbuf, _NG * _NW, _NB_A, jnp.int32(k))

    _zero_hist(hist, (_NB_B + 16) * _LANES)
    lane = _lane_iota()
    lane_nb = lane * (_NB_B + 17)
    ones = jnp.ones((_LANES,), jnp.int32)
    npieces = 4
    piece = bits_hbm.shape[1] // npieces
    nit = piece // _LANES

    def piece_body(p, c):
        pltpu.sync_copy(bits_hbm.at[wid, pl.ds(p * piece, piece)], chunk)

        def body(i, c2):
            for u in range(8):
                bits = chunk[pl.ds((i * 8 + u) * _LANES, _LANES)]
                sel = jnp.right_shift(bits, 21) == pa
                idx = lane_nb + jnp.bitwise_and(jnp.right_shift(bits, 10),
                                                _NB_B - 1)
                plsc.addupdate_scatter(hist, [idx], ones, mask=sel)
            return c2

        lax.fori_loop(0, nit // 8, body, 0)
        return c

    lax.fori_loop(0, npieces, piece_body, 0)
    _lane_reduce(hist, hrow, _NB_B)
    pltpu.sync_copy(hrow, h2_hbm.at[wid])

    @pl.when(wid == 0)
    def _():
        rec = jnp.where(lane == 0, pa, jnp.where(lane == 1, ra, 0))
        recbuf[...] = rec
        pltpu.sync_copy(recbuf, rec1_hbm)


def _finish_body(loss0_ref, loss1_ref, h2_ref, rec1_ref, out_ref, *, k):
    cnt = jnp.sum(h2_ref[...].astype(jnp.float32), axis=0, keepdims=True)
    row = lax.broadcasted_iota(jnp.int32, (_NB_B, _NB_B), 0)
    col = lax.broadcasted_iota(jnp.int32, (_NB_B, _NB_B), 1)
    tri = (row >= col).astype(jnp.float32)
    suf_cnt = jnp.dot(cnt, tri, preferred_element_type=jnp.float32)

    lane16 = lax.broadcasted_iota(jnp.int32, (1, 16), 1)
    rec = rec1_ref[...]
    pa = jnp.sum(jnp.where(lane16 == 0, rec, 0))
    ra = jnp.sum(jnp.where(lane16 == 1, rec, 0)).astype(jnp.float32)

    iota = lax.broadcasted_iota(jnp.int32, (1, _NB_B), 1)
    cond = suf_cnt >= ra
    pb = jnp.max(jnp.where(cond, iota, -1))
    pab = jnp.bitwise_or(lax.shift_left(pa, 11), pb)

    l0 = loss0_ref[...]
    l1 = loss1_ref[...]
    b0 = l0.view(jnp.int32)
    b1 = l1.view(jnp.int32)
    base = lax.shift_left(pab, 10)

    def step(i, prefix):
        cand = prefix | (jnp.int32(1) << (jnp.int32(9) - i))
        cnt_ge = (jnp.sum((b0 >= cand).astype(jnp.int32)) +
                  jnp.sum((b1 >= cand).astype(jnp.int32)))
        return jnp.where(cnt_ge >= k, cand, prefix)

    vbits = jax.lax.fori_loop(0, 10, step, base)
    thresh = jax.lax.bitcast_convert_type(vbits, jnp.float32)

    m0 = l0 >= thresh
    m1 = l1 >= thresh
    s = jnp.sum(jnp.where(m0, l0, 0.0)) + jnp.sum(jnp.where(m1, l1, 0.0))
    c = (jnp.sum(m0.astype(jnp.int32)) +
         jnp.sum(m1.astype(jnp.int32))).astype(jnp.float32)
    out_ref[...] = jnp.reshape(s / (c + _EPS), (1, 1))


def kernel(pred, target):
    B, C, H, W = pred.shape
    BH = 128
    BG = B // _NG
    mesh = plsc.VectorSubcoreMesh(core_axis_name="c", subcore_axis_name="s")
    scp = pltpu.CompilerParams(needs_layout_passes=False)

    n = B * H * W
    k = int(n * _OHEM_RATIO)
    gchunk = (n // _NG) // _NW

    loss_g = []
    h1_g = []
    bits_g = []
    for g in range(_NG):
        loss = pl.pallas_call(
            _loss_map_body,
            grid=(BG, H // BH),
            in_specs=[
                pl.BlockSpec((1, C, BH, W),
                             lambda b, h, g=g: (b + g * BG, 0, h, 0)),
                pl.BlockSpec((1, C, BH, W),
                             lambda b, h, g=g: (b + g * BG, 0, h, 0)),
            ],
            out_specs=pl.BlockSpec((1, BH, W), lambda b, h: (b, h, 0)),
            out_shape=jax.ShapeDtypeStruct((BG, H, W), jnp.float32),
        )(pred, target)
        bits = lax.bitcast_convert_type(loss, jnp.int32).reshape(_NW, gchunk)
        h1 = pl.kernel(
            _sc_pass_a,
            out_type=jax.ShapeDtypeStruct((_NW, _NB_A), jnp.int32),
            mesh=mesh,
            compiler_params=scp,
            scratch_types=[
                pltpu.VMEM((gchunk,), jnp.int32),
                pltpu.VMEM(((_NB_A + 16) * _LANES,), jnp.int32),
                pltpu.VMEM((_NB_A,), jnp.int32),
            ],
        )(bits)
        loss_g.append(loss)
        bits_g.append(bits)
        h1_g.append(h1)

    h1 = jnp.concatenate(h1_g, axis=0)
    bits_all = jnp.concatenate(bits_g, axis=1)

    h2, rec1 = pl.kernel(
        functools.partial(_sc_pass_b, k=k),
        out_type=(
            jax.ShapeDtypeStruct((_NW, _NB_B), jnp.int32),
            jax.ShapeDtypeStruct((_LANES,), jnp.int32),
        ),
        mesh=mesh,
        compiler_params=scp,
        scratch_types=[
            pltpu.VMEM((_NG * _NW, _NB_A), jnp.int32),
            pltpu.VMEM((n // _NW // 4,), jnp.int32),
            pltpu.VMEM(((_NB_B + 16) * _LANES,), jnp.int32),
            pltpu.VMEM((_NB_B,), jnp.int32),
            pltpu.VMEM((_LANES,), jnp.int32),
        ],
    )(bits_all, h1)

    hw = (n // _NG) // 1024
    out = pl.pallas_call(
        functools.partial(_finish_body, k=k),
        out_shape=jax.ShapeDtypeStruct((1, 1), jnp.float32),
    )(loss_g[0].reshape(hw, 1024), loss_g[1].reshape(hw, 1024),
      h2, rec1.reshape(1, _LANES))
    return out[0, 0]

# --- scband reference (transcript-rebuilt; emitter-appended) ---
"""Pipeline reference for scband-soft-cross-entropy-loss-with-ohem-1580547967601 (READ-ONLY COPY).

The authoritative reference and input builder live on the scoring server;
editing this copy changes nothing except your own understanding.
"""

import jax, jax.numpy as jnp
import numpy as np

OHEM_RATIO = 0.7
EPS = 1e-07


def setup_inputs(seed: int = 0) -> dict:
    key = jax.random.key(seed)
    k1, k2 = jax.random.split(key)
    pred = jax.random.normal(k1, (8, 19, 512, 512), dtype=jnp.float32)
    target = jax.random.uniform(k2, (8, 19, 512, 512), dtype=jnp.float32)
    return {"pred": pred, "target": target}


def reference(pred, target):
    # log_softmax over class dim (dim=1)
    logp = jax.nn.log_softmax(pred, axis=1)
    # soft cross entropy per pixel: [B, H, W]
    loss = -jnp.sum(logp * target, axis=1)
    # OHEM mask (computed under no_grad in torch -> stop_gradient here)
    flat = jax.lax.stop_gradient(loss).reshape(-1)
    k = int(flat.shape[0] * OHEM_RATIO)
    values, _ = jax.lax.top_k(flat, k)
    thresh = values[-1]
    mask = jax.lax.stop_gradient((loss >= thresh).astype(jnp.float32))
    loss = loss * mask
    return jnp.sum(loss) / (jnp.sum(mask) + EPS)

if __name__ == "__main__":
    import jax
    _d = setup_inputs()
    print(jax.jit(kernel)(*tuple(_d.values())))

</pallas_src>

<mosaic_0001>
#map = affine_map<(d0, d1) -> (0, 0)>
module attributes {stable_mosaic.version = 14 : i64} {
  func.func @_sc_pass_a(%arg0: i32, %arg1: i32, %arg2: memref<32x32768xi32, #tpu.memory_space<hbm>>, %arg3: memref<32x1024xi32, #tpu.memory_space<hbm>>, %arg4: memref<32768xi32, #tpu.memory_space<vmem>>, %arg5: memref<16640xi32, #tpu.memory_space<vmem>>, %arg6: memref<1024xi32, #tpu.memory_space<vmem>>) attributes {dimension_semantics = [#tpu.dimension_semantics<core_parallel>, #tpu.dimension_semantics<subcore_parallel>], iteration_bounds = array<i64: 2, 16>, scalar_prefetch = 0 : i64, scratch_operands = 3 : i64, tpu.core_type = #tpu.core_type<sc_vector_subcore>, window_params = [{transform_indices = #map}, {transform_indices = #map}]} {
    %mul3A = arith.constant 2 : i32
    %mul3A_0 = arith.muli %arg1, %mul3A : i32
    %add3A = arith.addi %mul3A_0, %arg0 : i32
    "tpu.region"() ({
      %run_scoped3A = tpu.sem_alloc : memref<!tpu.dma_semaphore, #tpu.memory_space<semaphore_mem>>
      %dma_start3A = arith.constant 0 : i32
      %dma_start3A_24 = tpu.memref_slice %arg2[%add3A, %dma_start3A] : memref<32x32768xi32, #tpu.memory_space<hbm>> -> memref<1x32768xi32, #tpu.memory_space<hbm>>
      %dma_start3A_25 = tpu.memref_squeeze %dma_start3A_24 : memref<1x32768xi32, #tpu.memory_space<hbm>> -> memref<32768xi32, #tpu.memory_space<hbm>>
      %dma_start3A_26 = arith.constant 0 : i32
      %dma_start3A_27 = tpu.memref_slice %arg2[%add3A, %dma_start3A_26] : memref<32x32768xi32, #tpu.memory_space<hbm>> -> memref<1x32768xi32, #tpu.memory_space<hbm>>
      %dma_start3A_28 = tpu.memref_squeeze %dma_start3A_27 : memref<1x32768xi32, #tpu.memory_space<hbm>> -> memref<32768xi32, #tpu.memory_space<hbm>>
      tpu.enqueue_dma source(%dma_start3A_28 : memref<32768xi32, #tpu.memory_space<hbm>>) target(%arg4 : memref<32768xi32, #tpu.memory_space<vmem>>) target_semaphore(%run_scoped3A : memref<!tpu.dma_semaphore, #tpu.memory_space<semaphore_mem>>)
      %dma_wait3A = arith.constant 0 : i32
      %dma_wait3A_29 = tpu.memref_slice %arg2[%add3A, %dma_wait3A] : memref<32x32768xi32, #tpu.memory_space<hbm>> -> memref<1x32768xi32, #tpu.memory_space<hbm>>
      %dma_wait3A_30 = tpu.memref_squeeze %dma_wait3A_29 : memref<1x32768xi32, #tpu.memory_space<hbm>> -> memref<32768xi32, #tpu.memory_space<hbm>>
      %dma_wait3A_31 = arith.constant 0 : i32
      %dma_wait3A_32 = tpu.memref_slice %arg2[%add3A, %dma_wait3A_31] : memref<32x32768xi32, #tpu.memory_space<hbm>> -> memref<1x32768xi32, #tpu.memory_space<hbm>>
      %dma_wait3A_33 = tpu.memref_squeeze %dma_wait3A_32 : memref<1x32768xi32, #tpu.memory_space<hbm>> -> memref<32768xi32, #tpu.memory_space<hbm>>
      tpu.wait_dma2 semaphore(%run_scoped3A : memref<!tpu.dma_semaphore, #tpu.memory_space<semaphore_mem>>) src(%dma_wait3A_33 : memref<32768xi32, #tpu.memory_space<hbm>>) dst(%arg4 : memref<32768xi32, #tpu.memory_space<vmem>>)
      tpu.yield
    }) : () -> ()
    %broadcast_in_dim3A = arith.constant 0 : i32
    %broadcast_in_dim3A_1 = vector.broadcast %broadcast_in_dim3A : i32 to vector<16xi32>
    %scan3A = arith.constant 0 : i32
    %scan3A_2 = arith.constant 0 : i32
    %scan3A_3 = arith.constant 130 : i32
    %scan3A_4 = arith.addi %scan3A_2, %scan3A_3 : i32
    %scan3A_5 = arith.constant 1 : i32
    scf.for %scan3A_24 = %scan3A_2 to %scan3A_4 step %scan3A_5  : i32 {
      %mul3A_25 = arith.constant 8 : i32
      %mul3A_26 = arith.muli %scan3A_24, %mul3A_25 : i32
      %add3A_27 = arith.constant 0 : i32
      %add3A_28 = arith.addi %mul3A_26, %add3A_27 : i32
      %mul3A_29 = arith.constant 16 : i32
      %mul3A_30 = arith.muli %add3A_28, %mul3A_29 : i32
      %swap3A = arith.index_cast %mul3A_30 : i32 to index
      %swap3A_31 = tpu.vector_load %arg5[%swap3A] {strides = array<i32>} : memref<16640xi32, #tpu.memory_space<vmem>>, vector<16xi32>,
      tpu.vector_store %arg5[%swap3A], %broadcast_in_dim3A_1 {strides = array<i32>} : memref<16640xi32, #tpu.memory_space<vmem>>, vector<16xi32>,
      %mul3A_32 = arith.constant 8 : i32
      %mul3A_33 = arith.muli %scan3A_24, %mul3A_32 : i32
      %add3A_34 = arith.constant 1 : i32
      %add3A_35 = arith.addi %mul3A_33, %add3A_34 : i32
      %mul3A_36 = arith.constant 16 : i32
      %mul3A_37 = arith.muli %add3A_35, %mul3A_36 : i32
      %swap3A_38 = arith.index_cast %mul3A_37 : i32 to index
      %swap3A_39 = tpu.vector_load %arg5[%swap3A_38] {strides = array<i32>} : memref<16640xi32, #tpu.memory_space<vmem>>, vector<16xi32>,
      tpu.vector_store %arg5[%swap3A_38], %broadcast_in_dim3A_1 {strides = array<i32>} : memref<16640xi32, #tpu.memory_space<vmem>>, vector<16xi32>,
      %mul3A_40 = arith.constant 8 : i32
      %mul3A_41 = arith.muli %scan3A_24, %mul3A_40 : i32
      %add3A_42 = arith.constant 2 : i32
      %add3A_43 = arith.addi %mul3A_41, %add3A_42 : i32
      %mul3A_44 = arith.constant 16 : i32
      %mul3A_45 = arith.muli %add3A_43, %mul3A_44 : i32
      %swap3A_46 = arith.index_cast %mul3A_45 : i32 to index
      %swap3A_47 = tpu.vector_load %arg5[%swap3A_46] {strides = array<i32>} : memref<16640xi32, #tpu.memory_space<vmem>>, vector<16xi32>,
      tpu.vector_store %arg5[%swap3A_46], %broadcast_in_dim3A_1 {strides = array<i32>} : memref<16640xi32, #tpu.memory_space<vmem>>, vector<16xi32>,
      %mul3A_48 = arith.constant 8 : i32
      %mul3A_49 = arith.muli %scan3A_24, %mul3A_48 : i32
      %add3A_50 = arith.constant 3 : i32
      %add3A_51 = arith.addi %mul3A_49, %add3A_50 : i32
      %mul3A_52 = arith.constant 16 : i32
      %mul3A_53 = arith.muli %add3A_51, %mul3A_52 : i32
      %swap3A_54 = arith.index_cast %mul3A_53 : i32 to index
      %swap3A_55 = tpu.vector_load %arg5[%swap3A_54] {strides = array<i32>} : memref<16640xi32, #tpu.memory_space<vmem>>, vector<16xi32>,
      tpu.vector_store %arg5[%swap3A_54], %broadcast_in_dim3A_1 {strides = array<i32>} : memref<16640xi32, #tpu.memory_space<vmem>>, vector<16xi32>,
      %mul3A_56 = arith.constant 8 : i32
      %mul3A_57 = arith.muli %scan3A_24, %mul3A_56 : i32
      %add3A_58 = arith.constant 4 : i32
      %add3A_59 = arith.addi %mul3A_57, %add3A_58 : i32
      %mul3A_60 = arith.constant 16 : i32
      %mul3A_61 = arith.muli %add3A_59, %mul3A_60 : i32
      %swap3A_62 = arith.index_cast %mul3A_61 : i32 to index
      %swap3A_63 = tpu.vector_load %arg5[%swap3A_62] {strides = array<i32>} : memref<16640xi32, #tpu.memory_space<vmem>>, vector<16xi32>,
      tpu.vector_store %arg5[%swap3A_62], %broadcast_in_dim3A_1 {strides = array<i32>} : memref<16640xi32, #tpu.memory_space<vmem>>, vector<16xi32>,
      %mul3A_64 = arith.constant 8 : i32
      %mul3A_65 = arith.muli %scan3A_24, %mul3A_64 : i32
      %add3A_66 = arith.constant 5 : i32
      %add3A_67 = arith.addi %mul3A_65, %add3A_66 : i32
      %mul3A_68 = arith.constant 16 : i32
      %mul3A_69 = arith.muli %add3A_67, %mul3A_68 : i32
      %swap3A_70 = arith.index_cast %mul3A_69 : i32 to index
      %swap3A_71 = tpu.vector_load %arg5[%swap3A_70] {strides = array<i32>} : memref<16640xi32, #tpu.memory_space<vmem>>, vector<16xi32>,
      tpu.vector_store %arg5[%swap3A_70], %broadcast_in_dim3A_1 {strides = array<i32>} : memref<16640xi32, #tpu.memory_space<vmem>>, vector<16xi32>,
      %mul3A_72 = arith.constant 8 : i32
      %mul3A_73 = arith.muli %scan3A_24, %mul3A_72 : i32
      %add3A_74 = arith.constant 6 : i32
      %add3A_75 = arith.addi %mul3A_73, %add3A_74 : i32
      %mul3A_76 = arith.constant 16 : i32
      %mul3A_77 = arith.muli %add3A_75, %mul3A_76 : i32
      %swap3A_78 = arith.index_cast %mul3A_77 : i32 to index
      %swap3A_79 = tpu.vector_load %arg5[%swap3A_78] {strides = array<i32>} : memref<16640xi32, #tpu.memory_space<vmem>>, vector<16xi32>,
      tpu.vector_store %arg5[%swap3A_78], %broadcast_in_dim3A_1 {strides = array<i32>} : memref<16640xi32, #tpu.memory_space<vmem>>, vector<16xi32>,
      %mul3A_80 = arith.constant 8 : i32
      %mul3A_81 = arith.muli %scan3A_24, %mul3A_80 : i32
      %add3A_82 = arith.constant 7 : i32
      %add3A_83 = arith.addi %mul3A_81, %add3A_82 : i32
      %mul3A_84 = arith.constant 16 : i32
      %mul3A_85 = arith.muli %add3A_83, %mul3A_84 : i32
      %swap3A_86 = arith.index_cast %mul3A_85 : i32 to index
      %swap3A_87 = tpu.vector_load %arg5[%swap3A_86] {strides = array<i32>} : memref<16640xi32, #tpu.memory_space<vmem>>, vector<16xi32>,
      tpu.vector_store %arg5[%swap3A_86], %broadcast_in_dim3A_1 {strides = array<i32>} : memref<16640xi32, #tpu.memory_space<vmem>>, vector<16xi32>,
    }
    %scan3A_6 = arith.constant 130 : i32
    %iota3A = tpu.iota {dimensions = array<i32: 0>} : vector<16xi32>
    %broadcast_in_dim3A_7 = arith.constant 1 : i32
    %broadcast_in_dim3A_8 = vector.broadcast %broadcast_in_dim3A_7 : i32 to vector<16xi32>
    %mul3A_9 = arith.constant 1041 : i32
    %mul3A_10 = vector.broadcast %mul3A_9 : i32 to vector<16xi32>
    %mul3A_11 = arith.muli %iota3A, %mul3A_10 : vector<16xi32>
    %scan3A_12 = arith.constant 0 : i32
    %scan3A_13 = arith.constant 0 : i32
    %scan3A_14 = arith.constant 256 : i32
    %scan3A_15 = arith.addi %scan3A_13, %scan3A_14 : i32
    %scan3A_16 = arith.constant 1 : i32
    scf.for %scan3A_24 = %scan3A_13 to %scan3A_15 step %scan3A_16  : i32 {
      %mul3A_25 = arith.constant 8 : i32
      %mul3A_26 = arith.muli %scan3A_24, %mul3A_25 : i32
      %add3A_27 = arith.constant 0 : i32
      %add3A_28 = arith.addi %mul3A_26, %add3A_27 : i32
      %mul3A_29 = arith.constant 16 : i32
      %mul3A_30 = arith.muli %add3A_28, %mul3A_29 : i32
      %get3A = arith.index_cast %mul3A_30 : i32 to index
      %get3A_31 = tpu.vector_load %arg4[%get3A] {strides = array<i32>} : memref<32768xi32, #tpu.memory_space<vmem>>, vector<16xi32>,
      %shift_right_arithmetic3A = arith.constant 21 : i32
      %shift_right_arithmetic3A_32 = vector.broadcast %shift_right_arithmetic3A : i32 to vector<16xi32>
      %shift_right_arithmetic3A_33 = arith.shrsi %get3A_31, %shift_right_arithmetic3A_32 : vector<16xi32>
      %add3A_34 = arith.addi %mul3A_11, %shift_right_arithmetic3A_33 : vector<16xi32>
      tpu.vector_store_idx %arg5[%add3A_34], %broadcast_in_dim3A_8 {add = true} : memref<16640xi32, #tpu.memory_space<vmem>>[vector<16xi32>], vector<16xi32>,
      %mul3A_35 = arith.constant 8 : i32
      %mul3A_36 = arith.muli %scan3A_24, %mul3A_35 : i32
      %add3A_37 = arith.constant 1 : i32
      %add3A_38 = arith.addi %mul3A_36, %add3A_37 : i32
      %mul3A_39 = arith.constant 16 : i32
      %mul3A_40 = arith.muli %add3A_38, %mul3A_39 : i32
      %get3A_41 = arith.index_cast %mul3A_40 : i32 to index
      %get3A_42 = tpu.vector_load %arg4[%get3A_41] {strides = array<i32>} : memref<32768xi32, #tpu.memory_space<vmem>>, vector<16xi32>,
      %shift_right_arithmetic3A_43 = arith.constant 21 : i32
      %shift_right_arithmetic3A_44 = vector.broadcast %shift_right_arithmetic3A_43 : i32 to vector<16xi32>
      %shift_right_arithmetic3A_45 = arith.shrsi %get3A_42, %shift_right_arithmetic3A_44 : vector<16xi32>
      %add3A_46 = arith.addi %mul3A_11, %shift_right_arithmetic3A_45 : vector<16xi32>
      tpu.vector_store_idx %arg5[%add3A_46], %broadcast_in_dim3A_8 {add = true} : memref<16640xi32, #tpu.memory_space<vmem>>[vector<16xi32>], vector<16xi32>,
      %mul3A_47 = arith.constant 8 : i32
      %mul3A_48 = arith.muli %scan3A_24, %mul3A_47 : i32
      %add3A_49 = arith.constant 2 : i32
      %add3A_50 = arith.addi %mul3A_48, %add3A_49 : i32
      %mul3A_51 = arith.constant 16 : i32
      %mul3A_52 = arith.muli %add3A_50, %mul3A_51 : i32
      %get3A_53 = arith.index_cast %mul3A_52 : i32 to index
      %get3A_54 = tpu.vector_load %arg4[%get3A_53] {strides = array<i32>} : memref<32768xi32, #tpu.memory_space<vmem>>, vector<16xi32>,
      %shift_right_arithmetic3A_55 = arith.constant 21 : i32
      %shift_right_arithmetic3A_56 = vector.broadcast %shift_right_arithmetic3A_55 : i32 to vector<16xi32>
      %shift_right_arithmetic3A_57 = arith.shrsi %get3A_54, %shift_right_arithmetic3A_56 : vector<16xi32>
      %add3A_58 = arith.addi %mul3A_11, %shift_right_arithmetic3A_57 : vector<16xi32>
      tpu.vector_store_idx %arg5[%add3A_58], %broadcast_in_dim3A_8 {add = true} : memref<16640xi32, #tpu.memory_space<vmem>>[vector<16xi32>], vector<16xi32>,
      %mul3A_59 = arith.constant 8 : i32
      %mul3A_60 = arith.muli %scan3A_24, %mul3A_59 : i32
      %add3A_61 = arith.constant 3 : i32
      %add3A_62 = arith.addi %mul3A_60, %add3A_61 : i32
      %mul3A_63 = arith.constant 16 : i32
      %mul3A_64 = arith.muli %add3A_62, %mul3A_63 : i32
      %get3A_65 = arith.index_cast %mul3A_64 : i32 to index
      %get3A_66 = tpu.vector_load %arg4[%get3A_65] {strides = array<i32>} : memref<32768xi32, #tpu.memory_space<vmem>>, vector<16xi32>,
      %shift_right_arithmetic3A_67 = arith.constant 21 : i32
      %shift_right_arithmetic3A_68 = vector.broadcast %shift_right_arithmetic3A_67 : i32 to vector<16xi32>
      %shift_right_arithmetic3A_69 = arith.shrsi %get3A_66, %shift_right_arithmetic3A_68 : vector<16xi32>
      %add3A_70 = arith.addi %mul3A_11, %shift_right_arithmetic3A_69 : vector<16xi32>
      tpu.vector_store_idx %arg5[%add3A_70], %broadcast_in_dim3A_8 {add = true} : memref<16640xi32, #tpu.memory_space<vmem>>[vector<16xi32>], vector<16xi32>,
      %mul3A_71 = arith.constant 8 : i32
      %mul3A_72 = arith.muli %scan3A_24, %mul3A_71 : i32
      %add3A_73 = arith.constant 4 : i32
      %add3A_74 = arith.addi %mul3A_72, %add3A_73 : i32
      %mul3A_75 = arith.constant 16 : i32
      %mul3A_76 = arith.muli %add3A_74, %mul3A_75 : i32
      %get3A_77 = arith.index_cast %mul3A_76 : i32 to index
      %get3A_78 = tpu.vector_load %arg4[%get3A_77] {strides = array<i32>} : memref<32768xi32, #tpu.memory_space<vmem>>, vector<16xi32>,
      %shift_right_arithmetic3A_79 = arith.constant 21 : i32
      %shift_right_arithmetic3A_80 = vector.broadcast %shift_right_arithmetic3A_79 : i32 to vector<16xi32>
      %shift_right_arithmetic3A_81 = arith.shrsi %get3A_78, %shift_right_arithmetic3A_80 : vector<16xi32>
      %add3A_82 = arith.addi %mul3A_11, %shift_right_arithmetic3A_81 : vector<16xi32>
      tpu.vector_store_idx %arg5[%add3A_82], %broadcast_in_dim3A_8 {add = true} : memref<16640xi32, #tpu.memory_space<vmem>>[vector<16xi32>], vector<16xi32>,
      %mul3A_83 = arith.constant 8 : i32
      %mul3A_84 = arith.muli %scan3A_24, %mul3A_83 : i32
      %add3A_85 = arith.constant 5 : i32
      %add3A_86 = arith.addi %mul3A_84, %add3A_85 : i32
      %mul3A_87 = arith.constant 16 : i32
      %mul3A_88 = arith.muli %add3A_86, %mul3A_87 : i32
      %get3A_89 = arith.index_cast %mul3A_88 : i32 to index
      %get3A_90 = tpu.vector_load %arg4[%get3A_89] {strides = array<i32>} : memref<32768xi32, #tpu.memory_space<vmem>>, vector<16xi32>,
      %shift_right_arithmetic3A_91 = arith.constant 21 : i32
      %shift_right_arithmetic3A_92 = vector.broadcast %shift_right_arithmetic3A_91 : i32 to vector<16xi32>
      %shift_right_arithmetic3A_93 = arith.shrsi %get3A_90, %shift_right_arithmetic3A_92 : vector<16xi32>
      %add3A_94 = arith.addi %mul3A_11, %shift_right_arithmetic3A_93 : vector<16xi32>
      tpu.vector_store_idx %arg5[%add3A_94], %broadcast_in_dim3A_8 {add = true} : memref<16640xi32, #tpu.memory_space<vmem>>[vector<16xi32>], vector<16xi32>,
      %mul3A_95 = arith.constant 8 : i32
      %mul3A_96 = arith.muli %scan3A_24, %mul3A_95 : i32
      %add3A_97 = arith.constant 6 : i32
      %add3A_98 = arith.addi %mul3A_96, %add3A_97 : i32
      %mul3A_99 = arith.constant 16 : i32
      %mul3A_100 = arith.muli %add3A_98, %mul3A_99 : i32
      %get3A_101 = arith.index_cast %mul3A_100 : i32 to index
      %get3A_102 = tpu.vector_load %arg4[%get3A_101] {strides = array<i32>} : memref<32768xi32, #tpu.memory_space<vmem>>, vector<16xi32>,
      %shift_right_arithmetic3A_103 = arith.constant 21 : i32
      %shift_right_arithmetic3A_104 = vector.broadcast %shift_right_arithmetic3A_103 : i32 to vector<16xi32>
      %shift_right_arithmetic3A_105 = arith.shrsi %get3A_102, %shift_right_arithmetic3A_104 : vector<16xi32>
      %add3A_106 = arith.addi %mul3A_11, %shift_right_arithmetic3A_105 : vector<16xi32>
      tpu.vector_store_idx %arg5[%add3A_106], %broadcast_in_dim3A_8 {add = true} : memref<16640xi32, #tpu.memory_space<vmem>>[vector<16xi32>], vector<16xi32>,
      %mul3A_107 = arith.constant 8 : i32
      %mul3A_108 = arith.muli %scan3A_24, %mul3A_107 : i32
      %add3A_109 = arith.constant 7 : i32
      %add3A_110 = arith.addi %mul3A_108, %add3A_109 : i32
      %mul3A_111 = arith.constant 16 : i32
      %mul3A_112 = arith.muli %add3A_110, %mul3A_111 : i32
      %get3A_113 = arith.index_cast %mul3A_112 : i32 to index
      %get3A_114 = tpu.vector_load %arg4[%get3A_113] {strides = array<i32>} : memref<32768xi32, #tpu.memory_space<vmem>>, vector<16xi32>,
      %shift_right_arithmetic3A_115 = arith.constant 21 : i32
      %shift_right_arithmetic3A_116 = vector.broadcast %shift_right_arithmetic3A_115 : i32 to vector<16xi32>
      %shift_right_arithmetic3A_117 = arith.shrsi %get3A_114, %shift_right_arithmetic3A_116 : vector<16xi32>
      %add3A_118 = arith.addi %mul3A_11, %shift_right_arithmetic3A_117 : vector<16xi32>
      tpu.vector_store_idx %arg5[%add3A_118], %broadcast_in_dim3A_8 {add = true} : memref<16640xi32, #tpu.memory_space<vmem>>[vector<16xi32>], vector<16xi32>,
    }
    %scan3A_17 = arith.constant 256 : i32
    %scan3A_18 = arith.constant 0 : i32
    %scan3A_19 = arith.constant 0 : i32
    %scan3A_20 = arith.constant 64 : i32
    %scan3A_21 = arith.addi %scan3A_19, %scan3A_20 : i32
    %scan3A_22 = arith.constant 1 : i32
    scf.for %scan3A_24 = %scan3A_19 to %scan3A_21 step %scan3A_22  : i32 {
      %mul3A_25 = arith.constant 16 : i32
      %mul3A_26 = arith.muli %scan3A_24, %mul3A_25 : i32
      %get3A = arith.index_cast %mul3A_26 : i32 to index
      %get3A_27 = tpu.vector_load %arg5[%get3A] {strides = array<i32>} : memref<16640xi32, #tpu.memory_space<vmem>>, vector<16xi32>,
      %mul3A_28 = arith.constant 16 : i32
      %mul3A_29 = arith.muli %scan3A_24, %mul3A_28 : i32
      %add3A_30 = arith.constant 1041 : i32
      %add3A_31 = arith.addi %add3A_30, %mul3A_29 : i32
      %get3A_32 = arith.index_cast %add3A_31 : i32 to index
      %get3A_33 = tpu.vector_load %arg5[%get3A_32] {strides = array<i32>} : memref<16640xi32, #tpu.memory_space<vmem>>, vector<16xi32>,
      %add3A_34 = arith.addi %get3A_27, %get3A_33 : vector<16xi32>
      %mul3A_35 = arith.constant 16 : i32
      %mul3A_36 = arith.muli %scan3A_24, %mul3A_35 : i32
      %add3A_37 = arith.constant 2082 : i32
      %add3A_38 = arith.addi %add3A_37, %mul3A_36 : i32
      %get3A_39 = arith.index_cast %add3A_38 : i32 to index
      %get3A_40 = tpu.vector_load %arg5[%get3A_39] {strides = array<i32>} : memref<16640xi32, #tpu.memory_space<vmem>>, vector<16xi32>,
      %add3A_41 = arith.addi %add3A_34, %get3A_40 : vector<16xi32>
      %mul3A_42 = arith.constant 16 : i32
      %mul3A_43 = arith.muli %scan3A_24, %mul3A_42 : i32
      %add3A_44 = arith.constant 3123 : i32
      %add3A_45 = arith.addi %add3A_44, %mul3A_43 : i32
      %get3A_46 = arith.index_cast %add3A_45 : i32 to index
      %get3A_47 = tpu.vector_load %arg5[%get3A_46] {strides = array<i32>} : memref<16640xi32, #tpu.memory_space<vmem>>, vector<16xi32>,
      %add3A_48 = arith.addi %add3A_41, %get3A_47 : vector<16xi32>
      %mul3A_49 = arith.constant 16 : i32
      %mul3A_50 = arith.muli %scan3A_24, %mul3A_49 : i32
      %add3A_51 = arith.constant 4164 : i32
      %add3A_52 = arith.addi %add3A_51, %mul3A_50 : i32
      %get3A_53 = arith.index_cast %add3A_52 : i32 to index
      %get3A_54 = tpu.vector_load %arg5[%get3A_53] {strides = array<i32>} : memref<16640xi32, #tpu.memory_space<vmem>>, vector<16xi32>,
      %add3A_55 = arith.addi %add3A_48, %get3A_54 : vector<16xi32>
      %mul3A_56 = arith.constant 16 : i32
      %mul3A_57 = arith.muli %scan3A_24, %mul3A_56 : i32
      %add3A_58 = arith.constant 5205 : i32
      %add3A_59 = arith.addi %add3A_58, %mul3A_57 : i32
      %get3A_60 = arith.index_cast %add3A_59 : i32 to index
      %get3A_61 = tpu.vector_load %arg5[%get3A_60] {strides = array<i32>} : memref<16640xi32, #tpu.memory_space<vmem>>, vector<16xi32>,
      %add3A_62 = arith.addi %add3A_55, %get3A_61 : vector<16xi32>
      %mul3A_63 = arith.constant 16 : i32
      %mul3A_64 = arith.muli %scan3A_24, %mul3A_63 : i32
      %add3A_65 = arith.constant 6246 : i32
      %add3A_66 = arith.addi %add3A_65, %mul3A_64 : i32
      %get3A_67 = arith.index_cast %add3A_66 : i32 to index
      %get3A_68 = tpu.vector_load %arg5[%get3A_67] {strides = array<i32>} : memref<16640xi32, #tpu.memory_space<vmem>>, vector<16xi32>,
      %add3A_69 = arith.addi %add3A_62, %get3A_68 : vector<16xi32>
      %mul3A_70 = arith.constant 16 : i32
      %mul3A_71 = arith.muli %scan3A_24, %mul3A_70 : i32
      %add3A_72 = arith.constant 7287 : i32
      %add3A_73 = arith.addi %add3A_72, %mul3A_71 : i32
      %get3A_74 = arith.index_cast %add3A_73 : i32 to index
      %get3A_75 = tpu.vector_load %arg5[%get3A_74] {strides = array<i32>} : memref<16640xi32, #tpu.memory_space<vmem>>, vector<16xi32>,
      %add3A_76 = arith.addi %add3A_69, %get3A_75 : vector<16xi32>
      %mul3A_77 = arith.constant 16 : i32
      %mul3A_78 = arith.muli %scan3A_24, %mul3A_77 : i32
      %add3A_79 = arith.constant 8328 : i32
      %add3A_80 = arith.addi %add3A_79, %mul3A_78 : i32
      %get3A_81 = arith.index_cast %add3A_80 : i32 to index
      %get3A_82 = tpu.vector_load %arg5[%get3A_81] {strides = array<i32>} : memref<16640xi32, #tpu.memory_space<vmem>>, vector<16xi32>,
      %add3A_83 = arith.addi %add3A_76, %get3A_82 : vector<16xi32>
      %mul3A_84 = arith.constant 16 : i32
      %mul3A_85 = arith.muli %scan3A_24, %mul3A_84 : i32
      %add3A_86 = arith.constant 9369 : i32
      %add3A_87 = arith.addi %add3A_86, %mul3A_85 : i32
      %get3A_88 = arith.index_cast %add3A_87 : i32 to index
      %get3A_89 = tpu.vector_load %arg5[%get3A_88] {strides = array<i32>} : memref<16640xi32, #tpu.memory_space<vmem>>, vector<16xi32>,
      %add3A_90 = arith.addi %add3A_83, %get3A_89 : vector<16xi32>
      %mul3A_91 = arith.constant 16 : i32
      %mul3A_92 = arith.muli %scan3A_24, %mul3A_91 : i32
      %add3A_93 = arith.constant 10410 : i32
      %add3A_94 = arith.addi %add3A_93, %mul3A_92 : i32
      %get3A_95 = arith.index_cast %add3A_94 : i32 to index
      %get3A_96 = tpu.vector_load %arg5[%get3A_95] {strides = array<i32>} : memref<16640xi32, #tpu.memory_space<vmem>>, vector<16xi32>,
      %add3A_97 = arith.addi %add3A_90, %get3A_96 : vector<16xi32>
      %mul3A_98 = arith.constant 16 : i32
      %mul3A_99 = arith.muli %scan3A_24, %mul3A_98 : i32
      %add3A_100 = arith.constant 11451 : i32
      %add3A_101 = arith.addi %add3A_100, %mul3A_99 : i32
      %get3A_102 = arith.index_cast %add3A_101 : i32 to index
      %get3A_103 = tpu.vector_load %arg5[%get3A_102] {strides = array<i32>} : memref<16640xi32, #tpu.memory_space<vmem>>, vector<16xi32>,
      %add3A_104 = arith.addi %add3A_97, %get3A_103 : vector<16xi32>
      %mul3A_105 = arith.constant 16 : i32
      %mul3A_106 = arith.muli %scan3A_24, %mul3A_105 : i32
      %add3A_107 = arith.constant 12492 : i32
      %add3A_108 = arith.addi %add3A_107, %mul3A_106 : i32
      %get3A_109 = arith.index_cast %add3A_108 : i32 to index
      %get3A_110 = tpu.vector_load %arg5[%get3A_109] {strides = array<i32>} : memref<16640xi32, #tpu.memory_space<vmem>>, vector<16xi32>,
      %add3A_111 = arith.addi %add3A_104, %get3A_110 : vector<16xi32>
      %mul3A_112 = arith.constant 16 : i32
      %mul3A_113 = arith.muli %scan3A_24, %mul3A_112 : i32
      %add3A_114 = arith.constant 13533 : i32
      %add3A_115 = arith.addi %add3A_114, %mul3A_113 : i32
      %get3A_116 = arith.index_cast %add3A_115 : i32 to index
      %get3A_117 = tpu.vector_load %arg5[%get3A_116] {strides = array<i32>} : memref<16640xi32, #tpu.memory_space<vmem>>, vector<16xi32>,
      %add3A_118 = arith.addi %add3A_111, %get3A_117 : vector<16xi32>
      %mul3A_119 = arith.constant 16 : i32
      %mul3A_120 = arith.muli %scan3A_24, %mul3A_119 : i32
      %add3A_121 = arith.constant 14574 : i32
      %add3A_122 = arith.addi %add3A_121, %mul3A_120 : i32
      %get3A_123 = arith.index_cast %add3A_122 : i32 to index
      %get3A_124 = tpu.vector_load %arg5[%get3A_123] {strides = array<i32>} : memref<16640xi32, #tpu.memory_space<vmem>>, vector<16xi32>,
      %add3A_125 = arith.addi %add3A_118, %get3A_124 : vector<16xi32>
      %mul3A_126 = arith.constant 16 : i32
      %mul3A_127 = arith.muli %scan3A_24, %mul3A_126 : i32
      %add3A_128 = arith.constant 15615 : i32
      %add3A_129 = arith.addi %add3A_128, %mul3A_127 : i32
      %get3A_130 = arith.index_cast %add3A_129 : i32 to index
      %get3A_131 = tpu.vector_load %arg5[%get3A_130] {strides = array<i32>} : memref<16640xi32, #tpu.memory_space<vmem>>, vector<16xi32>,
      %add3A_132 = arith.addi %add3A_125, %get3A_131 : vector<16xi32>
      %mul3A_133 = arith.constant 16 : i32
      %mul3A_134 = arith.muli %scan3A_24, %mul3A_133 : i32
      %swap3A = arith.index_cast %mul3A_134 : i32 to index
      %swap3A_135 = tpu.vector_load %arg6[%swap3A] {strides = array<i32>} : memref<1024xi32, #tpu.memory_space<vmem>>, vector<16xi32>,
      tpu.vector_store %arg6[%swap3A], %add3A_132 {strides = array<i32>} : memref<1024xi32, #tpu.memory_space<vmem>>, vector<16xi32>,
    }
    %scan3A_23 = arith.constant 64 : i32
    "tpu.region"() ({
      %run_scoped3A = tpu.sem_alloc : memref<!tpu.dma_semaphore, #tpu.memory_space<semaphore_mem>>
      %dma_start3A = arith.constant 0 : i32
      %dma_start3A_24 = tpu.memref_slice %arg3[%add3A, %dma_start3A] : memref<32x1024xi32, #tpu.memory_space<hbm>> -> memref<1x1024xi32, #tpu.memory_space<hbm>>
      %dma_start3A_25 = tpu.memref_squeeze %dma_start3A_24 : memref<1x1024xi32, #tpu.memory_space<hbm>> -> memref<1024xi32, #tpu.memory_space<hbm>>
      %dma_start3A_26 = arith.constant 0 : i32
      %dma_start3A_27 = tpu.memref_slice %arg3[%add3A, %dma_start3A_26] : memref<32x1024xi32, #tpu.memory_space<hbm>> -> memref<1x1024xi32, #tpu.memory_space<hbm>>
      %dma_start3A_28 = tpu.memref_squeeze %dma_start3A_27 : memref<1x1024xi32, #tpu.memory_space<hbm>> -> memref<1024xi32, #tpu.memory_space<hbm>>
      tpu.enqueue_dma source(%arg6 : memref<1024xi32, #tpu.memory_space<vmem>>) target(%dma_start3A_28 : memref<1024xi32, #tpu.memory_space<hbm>>) target_semaphore(%run_scoped3A : memref<!tpu.dma_semaphore, #tpu.memory_space<semaphore_mem>>)
      %dma_wait3A = arith.constant 0 : i32
      %dma_wait3A_29 = tpu.memref_slice %arg3[%add3A, %dma_wait3A] : memref<32x1024xi32, #tpu.memory_space<hbm>> -> memref<1x1024xi32, #tpu.memory_space<hbm>>
      %dma_wait3A_30 = tpu.memref_squeeze %dma_wait3A_29 : memref<1x1024xi32, #tpu.memory_space<hbm>> -> memref<1024xi32, #tpu.memory_space<hbm>>
      %dma_wait3A_31 = arith.constant 0 : i32
      %dma_wait3A_32 = tpu.memref_slice %arg3[%add3A, %dma_wait3A_31] : memref<32x1024xi32, #tpu.memory_space<hbm>> -> memref<1x1024xi32, #tpu.memory_space<hbm>>
      %dma_wait3A_33 = tpu.memref_squeeze %dma_wait3A_32 : memref<1x1024xi32, #tpu.memory_space<hbm>> -> memref<1024xi32, #tpu.memory_space<hbm>>
      tpu.wait_dma2 semaphore(%run_scoped3A : memref<!tpu.dma_semaphore, #tpu.memory_space<semaphore_mem>>) src(%arg6 : memref<1024xi32, #tpu.memory_space<vmem>>) dst(%dma_wait3A_33 : memref<1024xi32, #tpu.memory_space<hbm>>)
      tpu.yield
    }) : () -> ()
    return
  }
}

#map = affine_map<(d0, d1) -> (0, 0)>
module attributes {stable_mosaic.version = 14 : i64} {
  func.func @_sc_pass_a(%arg0: i32, %arg1: i32, %arg2: memref<32x32768xi32, #tpu.memory_space<hbm>>, %arg3: memref<32x1024xi32, #tpu.memory_space<hbm>>, %arg4: memref<32768xi32, #tpu.memory_space<vmem>>, %arg5: memref<16640xi32, #tpu.memory_space<vmem>>, %arg6: memref<1024xi32, #tpu.memory_space<vmem>>) attributes {dimension_semantics = [#tpu.dimension_semantics<core_parallel>, #tpu.dimension_semantics<subcore_parallel>], iteration_bounds = array<i64: 2, 16>, scalar_prefetch = 0 : i64, scratch_operands = 3 : i64, tpu.core_type = #tpu.core_type<sc_vector_subcore>, window_params = [{transform_indices = #map}, {transform_indices = #map}]} {
    %mul3A = arith.constant 2 : i32
    %mul3A_0 = arith.muli %arg1, %mul3A : i32
    %add3A = arith.addi %mul3A_0, %arg0 : i32
    "tpu.region"() ({
      %run_scoped3A = tpu.sem_alloc : memref<!tpu.dma_semaphore, #tpu.memory_space<semaphore_mem>>
      %dma_start3A = arith.constant 0 : i32
      %dma_start3A_24 = tpu.memref_slice %arg2[%add3A, %dma_start3A] : memref<32x32768xi32, #tpu.memory_space<hbm>> -> memref<1x32768xi32, #tpu.memory_space<hbm>>
      %dma_start3A_25 = tpu.memref_squeeze %dma_start3A_24 : memref<1x32768xi32, #tpu.memory_space<hbm>> -> memref<32768xi32, #tpu.memory_space<hbm>>
      %dma_start3A_26 = arith.constant 0 : i32
      %dma_start3A_27 = tpu.memref_slice %arg2[%add3A, %dma_start3A_26] : memref<32x32768xi32, #tpu.memory_space<hbm>> -> memref<1x32768xi32, #tpu.memory_space<hbm>>
      %dma_start3A_28 = tpu.memref_squeeze %dma_start3A_27 : memref<1x32768xi32, #tpu.memory_space<hbm>> -> memref<32768xi32, #tpu.memory_space<hbm>>
      tpu.enqueue_dma source(%dma_start3A_28 : memref<32768xi32, #tpu.memory_space<hbm>>) target(%arg4 : memref<32768xi32, #tpu.memory_space<vmem>>) target_semaphore(%run_scoped3A : memref<!tpu.dma_semaphore, #tpu.memory_space<semaphore_mem>>)
      %dma_wait3A = arith.constant 0 : i32
      %dma_wait3A_29 = tpu.memref_slice %arg2[%add3A, %dma_wait3A] : memref<32x32768xi32, #tpu.memory_space<hbm>> -> memref<1x32768xi32, #tpu.memory_space<hbm>>
      %dma_wait3A_30 = tpu.memref_squeeze %dma_wait3A_29 : memref<1x32768xi32, #tpu.memory_space<hbm>> -> memref<32768xi32, #tpu.memory_space<hbm>>
      %dma_wait3A_31 = arith.constant 0 : i32
      %dma_wait3A_32 = tpu.memref_slice %arg2[%add3A, %dma_wait3A_31] : memref<32x32768xi32, #tpu.memory_space<hbm>> -> memref<1x32768xi32, #tpu.memory_space<hbm>>
      %dma_wait3A_33 = tpu.memref_squeeze %dma_wait3A_32 : memref<1x32768xi32, #tpu.memory_space<hbm>> -> memref<32768xi32, #tpu.memory_space<hbm>>
      tpu.wait_dma2 semaphore(%run_scoped3A : memref<!tpu.dma_semaphore, #tpu.memory_space<semaphore_mem>>) src(%dma_wait3A_33 : memref<32768xi32, #tpu.memory_space<hbm>>) dst(%arg4 : memref<32768xi32, #tpu.memory_space<vmem>>)
      tpu.yield
    }) : () -> ()
    %broadcast_in_dim3A = arith.constant 0 : i32
    %broadcast_in_dim3A_1 = vector.broadcast %broadcast_in_dim3A : i32 to vector<16xi32>
    %scan3A = arith.constant 0 : i32
    %scan3A_2 = arith.constant 0 : i32
    %scan3A_3 = arith.constant 130 : i32
    %scan3A_4 = arith.addi %scan3A_2, %scan3A_3 : i32
    %scan3A_5 = arith.constant 1 : i32
    scf.for %scan3A_24 = %scan3A_2 to %scan3A_4 step %scan3A_5  : i32 {
      %mul3A_25 = arith.constant 8 : i32
      %mul3A_26 = arith.muli %scan3A_24, %mul3A_25 : i32
      %add3A_27 = arith.constant 0 : i32
      %add3A_28 = arith.addi %mul3A_26, %add3A_27 : i32
      %mul3A_29 = arith.constant 16 : i32
      %mul3A_30 = arith.muli %add3A_28, %mul3A_29 : i32
      %swap3A = arith.index_cast %mul3A_30 : i32 to index
      %swap3A_31 = tpu.vector_load %arg5[%swap3A] {strides = array<i32>} : memref<16640xi32, #tpu.memory_space<vmem>>, vector<16xi32>,
      tpu.vector_store %arg5[%swap3A], %broadcast_in_dim3A_1 {strides = array<i32>} : memref<16640xi32, #tpu.memory_space<vmem>>, vector<16xi32>,
      %mul3A_32 = arith.constant 8 : i32
      %mul3A_33 = arith.muli %scan3A_24, %mul3A_32 : i32
      %add3A_34 = arith.constant 1 : i32
      %add3A_35 = arith.addi %mul3A_33, %add3A_34 : i32
      %mul3A_36 = arith.constant 16 : i32
      %mul3A_37 = arith.muli %add3A_35, %mul3A_36 : i32
      %swap3A_38 = arith.index_cast %mul3A_37 : i32 to index
      %swap3A_39 = tpu.vector_load %arg5[%swap3A_38] {strides = array<i32>} : memref<16640xi32, #tpu.memory_space<vmem>>, vector<16xi32>,
      tpu.vector_store %arg5[%swap3A_38], %broadcast_in_dim3A_1 {strides = array<i32>} : memref<16640xi32, #tpu.memory_space<vmem>>, vector<16xi32>,
      %mul3A_40 = arith.constant 8 : i32
      %mul3A_41 = arith.muli %scan3A_24, %mul3A_40 : i32
      %add3A_42 = arith.constant 2 : i32
      %add3A_43 = arith.addi %mul3A_41, %add3A_42 : i32
      %mul3A_44 = arith.constant 16 : i32
      %mul3A_45 = arith.muli %add3A_43, %mul3A_44 : i32
      %swap3A_46 = arith.index_cast %mul3A_45 : i32 to index
      %swap3A_47 = tpu.vector_load %arg5[%swap3A_46] {strides = array<i32>} : memref<16640xi32, #tpu.memory_space<vmem>>, vector<16xi32>,
      tpu.vector_store %arg5[%swap3A_46], %broadcast_in_dim3A_1 {strides = array<i32>} : memref<16640xi32, #tpu.memory_space<vmem>>, vector<16xi32>,
      %mul3A_48 = arith.constant 8 : i32
      %mul3A_49 = arith.muli %scan3A_24, %mul3A_48 : i32
      %add3A_50 = arith.constant 3 : i32
      %add3A_51 = arith.addi %mul3A_49, %add3A_50 : i32
      %mul3A_52 = arith.constant 16 : i32
      %mul3A_53 = arith.muli %add3A_51, %mul3A_52 : i32
      %swap3A_54 = arith.index_cast %mul3A_53 : i32 to index
      %swap3A_55 = tpu.vector_load %arg5[%swap3A_54] {strides = array<i32>} : memref<16640xi32, #tpu.memory_space<vmem>>, vector<16xi32>,
      tpu.vector_store %arg5[%swap3A_54], %broadcast_in_dim3A_1 {strides = array<i32>} : memref<16640xi32, #tpu.memory_space<vmem>>, vector<16xi32>,
      %mul3A_56 = arith.constant 8 : i32
      %mul3A_57 = arith.muli %scan3A_24, %mul3A_56 : i32
      %add3A_58 = arith.constant 4 : i32
      %add3A_59 = arith.addi %mul3A_57, %add3A_58 : i32
      %mul3A_60 = arith.constant 16 : i32
      %mul3A_61 = arith.muli %add3A_59, %mul3A_60 : i32
      %swap3A_62 = arith.index_cast %mul3A_61 : i32 to index
      %swap3A_63 = tpu.vector_load %arg5[%swap3A_62] {strides = array<i32>} : memref<16640xi32, #tpu.memory_space<vmem>>, vector<16xi32>,
      tpu.vector_store %arg5[%swap3A_62], %broadcast_in_dim3A_1 {strides = array<i32>} : memref<16640xi32, #tpu.memory_space<vmem>>, vector<16xi32>,
      %mul3A_64 = arith.constant 8 : i32
      %mul3A_65 = arith.muli %scan3A_24, %mul3A_64 : i32
      %add3A_66 = arith.constant 5 : i32
      %add3A_67 = arith.addi %mul3A_65, %add3A_66 : i32
      %mul3A_68 = arith.constant 16 : i32
      %mul3A_69 = arith.muli %add3A_67, %mul3A_68 : i32
      %swap3A_70 = arith.index_cast %mul3A_69 : i32 to index
      %swap3A_71 = tpu.vector_load %arg5[%swap3A_70] {strides = array<i32>} : memref<16640xi32, #tpu.memory_space<vmem>>, vector<16xi32>,
      tpu.vector_store %arg5[%swap3A_70], %broadcast_in_dim3A_1 {strides = array<i32>} : memref<16640xi32, #tpu.memory_space<vmem>>, vector<16xi32>,
      %mul3A_72 = arith.constant 8 : i32
      %mul3A_73 = arith.muli %scan3A_24, %mul3A_72 : i32
      %add3A_74 = arith.constant 6 : i32
      %add3A_75 = arith.addi %mul3A_73, %add3A_74 : i32
      %mul3A_76 = arith.constant 16 : i32
      %mul3A_77 = arith.muli %add3A_75, %mul3A_76 : i32
      %swap3A_78 = arith.index_cast %mul3A_77 : i32 to index
      %swap3A_79 = tpu.vector_load %arg5[%swap3A_78] {strides = array<i32>} : memref<16640xi32, #tpu.memory_space<vmem>>, vector<16xi32>,
      tpu.vector_store %arg5[%swap3A_78], %broadcast_in_dim3A_1 {strides = array<i32>} : memref<16640xi32, #tpu.memory_space<vmem>>, vector<16xi32>,
      %mul3A_80 = arith.constant 8 : i32
      %mul3A_81 = arith.muli %scan3A_24, %mul3A_80 : i32
      %add3A_82 = arith.constant 7 : i32
      %add3A_83 = arith.addi %mul3A_81, %add3A_82 : i32
      %mul3A_84 = arith.constant 16 : i32
      %mul3A_85 = arith.muli %add3A_83, %mul3A_84 : i32
      %swap3A_86 = arith.index_cast %mul3A_85 : i32 to index
      %swap3A_87 = tpu.vector_load %arg5[%swap3A_86] {strides = array<i32>} : memref<16640xi32, #tpu.memory_space<vmem>>, vector<16xi32>,
      tpu.vector_store %arg5[%swap3A_86], %broadcast_in_dim3A_1 {strides = array<i32>} : memref<16640xi32, #tpu.memory_space<vmem>>, vector<16xi32>,
    }
    %scan3A_6 = arith.constant 130 : i32
    %iota3A = tpu.iota {dimensions = array<i32: 0>} : vector<16xi32>
    %broadcast_in_dim3A_7 = arith.constant 1 : i32
    %broadcast_in_dim3A_8 = vector.broadcast %broadcast_in_dim3A_7 : i32 to vector<16xi32>
    %mul3A_9 = arith.constant 1041 : i32
    %mul3A_10 = vector.broadcast %mul3A_9 : i32 to vector<16xi32>
    %mul3A_11 = arith.muli %iota3A, %mul3A_10 : vector<16xi32>
    %scan3A_12 = arith.constant 0 : i32
    %scan3A_13 = arith.constant 0 : i32
    %scan3A_14 = arith.constant 256 : i32
    %scan3A_15 = arith.addi %scan3A_13, %scan3A_14 : i32
    %scan3A_16 = arith.constant 1 : i32
    scf.for %scan3A_24 = %scan3A_13 to %scan3A_15 step %scan3A_16  : i32 {
      %mul3A_25 = arith.constant 8 : i32
      %mul3A_26 = arith.muli %scan3A_24, %mul3A_25 : i32
      %add3A_27 = arith.constant 0 : i32
      %add3A_28 = arith.addi %mul3A_26, %add3A_27 : i32
      %mul3A_29 = arith.constant 16 : i32
      %mul3A_30 = arith.muli %add3A_28, %mul3A_29 : i32
      %get3A = arith.index_cast %mul3A_30 : i32 to index
      %get3A_31 = tpu.vector_load %arg4[%get3A] {strides = array<i32>} : memref<32768xi32, #tpu.memory_space<vmem>>, vector<16xi32>,
      %shift_right_arithmetic3A = arith.constant 21 : i32
      %shift_right_arithmetic3A_32 = vector.broadcast %shift_right_arithmetic3A : i32 to vector<16xi32>
      %shift_right_arithmetic3A_33 = arith.shrsi %get3A_31, %shift_right_arithmetic3A_32 : vector<16xi32>
      %add3A_34 = arith.addi %mul3A_11, %shift_right_arithmetic3A_33 : vector<16xi32>
      tpu.vector_store_idx %arg5[%add3A_34], %broadcast_in_dim3A_8 {add = true} : memref<16640xi32, #tpu.memory_space<vmem>>[vector<16xi32>], vector<16xi32>,
      %mul3A_35 = arith.constant 8 : i32
      %mul3A_36 = arith.muli %scan3A_24, %mul3A_35 : i32
      %add3A_37 = arith.constant 1 : i32
      %add3A_38 = arith.addi %mul3A_36, %add3A_37 : i32
      %mul3A_39 = arith.constant 16 : i32
      %mul3A_40 = arith.muli %add3A_38, %mul3A_39 : i32
      %get3A_41 = arith.index_cast %mul3A_40 : i32 to index
      %get3A_42 = tpu.vector_load %arg4[%get3A_41] {strides = array<i32>} : memref<32768xi32, #tpu.memory_space<vmem>>, vector<16xi32>,
      %shift_right_arithmetic3A_43 = arith.constant 21 : i32
      %shift_right_arithmetic3A_44 = vector.broadcast %shift_right_arithmetic3A_43 : i32 to vector<16xi32>
      %shift_right_arithmetic3A_45 = arith.shrsi %get3A_42, %shift_right_arithmetic3A_44 : vector<16xi32>
      %add3A_46 = arith.addi %mul3A_11, %shift_right_arithmetic3A_45 : vector<16xi32>
      tpu.vector_store_idx %arg5[%add3A_46], %broadcast_in_dim3A_8 {add = true} : memref<16640xi32, #tpu.memory_space<vmem>>[vector<16xi32>], vector<16xi32>,
      %mul3A_47 = arith.constant 8 : i32
      %mul3A_48 = arith.muli %scan3A_24, %mul3A_47 : i32
      %add3A_49 = arith.constant 2 : i32
      %add3A_50 = arith.addi %mul3A_48, %add3A_49 : i32
      %mul3A_51 = arith.constant 16 : i32
      %mul3A_52 = arith.muli %add3A_50, %mul3A_51 : i32
      %get3A_53 = arith.index_cast %mul3A_52 : i32 to index
      %get3A_54 = tpu.vector_load %arg4[%get3A_53] {strides = array<i32>} : memref<32768xi32, #tpu.memory_space<vmem>>, vector<16xi32>,
      %shift_right_arithmetic3A_55 = arith.constant 21 : i32
      %shift_right_arithmetic3A_56 = vector.broadcast %shift_right_arithmetic3A_55 : i32 to vector<16xi32>
      %shift_right_arithmetic3A_57 = arith.shrsi %get3A_54, %shift_right_arithmetic3A_56 : vector<16xi32>
      %add3A_58 = arith.addi %mul3A_11, %shift_right_arithmetic3A_57 : vector<16xi32>
      tpu.vector_store_idx %arg5[%add3A_58], %broadcast_in_dim3A_8 {add = true} : memref<16640xi32, #tpu.memory_space<vmem>>[vector<16xi32>], vector<16xi32>,
      %mul3A_59 = arith.constant 8 : i32
      %mul3A_60 = arith.muli %scan3A_24, %mul3A_59 : i32
      %add3A_61 = arith.constant 3 : i32
      %add3A_62 = arith.addi %mul3A_60, %add3A_61 : i32
      %mul3A_63 = arith.constant 16 : i32
      %mul3A_64 = arith.muli %add3A_62, %mul3A_63 : i32
      %get3A_65 = arith.index_cast %mul3A_64 : i32 to index
      %get3A_66 = tpu.vector_load %arg4[%get3A_65] {strides = array<i32>} : memref<32768xi32, #tpu.memory_space<vmem>>, vector<16xi32>,
      %shift_right_arithmetic3A_67 = arith.constant 21 : i32
      %shift_right_arithmetic3A_68 = vector.broadcast %shift_right_arithmetic3A_67 : i32 to vector<16xi32>
      %shift_right_arithmetic3A_69 = arith.shrsi %get3A_66, %shift_right_arithmetic3A_68 : vector<16xi32>
      %add3A_70 = arith.addi %mul3A_11, %shift_right_arithmetic3A_69 : vector<16xi32>
      tpu.vector_store_idx %arg5[%add3A_70], %broadcast_in_dim3A_8 {add = true} : memref<16640xi32, #tpu.memory_space<vmem>>[vector<16xi32>], vector<16xi32>,
      %mul3A_71 = arith.constant 8 : i32
      %mul3A_72 = arith.muli %scan3A_24, %mul3A_71 : i32
      %add3A_73 = arith.constant 4 : i32
      %add3A_74 = arith.addi %mul3A_72, %add3A_73 : i32
      %mul3A_75 = arith.constant 16 : i32
      %mul3A_76 = arith.muli %add3A_74, %mul3A_75 : i32
      %get3A_77 = arith.index_cast %mul3A_76 : i32 to index
      %get3A_78 = tpu.vector_load %arg4[%get3A_77] {strides = array<i32>} : memref<32768xi32, #tpu.memory_space<vmem>>, vector<16xi32>,
      %shift_right_arithmetic3A_79 = arith.constant 21 : i32
      %shift_right_arithmetic3A_80 = vector.broadcast %shift_right_arithmetic3A_79 : i32 to vector<16xi32>
      %shift_right_arithmetic3A_81 = arith.shrsi %get3A_78, %shift_right_arithmetic3A_80 : vector<16xi32>
      %add3A_82 = arith.addi %mul3A_11, %shift_right_arithmetic3A_81 : vector<16xi32>
      tpu.vector_store_idx %arg5[%add3A_82], %broadcast_in_dim3A_8 {add = true} : memref<16640xi32, #tpu.memory_space<vmem>>[vector<16xi32>], vector<16xi32>,
      %mul3A_83 = arith.constant 8 : i32
      %mul3A_84 = arith.muli %scan3A_24, %mul3A_83 : i32
      %add3A_85 = arith.constant 5 : i32
      %add3A_86 = arith.addi %mul3A_84, %add3A_85 : i32
      %mul3A_87 = arith.constant 16 : i32
      %mul3A_88 = arith.muli %add3A_86, %mul3A_87 : i32
      %get3A_89 = arith.index_cast %mul3A_88 : i32 to index
      %get3A_90 = tpu.vector_load %arg4[%get3A_89] {strides = array<i32>} : memref<32768xi32, #tpu.memory_space<vmem>>, vector<16xi32>,
      %shift_right_arithmetic3A_91 = arith.constant 21 : i32
      %shift_right_arithmetic3A_92 = vector.broadcast %shift_right_arithmetic3A_91 : i32 to vector<16xi32>
      %shift_right_arithmetic3A_93 = arith.shrsi %get3A_90, %shift_right_arithmetic3A_92 : vector<16xi32>
      %add3A_94 = arith.addi %mul3A_11, %shift_right_arithmetic3A_93 : vector<16xi32>
      tpu.vector_store_idx %arg5[%add3A_94], %broadcast_in_dim3A_8 {add = true} : memref<16640xi32, #tpu.memory_space<vmem>>[vector<16xi32>], vector<16xi32>,
      %mul3A_95 = arith.constant 8 : i32
      %mul3A_96 = arith.muli %scan3A_24, %mul3A_95 : i32
      %add3A_97 = arith.constant 6 : i32
      %add3A_98 = arith.addi %mul3A_96, %add3A_97 : i32
      %mul3A_99 = arith.constant 16 : i32
      %mul3A_100 = arith.muli %add3A_98, %mul3A_99 : i32
      %get3A_101 = arith.index_cast %mul3A_100 : i32 to index
      %get3A_102 = tpu.vector_load %arg4[%get3A_101] {strides = array<i32>} : memref<32768xi32, #tpu.memory_space<vmem>>, vector<16xi32>,
      %shift_right_arithmetic3A_103 = arith.constant 21 : i32
      %shift_right_arithmetic3A_104 = vector.broadcast %shift_right_arithmetic3A_103 : i32 to vector<16xi32>
      %shift_right_arithmetic3A_105 = arith.shrsi %get3A_102, %shift_right_arithmetic3A_104 : vector<16xi32>
      %add3A_106 = arith.addi %mul3A_11, %shift_right_arithmetic3A_105 : vector<16xi32>
      tpu.vector_store_idx %arg5[%add3A_106], %broadcast_in_dim3A_8 {add = true} : memref<16640xi32, #tpu.memory_space<vmem>>[vector<16xi32>], vector<16xi32>,
      %mul3A_107 = arith.constant 8 : i32
      %mul3A_108 = arith.muli %scan3A_24, %mul3A_107 : i32
      %add3A_109 = arith.constant 7 : i32
      %add3A_110 = arith.addi %mul3A_108, %add3A_109 : i32
      %mul3A_111 = arith.constant 16 : i32
      %mul3A_112 = arith.muli %add3A_110, %mul3A_111 : i32
      %get3A_113 = arith.index_cast %mul3A_112 : i32 to index
      %get3A_114 = tpu.vector_load %arg4[%get3A_113] {strides = array<i32>} : memref<32768xi32, #tpu.memory_space<vmem>>, vector<16xi32>,
      %shift_right_arithmetic3A_115 = arith.constant 21 : i32
      %shift_right_arithmetic3A_116 = vector.broadcast %shift_right_arithmetic3A_115 : i32 to vector<16xi32>
      %shift_right_arithmetic3A_117 = arith.shrsi %get3A_114, %shift_right_arithmetic3A_116 : vector<16xi32>
      %add3A_118 = arith.addi %mul3A_11, %shift_right_arithmetic3A_117 : vector<16xi32>
      tpu.vector_store_idx %arg5[%add3A_118], %broadcast_in_dim3A_8 {add = true} : memref<16640xi32, #tpu.memory_space<vmem>>[vector<16xi32>], vector<16xi32>,
    }
    %scan3A_17 = arith.constant 256 : i32
    %scan3A_18 = arith.constant 0 : i32
    %scan3A_19 = arith.constant 0 : i32
    %scan3A_20 = arith.constant 64 : i32
    %scan3A_21 = arith.addi %scan3A_19, %scan3A_20 : i32
    %scan3A_22 = arith.constant 1 : i32
    scf.for %scan3A_24 = %scan3A_19 to %scan3A_21 step %scan3A_22  : i32 {
      %mul3A_25 = arith.constant 16 : i32
      %mul3A_26 = arith.muli %scan3A_24, %mul3A_25 : i32
      %get3A = arith.index_cast %mul3A_26 : i32 to index
      %get3A_27 = tpu.vector_load %arg5[%get3A] {strides = array<i32>} : memref<16640xi32, #tpu.memory_space<vmem>>, vector<16xi32>,
      %mul3A_28 = arith.constant 16 : i32
      %mul3A_29 = arith.muli %scan3A_24, %mul3A_28 : i32
      %add3A_30 = arith.constant 1041 : i32
      %add3A_31 = arith.addi %add3A_30, %mul3A_29 : i32
      %get3A_32 = arith.index_cast %add3A_31 : i32 to index
      %get3A_33 = tpu.vector_load %arg5[%get3A_32] {strides = array<i32>} : memref<16640xi32, #tpu.memory_space<vmem>>, vector<16xi32>,
      %add3A_34 = arith.addi %get3A_27, %get3A_33 : vector<16xi32>
      %mul3A_35 = arith.constant 16 : i32
      %mul3A_36 = arith.muli %scan3A_24, %mul3A_35 : i32
      %add3A_37 = arith.constant 2082 : i32
      %add3A_38 = arith.addi %add3A_37, %mul3A_36 : i32
      %get3A_39 = arith.index_cast %add3A_38 : i32 to index
      %get3A_40 = tpu.vector_load %arg5[%get3A_39] {strides = array<i32>} : memref<16640xi32, #tpu.memory_space<vmem>>, vector<16xi32>,
      %add3A_41 = arith.addi %add3A_34, %get3A_40 : vector<16xi32>
      %mul3A_42 = arith.constant 16 : i32
      %mul3A_43 = arith.muli %scan3A_24, %mul3A_42 : i32
      %add3A_44 = arith.constant 3123 : i32
      %add3A_45 = arith.addi %add3A_44, %mul3A_43 : i32
      %get3A_46 = arith.index_cast %add3A_45 : i32 to index
      %get3A_47 = tpu.vector_load %arg5[%get3A_46] {strides = array<i32>} : memref<16640xi32, #tpu.memory_space<vmem>>, vector<16xi32>,
      %add3A_48 = arith.addi %add3A_41, %get3A_47 : vector<16xi32>
      %mul3A_49 = arith.constant 16 : i32
      %mul3A_50 = arith.muli %scan3A_24, %mul3A_49 : i32
      %add3A_51 = arith.constant 4164 : i32
      %add3A_52 = arith.addi %add3A_51, %mul3A_50 : i32
      %get3A_53 = arith.index_cast %add3A_52 : i32 to index
      %get3A_54 = tpu.vector_load %arg5[%get3A_53] {strides = array<i32>} : memref<16640xi32, #tpu.memory_space<vmem>>, vector<16xi32>,
      %add3A_55 = arith.addi %add3A_48, %get3A_54 : vector<16xi32>
      %mul3A_56 = arith.constant 16 : i32
      %mul3A_57 = arith.muli %scan3A_24, %mul3A_56 : i32
      %add3A_58 = arith.constant 5205 : i32
      %add3A_59 = arith.addi %add3A_58, %mul3A_57 : i32
      %get3A_60 = arith.index_cast %add3A_59 : i32 to index
      %get3A_61 = tpu.vector_load %arg5[%get3A_60] {strides = array<i32>} : memref<16640xi32, #tpu.memory_space<vmem>>, vector<16xi32>,
      %add3A_62 = arith.addi %add3A_55, %get3A_61 : vector<16xi32>
      %mul3A_63 = arith.constant 16 : i32
      %mul3A_64 = arith.muli %scan3A_24, %mul3A_63 : i32
      %add3A_65 = arith.constant 6246 : i32
      %add3A_66 = arith.addi %add3A_65, %mul3A_64 : i32
      %get3A_67 = arith.index_cast %add3A_66 : i32 to index
      %get3A_68 = tpu.vector_load %arg5[%get3A_67] {strides = array<i32>} : memref<16640xi32, #tpu.memory_space<vmem>>, vector<16xi32>,
      %add3A_69 = arith.addi %add3A_62, %get3A_68 : vector<16xi32>
      %mul3A_70 = arith.constant 16 : i32
      %mul3A_71 = arith.muli %scan3A_24, %mul3A_70 : i32
      %add3A_72 = arith.constant 7287 : i32
      %add3A_73 = arith.addi %add3A_72, %mul3A_71 : i32
      %get3A_74 = arith.index_cast %add3A_73 : i32 to index
      %get3A_75 = tpu.vector_load %arg5[%get3A_74] {strides = array<i32>} : memref<16640xi32, #tpu.memory_space<vmem>>, vector<16xi32>,
      %add3A_76 = arith.addi %add3A_69, %get3A_75 : vector<16xi32>
      %mul3A_77 = arith.constant 16 : i32
      %mul3A_78 = arith.muli %scan3A_24, %mul3A_77 : i32
      %add3A_79 = arith.constant 8328 : i32
      %add3A_80 = arith.addi %add3A_79, %mul3A_78 : i32
      %get3A_81 = arith.index_cast %add3A_80 : i32 to index
      %get3A_82 = tpu.vector_load %arg5[%get3A_81] {strides = array<i32>} : memref<16640xi32, #tpu.memory_space<vmem>>, vector<16xi32>,
      %add3A_83 = arith.addi %add3A_76, %get3A_82 : vector<16xi32>
      %mul3A_84 = arith.constant 16 : i32
      %mul3A_85 = arith.muli %scan3A_24, %mul3A_84 : i32
      %add3A_86 = arith.constant 9369 : i32
      %add3A_87 = arith.addi %add3A_86, %mul3A_85 : i32
      %get3A_88 = arith.index_cast %add3A_87 : i32 to index
      %get3A_89 = tpu.vector_load %arg5[%get3A_88] {strides = array<i32>} : memref<16640xi32, #tpu.memory_space<vmem>>, vector<16xi32>,
      %add3A_90 = arith.addi %add3A_83, %get3A_89 : vector<16xi32>
      %mul3A_91 = arith.constant 16 : i32
      %mul3A_92 = arith.muli %scan3A_24, %mul3A_91 : i32
      %add3A_93 = arith.constant 10410 : i32
      %add3A_94 = arith.addi %add3A_93, %mul3A_92 : i32
      %get3A_95 = arith.index_cast %add3A_94 : i32 to index
      %get3A_96 = tpu.vector_load %arg5[%get3A_95] {strides = array<i32>} : memref<16640xi32, #tpu.memory_space<vmem>>, vector<16xi32>,
      %add3A_97 = arith.addi %add3A_90, %get3A_96 : vector<16xi32>
      %mul3A_98 = arith.constant 16 : i32
      %mul3A_99 = arith.muli %scan3A_24, %mul3A_98 : i32
      %add3A_100 = arith.constant 11451 : i32
      %add3A_101 = arith.addi %add3A_100, %mul3A_99 : i32
      %get3A_102 = arith.index_cast %add3A_101 : i32 to index
      %get3A_103 = tpu.vector_load %arg5[%get3A_102] {strides = array<i32>} : memref<16640xi32, #tpu.memory_space<vmem>>, vector<16xi32>,
      %add3A_104 = arith.addi %add3A_97, %get3A_103 : vector<16xi32>
      %mul3A_105 = arith.constant 16 : i32
      %mul3A_106 = arith.muli %scan3A_24, %mul3A_105 : i32
      %add3A_107 = arith.constant 12492 : i32
      %add3A_108 = arith.addi %add3A_107, %mul3A_106 : i32
      %get3A_109 = arith.index_cast %add3A_108 : i32 to index
      %get3A_110 = tpu.vector_load %arg5[%get3A_109] {strides = array<i32>} : memref<16640xi32, #tpu.memory_space<vmem>>, vector<16xi32>,
      %add3A_111 = arith.addi %add3A_104, %get3A_110 : vector<16xi32>
      %mul3A_112 = arith.constant 16 : i32
      %mul3A_113 = arith.muli %scan3A_24, %mul3A_112 : i32
      %add3A_114 = arith.constant 13533 : i32
      %add3A_115 = arith.addi %add3A_114, %mul3A_113 : i32
      %get3A_116 = arith.index_cast %add3A_115 : i32 to index
      %get3A_117 = tpu.vector_load %arg5[%get3A_116] {strides = array<i32>} : memref<16640xi32, #tpu.memory_space<vmem>>, vector<16xi32>,
      %add3A_118 = arith.addi %add3A_111, %get3A_117 : vector<16xi32>
      %mul3A_119 = arith.constant 16 : i32
      %mul3A_120 = arith.muli %scan3A_24, %mul3A_119 : i32
      %add3A_121 = arith.constant 14574 : i32
      %add3A_122 = arith.addi %add3A_121, %mul3A_120 : i32
      %get3A_123 = arith.index_cast %add3A_122 : i32 to index
      %get3A_124 = tpu.vector_load %arg5[%get3A_123] {strides = array<i32>} : memref<16640xi32, #tpu.memory_space<vmem>>, vector<16xi32>,
      %add3A_125 = arith.addi %add3A_118, %get3A_124 : vector<16xi32>
      %mul3A_126 = arith.constant 16 : i32
      %mul3A_127 = arith.muli %scan3A_24, %mul3A_126 : i32
      %add3A_128 = arith.constant 15615 : i32
      %add3A_129 = arith.addi %add3A_128, %mul3A_127 : i32
      %get3A_130 = arith.index_cast %add3A_129 : i32 to index
      %get3A_131 = tpu.vector_load %arg5[%get3A_130] {strides = array<i32>} : memref<16640xi32, #tpu.memory_space<vmem>>, vector<16xi32>,
      %add3A_132 = arith.addi %add3A_125, %get3A_131 : vector<16xi32>
      %mul3A_133 = arith.constant 16 : i32
      %mul3A_134 = arith.muli %scan3A_24, %mul3A_133 : i32
      %swap3A = arith.index_cast %mul3A_134 : i32 to index
      %swap3A_135 = tpu.vector_load %arg6[%swap3A] {strides = array<i32>} : memref<1024xi32, #tpu.memory_space<vmem>>, vector<16xi32>,
      tpu.vector_store %arg6[%swap3A], %add3A_132 {strides = array<i32>} : memref<1024xi32, #tpu.memory_space<vmem>>, vector<16xi32>,
    }
    %scan3A_23 = arith.constant 64 : i32
    "tpu.region"() ({
      %run_scoped3A = tpu.sem_alloc : memref<!tpu.dma_semaphore, #tpu.memory_space<semaphore_mem>>
      %dma_start3A = arith.constant 0 : i32
      %dma_start3A_24 = tpu.memref_slice %arg3[%add3A, %dma_start3A] : memref<32x1024xi32, #tpu.memory_space<hbm>> -> memref<1x1024xi32, #tpu.memory_space<hbm>>
      %dma_start3A_25 = tpu.memref_squeeze %dma_start3A_24 : memref<1x1024xi32, #tpu.memory_space<hbm>> -> memref<1024xi32, #tpu.memory_space<hbm>>
      %dma_start3A_26 = arith.constant 0 : i32
      %dma_start3A_27 = tpu.memref_slice %arg3[%add3A, %dma_start3A_26] : memref<32x1024xi32, #tpu.memory_space<hbm>> -> memref<1x1024xi32, #tpu.memory_space<hbm>>
      %dma_start3A_28 = tpu.memref_squeeze %dma_start3A_27 : memref<1x1024xi32, #tpu.memory_space<hbm>> -> memref<1024xi32, #tpu.memory_space<hbm>>
      tpu.enqueue_dma source(%arg6 : memref<1024xi32, #tpu.memory_space<vmem>>) target(%dma_start3A_28 : memref<1024xi32, #tpu.memory_space<hbm>>) target_semaphore(%run_scoped3A : memref<!tpu.dma_semaphore, #tpu.memory_space<semaphore_mem>>)
      %dma_wait3A = arith.constant 0 : i32
      %dma_wait3A_29 = tpu.memref_slice %arg3[%add3A, %dma_wait3A] : memref<32x1024xi32, #tpu.memory_space<hbm>> -> memref<1x1024xi32, #tpu.memory_space<hbm>>
      %dma_wait3A_30 = tpu.memref_squeeze %dma_wait3A_29 : memref<1x1024xi32, #tpu.memory_space<hbm>> -> memref<1024xi32, #tpu.memory_space<hbm>>
      %dma_wait3A_31 = arith.constant 0 : i32
      %dma_wait3A_32 = tpu.memref_slice %arg3[%add3A, %dma_wait3A_31] : memref<32x1024xi32, #tpu.memory_space<hbm>> -> memref<1x1024xi32, #tpu.memory_space<hbm>>
      %dma_wait3A_33 = tpu.memref_squeeze %dma_wait3A_32 : memref<1x1024xi32, #tpu.memory_space<hbm>> -> memref<1024xi32, #tpu.memory_space<hbm>>
      tpu.wait_dma2 semaphore(%run_scoped3A : memref<!tpu.dma_semaphore, #tpu.memory_space<semaphore_mem>>) src(%arg6 : memref<1024xi32, #tpu.memory_space<vmem>>) dst(%dma_wait3A_33 : memref<1024xi32, #tpu.memory_space<hbm>>)
      tpu.yield
    }) : () -> ()
    return
  }
}

#map = affine_map<(d0, d1) -> (0, 0)>
#map1 = affine_map<(d0, d1) -> (0)>
module attributes {stable_mosaic.version = 14 : i64} {
  func.func @_sc_pass_b(%arg0: i32, %arg1: i32, %arg2: memref<32x65536xi32, #tpu.memory_space<hbm>>, %arg3: memref<64x1024xi32, #tpu.memory_space<hbm>>, %arg4: memref<32x2048xi32, #tpu.memory_space<hbm>>, %arg5: memref<16xi32, #tpu.memory_space<hbm>>, %arg6: memref<64x1024xi32, #tpu.memory_space<vmem>>, %arg7: memref<16384xi32, #tpu.memory_space<vmem>>, %arg8: memref<33024xi32, #tpu.memory_space<vmem>>, %arg9: memref<2048xi32, #tpu.memory_space<vmem>>, %arg10: memref<16xi32, #tpu.memory_space<vmem>>) attributes {dimension_semantics = [#tpu.dimension_semantics<core_parallel>, #tpu.dimension_semantics<subcore_parallel>], iteration_bounds = array<i64: 2, 16>, scalar_prefetch = 0 : i64, scratch_operands = 5 : i64, tpu.core_type = #tpu.core_type<sc_vector_subcore>, window_params = [{transform_indices = #map}, {transform_indices = #map}, {transform_indices = #map}, {transform_indices = #map1}]} {
    %mul3A = arith.constant 2 : i32
    %mul3A_0 = arith.muli %arg1, %mul3A : i32
    %add3A = arith.addi %mul3A_0, %arg0 : i32
    "tpu.region"() ({
      %run_scoped3A = tpu.sem_alloc : memref<!tpu.dma_semaphore, #tpu.memory_space<semaphore_mem>>
      tpu.enqueue_dma source(%arg3 : memref<64x1024xi32, #tpu.memory_space<hbm>>) target(%arg6 : memref<64x1024xi32, #tpu.memory_space<vmem>>) target_semaphore(%run_scoped3A : memref<!tpu.dma_semaphore, #tpu.memory_space<semaphore_mem>>)
      tpu.wait_dma2 semaphore(%run_scoped3A : memref<!tpu.dma_semaphore, #tpu.memory_space<semaphore_mem>>) src(%arg3 : memref<64x1024xi32, #tpu.memory_space<hbm>>) dst(%arg6 : memref<64x1024xi32, #tpu.memory_space<vmem>>)
      tpu.yield
    }) : () -> ()
    %scan3A = arith.constant 1468006 : i32
    %scan3A_1 = arith.constant false
    %scan3A_2 = arith.constant 0 : i32
    %scan3A_3 = arith.constant 1 : i32
    %scan3A_4 = arith.constant 0 : i32
    %scan3A_5 = arith.constant 0 : i32
    %scan3A_6 = arith.constant 64 : i32
    %scan3A_7 = arith.addi %scan3A_5, %scan3A_6 : i32
    %scan3A_8 = arith.constant 1 : i32
    %scan3A_9:4 = scf.for %scan3A_37 = %scan3A_5 to %scan3A_7 step %scan3A_8 iter_args(%scan3A_38 = %scan3A_1, %scan3A_39 = %scan3A_2, %scan3A_40 = %scan3A_3, %scan3A_41 = %scan3A_4) -> (i1, i32, i32, i32)  : i32 {
      %sub3A = arith.constant 63 : i32
      %sub3A_42 = arith.subi %sub3A, %scan3A_37 : i32
      %mul3A_43 = arith.constant 16 : i32
      %mul3A_44 = arith.muli %sub3A_42, %mul3A_43 : i32
      %get3A = arith.constant 0 : i32
      %get3A_45 = arith.index_cast %get3A : i32 to index
      %get3A_46 = arith.index_cast %mul3A_44 : i32 to index
      %get3A_47 = tpu.vector_load %arg6[%get3A_45, %get3A_46] {strides = array<i32>} : memref<64x1024xi32, #tpu.memory_space<vmem>>, vector<16xi32>,
      %mul3A_48 = arith.constant 16 : i32
      %mul3A_49 = arith.muli %sub3A_42, %mul3A_48 : i32
      %get3A_50 = arith.constant 1 : i32
      %get3A_51 = arith.index_cast %get3A_50 : i32 to index
      %get3A_52 = arith.index_cast %mul3A_49 : i32 to index
      %get3A_53 = tpu.vector_load %arg6[%get3A_51, %get3A_52] {strides = array<i32>} : memref<64x1024xi32, #tpu.memory_space<vmem>>, vector<16xi32>,
      %add3A_54 = arith.addi %get3A_47, %get3A_53 : vector<16xi32>
      %mul3A_55 = arith.constant 16 : i32
      %mul3A_56 = arith.muli %sub3A_42, %mul3A_55 : i32
      %get3A_57 = arith.constant 2 : i32
      %get3A_58 = arith.index_cast %get3A_57 : i32 to index
      %get3A_59 = arith.index_cast %mul3A_56 : i32 to index
      %get3A_60 = tpu.vector_load %arg6[%get3A_58, %get3A_59] {strides = array<i32>} : memref<64x1024xi32, #tpu.memory_space<vmem>>, vector<16xi32>,
      %add3A_61 = arith.addi %add3A_54, %get3A_60 : vector<16xi32>
      %mul3A_62 = arith.constant 16 : i32
      %mul3A_63 = arith.muli %sub3A_42, %mul3A_62 : i32
      %get3A_64 = arith.constant 3 : i32
      %get3A_65 = arith.index_cast %get3A_64 : i32 to index
      %get3A_66 = arith.index_cast %mul3A_63 : i32 to index
      %get3A_67 = tpu.vector_load %arg6[%get3A_65, %get3A_66] {strides = array<i32>} : memref<64x1024xi32, #tpu.memory_space<vmem>>, vector<16xi32>,
      %add3A_68 = arith.addi %add3A_61, %get3A_67 : vector<16xi32>
      %mul3A_69 = arith.constant 16 : i32
      %mul3A_70 = arith.muli %sub3A_42, %mul3A_69 : i32
      %get3A_71 = arith.constant 4 : i32
      %get3A_72 = arith.index_cast %get3A_71 : i32 to index
      %get3A_73 = arith.index_cast %mul3A_70 : i32 to index
      %get3A_74 = tpu.vector_load %arg6[%get3A_72, %get3A_73] {strides = array<i32>} : memref<64x1024xi32, #tpu.memory_space<vmem>>, vector<16xi32>,
      %add3A_75 = arith.addi %add3A_68, %get3A_74 : vector<16xi32>
      %mul3A_76 = arith.constant 16 : i32
      %mul3A_77 = arith.muli %sub3A_42, %mul3A_76 : i32
      %get3A_78 = arith.constant 5 : i32
      %get3A_79 = arith.index_cast %get3A_78 : i32 to index
      %get3A_80 = arith.index_cast %mul3A_77 : i32 to index
      %get3A_81 = tpu.vector_load %arg6[%get3A_79, %get3A_80] {strides = array<i32>} : memref<64x1024xi32, #tpu.memory_space<vmem>>, vector<16xi32>,
      %add3A_82 = arith.addi %add3A_75, %get3A_81 : vector<16xi32>
      %mul3A_83 = arith.constant 16 : i32
      %mul3A_84 = arith.muli %sub3A_42, %mul3A_83 : i32
      %get3A_85 = arith.constant 6 : i32
      %get3A_86 = arith.index_cast %get3A_85 : i32 to index
      %get3A_87 = arith.index_cast %mul3A_84 : i32 to index
      %get3A_88 = tpu.vector_load %arg6[%get3A_86, %get3A_87] {strides = array<i32>} : memref<64x1024xi32, #tpu.memory_space<vmem>>, vector<16xi32>,
      %add3A_89 = arith.addi %add3A_82, %get3A_88 : vector<16xi32>
      %mul3A_90 = arith.constant 16 : i32
      %mul3A_91 = arith.muli %sub3A_42, %mul3A_90 : i32
      %get3A_92 = arith.constant 7 : i32
      %get3A_93 = arith.index_cast %get3A_92 : i32 to index
      %get3A_94 = arith.index_cast %mul3A_91 : i32 to index
      %get3A_95 = tpu.vector_load %arg6[%get3A_93, %get3A_94] {strides = array<i32>} : memref<64x1024xi32, #tpu.memory_space<vmem>>, vector<16xi32>,
      %add3A_96 = arith.addi %add3A_89, %get3A_95 : vector<16xi32>
      %mul3A_97 = arith.constant 16 : i32
      %mul3A_98 = arith.muli %sub3A_42, %mul3A_97 : i32
      %get3A_99 = arith.constant 8 : i32
      %get3A_100 = arith.index_cast %get3A_99 : i32 to index
      %get3A_101 = arith.index_cast %mul3A_98 : i32 to index
      %get3A_102 = tpu.vector_load %arg6[%get3A_100, %get3A_101] {strides = array<i32>} : memref<64x1024xi32, #tpu.memory_space<vmem>>, vector<16xi32>,
      %add3A_103 = arith.addi %add3A_96, %get3A_102 : vector<16xi32>
      %mul3A_104 = arith.constant 16 : i32
      %mul3A_105 = arith.muli %sub3A_42, %mul3A_104 : i32
      %get3A_106 = arith.constant 9 : i32
      %get3A_107 = arith.index_cast %get3A_106 : i32 to index
      %get3A_108 = arith.index_cast %mul3A_105 : i32 to index
      %get3A_109 = tpu.vector_load %arg6[%get3A_107, %get3A_108] {strides = array<i32>} : memref<64x1024xi32, #tpu.memory_space<vmem>>, vector<16xi32>,
      %add3A_110 = arith.addi %add3A_103, %get3A_109 : vector<16xi32>
      %mul3A_111 = arith.constant 16 : i32
      %mul3A_112 = arith.muli %sub3A_42, %mul3A_111 : i32
      %get3A_113 = arith.constant 10 : i32
      %get3A_114 = arith.index_cast %get3A_113 : i32 to index
      %get3A_115 = arith.index_cast %mul3A_112 : i32 to index
      %get3A_116 = tpu.vector_load %arg6[%get3A_114, %get3A_115] {strides = array<i32>} : memref<64x1024xi32, #tpu.memory_space<vmem>>, vector<16xi32>,
      %add3A_117 = arith.addi %add3A_110, %get3A_116 : vector<16xi32>
      %mul3A_118 = arith.constant 16 : i32
      %mul3A_119 = arith.muli %sub3A_42, %mul3A_118 : i32
      %get3A_120 = arith.constant 11 : i32
      %get3A_121 = arith.index_cast %get3A_120 : i32 to index
      %get3A_122 = arith.index_cast %mul3A_119 : i32 to index
      %get3A_123 = tpu.vector_load %arg6[%get3A_121, %get3A_122] {strides = array<i32>} : memref<64x1024xi32, #tpu.memory_space<vmem>>, vector<16xi32>,
      %add3A_124 = arith.addi %add3A_117, %get3A_123 : vector<16xi32>
      %mul3A_125 = arith.constant 16 : i32
      %mul3A_126 = arith.muli %sub3A_42, %mul3A_125 : i32
      %get3A_127 = arith.constant 12 : i32
      %get3A_128 = arith.index_cast %get3A_127 : i32 to index
      %get3A_129 = arith.index_cast %mul3A_126 : i32 to index
      %get3A_130 = tpu.vector_load %arg6[%get3A_128, %get3A_129] {strides = array<i32>} : memref<64x1024xi32, #tpu.memory_space<vmem>>, vector<16xi32>,
      %add3A_131 = arith.addi %add3A_124, %get3A_130 : vector<16xi32>
      %mul3A_132 = arith.constant 16 : i32
      %mul3A_133 = arith.muli %sub3A_42, %mul3A_132 : i32
      %get3A_134 = arith.constant 13 : i32
      %get3A_135 = arith.index_cast %get3A_134 : i32 to index
      %get3A_136 = arith.index_cast %mul3A_133 : i32 to index
      %get3A_137 = tpu.vector_load %arg6[%get3A_135, %get3A_136] {strides = array<i32>} : memref<64x1024xi32, #tpu.memory_space<vmem>>, vector<16xi32>,
      %add3A_138 = arith.addi %add3A_131, %get3A_137 : vector<16xi32>
      %mul3A_139 = arith.constant 16 : i32
      %mul3A_140 = arith.muli %sub3A_42, %mul3A_139 : i32
      %get3A_141 = arith.constant 14 : i32
      %get3A_142 = arith.index_cast %get3A_141 : i32 to index
      %get3A_143 = arith.index_cast %mul3A_140 : i32 to index
      %get3A_144 = tpu.vector_load %arg6[%get3A_142, %get3A_143] {strides = array<i32>} : memref<64x1024xi32, #tpu.memory_space<vmem>>, vector<16xi32>,
      %add3A_145 = arith.addi %add3A_138, %get3A_144 : vector<16xi32>
      %mul3A_146 = arith.constant 16 : i32
      %mul3A_147 = arith.muli %sub3A_42, %mul3A_146 : i32
      %get3A_148 = arith.constant 15 : i32
      %get3A_149 = arith.index_cast %get3A_148 : i32 to index
      %get3A_150 = arith.index_cast %mul3A_147 : i32 to index
      %get3A_151 = tpu.vector_load %arg6[%get3A_149, %get3A_150] {strides = array<i32>} : memref<64x1024xi32, #tpu.memory_space<vmem>>, vector<16xi32>,
      %add3A_152 = arith.addi %add3A_145, %get3A_151 : vector<16xi32>
      %mul3A_153 = arith.constant 16 : i32
      %mul3A_154 = arith.muli %sub3A_42, %mul3A_153 : i32
      %get3A_155 = arith.constant 16 : i32
      %get3A_156 = arith.index_cast %get3A_155 : i32 to index
      %get3A_157 = arith.index_cast %mul3A_154 : i32 to index
      %get3A_158 = tpu.vector_load %arg6[%get3A_156, %get3A_157] {strides = array<i32>} : memref<64x1024xi32, #tpu.memory_space<vmem>>, vector<16xi32>,
      %add3A_159 = arith.addi %add3A_152, %get3A_158 : vector<16xi32>
      %mul3A_160 = arith.constant 16 : i32
      %mul3A_161 = arith.muli %sub3A_42, %mul3A_160 : i32
      %get3A_162 = arith.constant 17 : i32
      %get3A_163 = arith.index_cast %get3A_162 : i32 to index
      %get3A_164 = arith.index_cast %mul3A_161 : i32 to index
      %get3A_165 = tpu.vector_load %arg6[%get3A_163, %get3A_164] {strides = array<i32>} : memref<64x1024xi32, #tpu.memory_space<vmem>>, vector<16xi32>,
      %add3A_166 = arith.addi %add3A_159, %get3A_165 : vector<16xi32>
      %mul3A_167 = arith.constant 16 : i32
      %mul3A_168 = arith.muli %sub3A_42, %mul3A_167 : i32
      %get3A_169 = arith.constant 18 : i32
      %get3A_170 = arith.index_cast %get3A_169 : i32 to index
      %get3A_171 = arith.index_cast %mul3A_168 : i32 to index
      %get3A_172 = tpu.vector_load %arg6[%get3A_170, %get3A_171] {strides = array<i32>} : memref<64x1024xi32, #tpu.memory_space<vmem>>, vector<16xi32>,
      %add3A_173 = arith.addi %add3A_166, %get3A_172 : vector<16xi32>
      %mul3A_174 = arith.constant 16 : i32
      %mul3A_175 = arith.muli %sub3A_42, %mul3A_174 : i32
      %get3A_176 = arith.constant 19 : i32
      %get3A_177 = arith.index_cast %get3A_176 : i32 to index
      %get3A_178 = arith.index_cast %mul3A_175 : i32 to index
      %get3A_179 = tpu.vector_load %arg6[%get3A_177, %get3A_178] {strides = array<i32>} : memref<64x1024xi32, #tpu.memory_space<vmem>>, vector<16xi32>,
      %add3A_180 = arith.addi %add3A_173, %get3A_179 : vector<16xi32>
      %mul3A_181 = arith.constant 16 : i32
      %mul3A_182 = arith.muli %sub3A_42, %mul3A_181 : i32
      %get3A_183 = arith.constant 20 : i32
      %get3A_184 = arith.index_cast %get3A_183 : i32 to index
      %get3A_185 = arith.index_cast %mul3A_182 : i32 to index
      %get3A_186 = tpu.vector_load %arg6[%get3A_184, %get3A_185] {strides = array<i32>} : memref<64x1024xi32, #tpu.memory_space<vmem>>, vector<16xi32>,
      %add3A_187 = arith.addi %add3A_180, %get3A_186 : vector<16xi32>
      %mul3A_188 = arith.constant 16 : i32
      %mul3A_189 = arith.muli %sub3A_42, %mul3A_188 : i32
      %get3A_190 = arith.constant 21 : i32
      %get3A_191 = arith.index_cast %get3A_190 : i32 to index
      %get3A_192 = arith.index_cast %mul3A_189 : i32 to index
      %get3A_193 = tpu.vector_load %arg6[%get3A_191, %get3A_192] {strides = array<i32>} : memref<64x1024xi32, #tpu.memory_space<vmem>>, vector<16xi32>,
      %add3A_194 = arith.addi %add3A_187, %get3A_193 : vector<16xi32>
      %mul3A_195 = arith.constant 16 : i32
      %mul3A_196 = arith.muli %sub3A_42, %mul3A_195 : i32
      %get3A_197 = arith.constant 22 : i32
      %get3A_198 = arith.index_cast %get3A_197 : i32 to index
      %get3A_199 = arith.index_cast %mul3A_196 : i32 to index
      %get3A_200 = tpu.vector_load %arg6[%get3A_198, %get3A_199] {strides = array<i32>} : memref<64x1024xi32, #tpu.memory_space<vmem>>, vector<16xi32>,
      %add3A_201 = arith.addi %add3A_194, %get3A_200 : vector<16xi32>
      %mul3A_202 = arith.constant 16 : i32
      %mul3A_203 = arith.muli %sub3A_42, %mul3A_202 : i32
      %get3A_204 = arith.constant 23 : i32
      %get3A_205 = arith.index_cast %get3A_204 : i32 to index
      %get3A_206 = arith.index_cast %mul3A_203 : i32 to index
      %get3A_207 = tpu.vector_load %arg6[%get3A_205, %get3A_206] {strides = array<i32>} : memref<64x1024xi32, #tpu.memory_space<vmem>>, vector<16xi32>,
      %add3A_208 = arith.addi %add3A_201, %get3A_207 : vector<16xi32>
      %mul3A_209 = arith.constant 16 : i32
      %mul3A_210 = arith.muli %sub3A_42, %mul3A_209 : i32
      %get3A_211 = arith.constant 24 : i32
      %get3A_212 = arith.index_cast %get3A_211 : i32 to index
      %get3A_213 = arith.index_cast %mul3A_210 : i32 to index
      %get3A_214 = tpu.vector_load %arg6[%get3A_212, %get3A_213] {strides = array<i32>} : memref<64x1024xi32, #tpu.memory_space<vmem>>, vector<16xi32>,
      %add3A_215 = arith.addi %add3A_208, %get3A_214 : vector<16xi32>
      %mul3A_216 = arith.constant 16 : i32
      %mul3A_217 = arith.muli %sub3A_42, %mul3A_216 : i32
      %get3A_218 = arith.constant 25 : i32
      %get3A_219 = arith.index_cast %get3A_218 : i32 to index
      %get3A_220 = arith.index_cast %mul3A_217 : i32 to index
      %get3A_221 = tpu.vector_load %arg6[%get3A_219, %get3A_220] {strides = array<i32>} : memref<64x1024xi32, #tpu.memory_space<vmem>>, vector<16xi32>,
      %add3A_222 = arith.addi %add3A_215, %get3A_221 : vector<16xi32>
      %mul3A_223 = arith.constant 16 : i32
      %mul3A_224 = arith.muli %sub3A_42, %mul3A_223 : i32
      %get3A_225 = arith.constant 26 : i32
      %get3A_226 = arith.index_cast %get3A_225 : i32 to index
      %get3A_227 = arith.index_cast %mul3A_224 : i32 to index
      %get3A_228 = tpu.vector_load %arg6[%get3A_226, %get3A_227] {strides = array<i32>} : memref<64x1024xi32, #tpu.memory_space<vmem>>, vector<16xi32>,
      %add3A_229 = arith.addi %add3A_222, %get3A_228 : vector<16xi32>
      %mul3A_230 = arith.constant 16 : i32
      %mul3A_231 = arith.muli %sub3A_42, %mul3A_230 : i32
      %get3A_232 = arith.constant 27 : i32
      %get3A_233 = arith.index_cast %get3A_232 : i32 to index
      %get3A_234 = arith.index_cast %mul3A_231 : i32 to index
      %get3A_235 = tpu.vector_load %arg6[%get3A_233, %get3A_234] {strides = array<i32>} : memref<64x1024xi32, #tpu.memory_space<vmem>>, vector<16xi32>,
      %add3A_236 = arith.addi %add3A_229, %get3A_235 : vector<16xi32>
      %mul3A_237 = arith.constant 16 : i32
      %mul3A_238 = arith.muli %sub3A_42, %mul3A_237 : i32
      %get3A_239 = arith.constant 28 : i32
      %get3A_240 = arith.index_cast %get3A_239 : i32 to index
      %get3A_241 = arith.index_cast %mul3A_238 : i32 to index
      %get3A_242 = tpu.vector_load %arg6[%get3A_240, %get3A_241] {strides = array<i32>} : memref<64x1024xi32, #tpu.memory_space<vmem>>, vector<16xi32>,
      %add3A_243 = arith.addi %add3A_236, %get3A_242 : vector<16xi32>
      %mul3A_244 = arith.constant 16 : i32
      %mul3A_245 = arith.muli %sub3A_42, %mul3A_244 : i32
      %get3A_246 = arith.constant 29 : i32
      %get3A_247 = arith.index_cast %get3A_246 : i32 to index
      %get3A_248 = arith.index_cast %mul3A_245 : i32 to index
      %get3A_249 = tpu.vector_load %arg6[%get3A_247, %get3A_248] {strides = array<i32>} : memref<64x1024xi32, #tpu.memory_space<vmem>>, vector<16xi32>,
      %add3A_250 = arith.addi %add3A_243, %get3A_249 : vector<16xi32>
      %mul3A_251 = arith.constant 16 : i32
      %mul3A_252 = arith.muli %sub3A_42, %mul3A_251 : i32
      %get3A_253 = arith.constant 30 : i32
      %get3A_254 = arith.index_cast %get3A_253 : i32 to index
      %get3A_255 = arith.index_cast %mul3A_252 : i32 to index
      %get3A_256 = tpu.vector_load %arg6[%get3A_254, %get3A_255] {strides = array<i32>} : memref<64x1024xi32, #tpu.memory_space<vmem>>, vector<16xi32>,
      %add3A_257 = arith.addi %add3A_250, %get3A_256 : vector<16xi32>
      %mul3A_258 = arith.constant 16 : i32
      %mul3A_259 = arith.muli %sub3A_42, %mul3A_258 : i32
      %get3A_260 = arith.constant 31 : i32
      %get3A_261 = arith.index_cast %get3A_260 : i32 to index
      %get3A_262 = arith.index_cast %mul3A_259 : i32 to index
      %get3A_263 = tpu.vector_load %arg6[%get3A_261, %get3A_262] {strides = array<i32>} : memref<64x1024xi32, #tpu.memory_space<vmem>>, vector<16xi32>,
      %add3A_264 = arith.addi %add3A_257, %get3A_263 : vector<16xi32>
      %mul3A_265 = arith.constant 16 : i32
      %mul3A_266 = arith.muli %sub3A_42, %mul3A_265 : i32
      %get3A_267 = arith.constant 32 : i32
      %get3A_268 = arith.index_cast %get3A_267 : i32 to index
      %get3A_269 = arith.index_cast %mul3A_266 : i32 to index
      %get3A_270 = tpu.vector_load %arg6[%get3A_268, %get3A_269] {strides = array<i32>} : memref<64x1024xi32, #tpu.memory_space<vmem>>, vector<16xi32>,
      %add3A_271 = arith.addi %add3A_264, %get3A_270 : vector<16xi32>
      %mul3A_272 = arith.constant 16 : i32
      %mul3A_273 = arith.muli %sub3A_42, %mul3A_272 : i32
      %get3A_274 = arith.constant 33 : i32
      %get3A_275 = arith.index_cast %get3A_274 : i32 to index
      %get3A_276 = arith.index_cast %mul3A_273 : i32 to index
      %get3A_277 = tpu.vector_load %arg6[%get3A_275, %get3A_276] {strides = array<i32>} : memref<64x1024xi32, #tpu.memory_space<vmem>>, vector<16xi32>,
      %add3A_278 = arith.addi %add3A_271, %get3A_277 : vector<16xi32>
      %mul3A_279 = arith.constant 16 : i32
      %mul3A_280 = arith.muli %sub3A_42, %mul3A_279 : i32
      %get3A_281 = arith.constant 34 : i32
      %get3A_282 = arith.index_cast %get3A_281 : i32 to index
      %get3A_283 = arith.index_cast %mul3A_280 : i32 to index
      %get3A_284 = tpu.vector_load %arg6[%get3A_282, %get3A_283] {strides = array<i32>} : memref<64x1024xi32, #tpu.memory_space<vmem>>, vector<16xi32>,
      %add3A_285 = arith.addi %add3A_278, %get3A_284 : vector<16xi32>
      %mul3A_286 = arith.constant 16 : i32
      %mul3A_287 = arith.muli %sub3A_42, %mul3A_286 : i32
      %get3A_288 = arith.constant 35 : i32
      %get3A_289 = arith.index_cast %get3A_288 : i32 to index
      %get3A_290 = arith.index_cast %mul3A_287 : i32 to index
      %get3A_291 = tpu.vector_load %arg6[%get3A_289, %get3A_290] {strides = array<i32>} : memref<64x1024xi32, #tpu.memory_space<vmem>>, vector<16xi32>,
      %add3A_292 = arith.addi %add3A_285, %get3A_291 : vector<16xi32>
      %mul3A_293 = arith.constant 16 : i32
      %mul3A_294 = arith.muli %sub3A_42, %mul3A_293 : i32
      %get3A_295 = arith.constant 36 : i32
      %get3A_296 = arith.index_cast %get3A_295 : i32 to index
      %get3A_297 = arith.index_cast %mul3A_294 : i32 to index
      %get3A_298 = tpu.vector_load %arg6[%get3A_296, %get3A_297] {strides = array<i32>} : memref<64x1024xi32, #tpu.memory_space<vmem>>, vector<16xi32>,
      %add3A_299 = arith.addi %add3A_292, %get3A_298 : vector<16xi32>
      %mul3A_300 = arith.constant 16 : i32
      %mul3A_301 = arith.muli %sub3A_42, %mul3A_300 : i32
      %get3A_302 = arith.constant 37 : i32
      %get3A_303 = arith.index_cast %get3A_302 : i32 to index
      %get3A_304 = arith.index_cast %mul3A_301 : i32 to index
      %get3A_305 = tpu.vector_load %arg6[%get3A_303, %get3A_304] {strides = array<i32>} : memref<64x1024xi32, #tpu.memory_space<vmem>>, vector<16xi32>,
      %add3A_306 = arith.addi %add3A_299, %get3A_305 : vector<16xi32>
      %mul3A_307 = arith.constant 16 : i32
      %mul3A_308 = arith.muli %sub3A_42, %mul3A_307 : i32
      %get3A_309 = arith.constant 38 : i32
      %get3A_310 = arith.index_cast %get3A_309 : i32 to index
      %get3A_311 = arith.index_cast %mul3A_308 : i32 to index
      %get3A_312 = tpu.vector_load %arg6[%get3A_310, %get3A_311] {strides = array<i32>} : memref<64x1024xi32, #tpu.memory_space<vmem>>, vector<16xi32>,
      %add3A_313 = arith.addi %add3A_306, %get3A_312 : vector<16xi32>
      %mul3A_314 = arith.constant 16 : i32
      %mul3A_315 = arith.muli %sub3A_42, %mul3A_314 : i32
      %get3A_316 = arith.constant 39 : i32
      %get3A_317 = arith.index_cast %get3A_316 : i32 to index
      %get3A_318 = arith.index_cast %mul3A_315 : i32 to index
      %get3A_319 = tpu.vector_load %arg6[%get3A_317, %get3A_318] {strides = array<i32>} : memref<64x1024xi32, #tpu.memory_space<vmem>>, vector<16xi32>,
      %add3A_320 = arith.addi %add3A_313, %get3A_319 : vector<16xi32>
      %mul3A_321 = arith.constant 16 : i32
      %mul3A_322 = arith.muli %sub3A_42, %mul3A_321 : i32
      %get3A_323 = arith.constant 40 : i32
      %get3A_324 = arith.index_cast %get3A_323 : i32 to index
      %get3A_325 = arith.index_cast %mul3A_322 : i32 to index
      %get3A_326 = tpu.vector_load %arg6[%get3A_324, %get3A_325] {strides = array<i32>} : memref<64x1024xi32, #tpu.memory_space<vmem>>, vector<16xi32>,
      %add3A_327 = arith.addi %add3A_320, %get3A_326 : vector<16xi32>
      %mul3A_328 = arith.constant 16 : i32
      %mul3A_329 = arith.muli %sub3A_42, %mul3A_328 : i32
      %get3A_330 = arith.constant 41 : i32
      %get3A_331 = arith.index_cast %get3A_330 : i32 to index
      %get3A_332 = arith.index_cast %mul3A_329 : i32 to index
      %get3A_333 = tpu.vector_load %arg6[%get3A_331, %get3A_332] {strides = array<i32>} : memref<64x1024xi32, #tpu.memory_space<vmem>>, vector<16xi32>,
      %add3A_334 = arith.addi %add3A_327, %get3A_333 : vector<16xi32>
      %mul3A_335 = arith.constant 16 : i32
      %mul3A_336 = arith.muli %sub3A_42, %mul3A_335 : i32
      %get3A_337 = arith.constant 42 : i32
      %get3A_338 = arith.index_cast %get3A_337 : i32 to index
      %get3A_339 = arith.index_cast %mul3A_336 : i32 to index
      %get3A_340 = tpu.vector_load %arg6[%get3A_338, %get3A_339] {strides = array<i32>} : memref<64x1024xi32, #tpu.memory_space<vmem>>, vector<16xi32>,
      %add3A_341 = arith.addi %add3A_334, %get3A_340 : vector<16xi32>
      %mul3A_342 = arith.constant 16 : i32
      %mul3A_343 = arith.muli %sub3A_42, %mul3A_342 : i32
      %get3A_344 = arith.constant 43 : i32
      %get3A_345 = arith.index_cast %get3A_344 : i32 to index
      %get3A_346 = arith.index_cast %mul3A_343 : i32 to index
      %get3A_347 = tpu.vector_load %arg6[%get3A_345, %get3A_346] {strides = array<i32>} : memref<64x1024xi32, #tpu.memory_space<vmem>>, vector<16xi32>,
      %add3A_348 = arith.addi %add3A_341, %get3A_347 : vector<16xi32>
      %mul3A_349 = arith.constant 16 : i32
      %mul3A_350 = arith.muli %sub3A_42, %mul3A_349 : i32
      %get3A_351 = arith.constant 44 : i32
      %get3A_352 = arith.index_cast %get3A_351 : i32 to index
      %get3A_353 = arith.index_cast %mul3A_350 : i32 to index
      %get3A_354 = tpu.vector_load %arg6[%get3A_352, %get3A_353] {strides = array<i32>} : memref<64x1024xi32, #tpu.memory_space<vmem>>, vector<16xi32>,
      %add3A_355 = arith.addi %add3A_348, %get3A_354 : vector<16xi32>
      %mul3A_356 = arith.constant 16 : i32
      %mul3A_357 = arith.muli %sub3A_42, %mul3A_356 : i32
      %get3A_358 = arith.constant 45 : i32
      %get3A_359 = arith.index_cast %get3A_358 : i32 to index
      %get3A_360 = arith.index_cast %mul3A_357 : i32 to index
      %get3A_361 = tpu.vector_load %arg6[%get3A_359, %get3A_360] {strides = array<i32>} : memref<64x1024xi32, #tpu.memory_space<vmem>>, vector<16xi32>,
      %add3A_362 = arith.addi %add3A_355, %get3A_361 : vector<16xi32>
      %mul3A_363 = arith.constant 16 : i32
      %mul3A_364 = arith.muli %sub3A_42, %mul3A_363 : i32
      %get3A_365 = arith.constant 46 : i32
      %get3A_366 = arith.index_cast %get3A_365 : i32 to index
      %get3A_367 = arith.index_cast %mul3A_364 : i32 to index
      %get3A_368 = tpu.vector_load %arg6[%get3A_366, %get3A_367] {strides = array<i32>} : memref<64x1024xi32, #tpu.memory_space<vmem>>, vector<16xi32>,
      %add3A_369 = arith.addi %add3A_362, %get3A_368 : vector<16xi32>
      %mul3A_370 = arith.constant 16 : i32
      %mul3A_371 = arith.muli %sub3A_42, %mul3A_370 : i32
      %get3A_372 = arith.constant 47 : i32
      %get3A_373 = arith.index_cast %get3A_372 : i32 to index
      %get3A_374 = arith.index_cast %mul3A_371 : i32 to index
      %get3A_375 = tpu.vector_load %arg6[%get3A_373, %get3A_374] {strides = array<i32>} : memref<64x1024xi32, #tpu.memory_space<vmem>>, vector<16xi32>,
      %add3A_376 = arith.addi %add3A_369, %get3A_375 : vector<16xi32>
      %mul3A_377 = arith.constant 16 : i32
      %mul3A_378 = arith.muli %sub3A_42, %mul3A_377 : i32
      %get3A_379 = arith.constant 48 : i32
      %get3A_380 = arith.index_cast %get3A_379 : i32 to index
      %get3A_381 = arith.index_cast %mul3A_378 : i32 to index
      %get3A_382 = tpu.vector_load %arg6[%get3A_380, %get3A_381] {strides = array<i32>} : memref<64x1024xi32, #tpu.memory_space<vmem>>, vector<16xi32>,
      %add3A_383 = arith.addi %add3A_376, %get3A_382 : vector<16xi32>
      %mul3A_384 = arith.constant 16 : i32
      %mul3A_385 = arith.muli %sub3A_42, %mul3A_384 : i32
      %get3A_386 = arith.constant 49 : i32
      %get3A_387 = arith.index_cast %get3A_386 : i32 to index
      %get3A_388 = arith.index_cast %mul3A_385 : i32 to index
      %get3A_389 = tpu.vector_load %arg6[%get3A_387, %get3A_388] {strides = array<i32>} : memref<64x1024xi32, #tpu.memory_space<vmem>>, vector<16xi32>,
      %add3A_390 = arith.addi %add3A_383, %get3A_389 : vector<16xi32>
      %mul3A_391 = arith.constant 16 : i32
      %mul3A_392 = arith.muli %sub3A_42, %mul3A_391 : i32
      %get3A_393 = arith.constant 50 : i32
      %get3A_394 = arith.index_cast %get3A_393 : i32 to index
      %get3A_395 = arith.index_cast %mul3A_392 : i32 to index
      %get3A_396 = tpu.vector_load %arg6[%get3A_394, %get3A_395] {strides = array<i32>} : memref<64x1024xi32, #tpu.memory_space<vmem>>, vector<16xi32>,
      %add3A_397 = arith.addi %add3A_390, %get3A_396 : vector<16xi32>
      %mul3A_398 = arith.constant 16 : i32
      %mul3A_399 = arith.muli %sub3A_42, %mul3A_398 : i32
      %get3A_400 = arith.constant 51 : i32
      %get3A_401 = arith.index_cast %get3A_400 : i32 to index
      %get3A_402 = arith.index_cast %mul3A_399 : i32 to index
      %get3A_403 = tpu.vector_load %arg6[%get3A_401, %get3A_402] {strides = array<i32>} : memref<64x1024xi32, #tpu.memory_space<vmem>>, vector<16xi32>,
      %add3A_404 = arith.addi %add3A_397, %get3A_403 : vector<16xi32>
      %mul3A_405 = arith.constant 16 : i32
      %mul3A_406 = arith.muli %sub3A_42, %mul3A_405 : i32
      %get3A_407 = arith.constant 52 : i32
      %get3A_408 = arith.index_cast %get3A_407 : i32 to index
      %get3A_409 = arith.index_cast %mul3A_406 : i32 to index
      %get3A_410 = tpu.vector_load %arg6[%get3A_408, %get3A_409] {strides = array<i32>} : memref<64x1024xi32, #tpu.memory_space<vmem>>, vector<16xi32>,
      %add3A_411 = arith.addi %add3A_404, %get3A_410 : vector<16xi32>
      %mul3A_412 = arith.constant 16 : i32
      %mul3A_413 = arith.muli %sub3A_42, %mul3A_412 : i32
      %get3A_414 = arith.constant 53 : i32
      %get3A_415 = arith.index_cast %get3A_414 : i32 to index
      %get3A_416 = arith.index_cast %mul3A_413 : i32 to index
      %get3A_417 = tpu.vector_load %arg6[%get3A_415, %get3A_416] {strides = array<i32>} : memref<64x1024xi32, #tpu.memory_space<vmem>>, vector<16xi32>,
      %add3A_418 = arith.addi %add3A_411, %get3A_417 : vector<16xi32>
      %mul3A_419 = arith.constant 16 : i32
      %mul3A_420 = arith.muli %sub3A_42, %mul3A_419 : i32
      %get3A_421 = arith.constant 54 : i32
      %get3A_422 = arith.index_cast %get3A_421 : i32 to index
      %get3A_423 = arith.index_cast %mul3A_420 : i32 to index
      %get3A_424 = tpu.vector_load %arg6[%get3A_422, %get3A_423] {strides = array<i32>} : memref<64x1024xi32, #tpu.memory_space<vmem>>, vector<16xi32>,
      %add3A_425 = arith.addi %add3A_418, %get3A_424 : vector<16xi32>
      %mul3A_426 = arith.constant 16 : i32
      %mul3A_427 = arith.muli %sub3A_42, %mul3A_426 : i32
      %get3A_428 = arith.constant 55 : i32
      %get3A_429 = arith.index_cast %get3A_428 : i32 to index
      %get3A_430 = arith.index_cast %mul3A_427 : i32 to index
      %get3A_431 = tpu.vector_load %arg6[%get3A_429, %get3A_430] {strides = array<i32>} : memref<64x1024xi32, #tpu.memory_space<vmem>>, vector<16xi32>,
      %add3A_432 = arith.addi %add3A_425, %get3A_431 : vector<16xi32>
      %mul3A_433 = arith.constant 16 : i32
      %mul3A_434 = arith.muli %sub3A_42, %mul3A_433 : i32
      %get3A_435 = arith.constant 56 : i32
      %get3A_436 = arith.index_cast %get3A_435 : i32 to index
      %get3A_437 = arith.index_cast %mul3A_434 : i32 to index
      %get3A_438 = tpu.vector_load %arg6[%get3A_436, %get3A_437] {strides = array<i32>} : memref<64x1024xi32, #tpu.memory_space<vmem>>, vector<16xi32>,
      %add3A_439 = arith.addi %add3A_432, %get3A_438 : vector<16xi32>
      %mul3A_440 = arith.constant 16 : i32
      %mul3A_441 = arith.muli %sub3A_42, %mul3A_440 : i32
      %get3A_442 = arith.constant 57 : i32
      %get3A_443 = arith.index_cast %get3A_442 : i32 to index
      %get3A_444 = arith.index_cast %mul3A_441 : i32 to index
      %get3A_445 = tpu.vector_load %arg6[%get3A_443, %get3A_444] {strides = array<i32>} : memref<64x1024xi32, #tpu.memory_space<vmem>>, vector<16xi32>,
      %add3A_446 = arith.addi %add3A_439, %get3A_445 : vector<16xi32>
      %mul3A_447 = arith.constant 16 : i32
      %mul3A_448 = arith.muli %sub3A_42, %mul3A_447 : i32
      %get3A_449 = arith.constant 58 : i32
      %get3A_450 = arith.index_cast %get3A_449 : i32 to index
      %get3A_451 = arith.index_cast %mul3A_448 : i32 to index
      %get3A_452 = tpu.vector_load %arg6[%get3A_450, %get3A_451] {strides = array<i32>} : memref<64x1024xi32, #tpu.memory_space<vmem>>, vector<16xi32>,
      %add3A_453 = arith.addi %add3A_446, %get3A_452 : vector<16xi32>
      %mul3A_454 = arith.constant 16 : i32
      %mul3A_455 = arith.muli %sub3A_42, %mul3A_454 : i32
      %get3A_456 = arith.constant 59 : i32
      %get3A_457 = arith.index_cast %get3A_456 : i32 to index
      %get3A_458 = arith.index_cast %mul3A_455 : i32 to index
      %get3A_459 = tpu.vector_load %arg6[%get3A_457, %get3A_458] {strides = array<i32>} : memref<64x1024xi32, #tpu.memory_space<vmem>>, vector<16xi32>,
      %add3A_460 = arith.addi %add3A_453, %get3A_459 : vector<16xi32>
      %mul3A_461 = arith.constant 16 : i32
      %mul3A_462 = arith.muli %sub3A_42, %mul3A_461 : i32
      %get3A_463 = arith.constant 60 : i32
      %get3A_464 = arith.index_cast %get3A_463 : i32 to index
      %get3A_465 = arith.index_cast %mul3A_462 : i32 to index
      %get3A_466 = tpu.vector_load %arg6[%get3A_464, %get3A_465] {strides = array<i32>} : memref<64x1024xi32, #tpu.memory_space<vmem>>, vector<16xi32>,
      %add3A_467 = arith.addi %add3A_460, %get3A_466 : vector<16xi32>
      %mul3A_468 = arith.constant 16 : i32
      %mul3A_469 = arith.muli %sub3A_42, %mul3A_468 : i32
      %get3A_470 = arith.constant 61 : i32
      %get3A_471 = arith.index_cast %get3A_470 : i32 to index
      %get3A_472 = arith.index_cast %mul3A_469 : i32 to index
      %get3A_473 = tpu.vector_load %arg6[%get3A_471, %get3A_472] {strides = array<i32>} : memref<64x1024xi32, #tpu.memory_space<vmem>>, vector<16xi32>,
      %add3A_474 = arith.addi %add3A_467, %get3A_473 : vector<16xi32>
      %mul3A_475 = arith.constant 16 : i32
      %mul3A_476 = arith.muli %sub3A_42, %mul3A_475 : i32
      %get3A_477 = arith.constant 62 : i32
      %get3A_478 = arith.index_cast %get3A_477 : i32 to index
      %get3A_479 = arith.index_cast %mul3A_476 : i32 to index
      %get3A_480 = tpu.vector_load %arg6[%get3A_478, %get3A_479] {strides = array<i32>} : memref<64x1024xi32, #tpu.memory_space<vmem>>, vector<16xi32>,
      %add3A_481 = arith.addi %add3A_474, %get3A_480 : vector<16xi32>
      %mul3A_482 = arith.constant 16 : i32
      %mul3A_483 = arith.muli %sub3A_42, %mul3A_482 : i32
      %get3A_484 = arith.constant 63 : i32
      %get3A_485 = arith.index_cast %get3A_484 : i32 to index
      %get3A_486 = arith.index_cast %mul3A_483 : i32 to index
      %get3A_487 = tpu.vector_load %arg6[%get3A_485, %get3A_486] {strides = array<i32>} : memref<64x1024xi32, #tpu.memory_space<vmem>>, vector<16xi32>,
      %add3A_488 = arith.addi %add3A_481, %get3A_487 : vector<16xi32>
      %rev3A = arith.constant 15 : i32
      %rev3A_489 = vector.broadcast %rev3A : i32 to vector<16xi32>
      %rev3A_490 = tpu.iota {dimensions = array<i32: 0>} : vector<16xi32>
      %rev3A_491 = arith.subi %rev3A_489, %rev3A_490 : vector<16xi32>
      %rev3A_492 = tpu.dynamic_gather %add3A_488[%rev3A_491] in [0] : vector<16xi32>, vector<16xi32> -> vector<16xi32>
      %broadcast_in_dim3A_493 = arith.constant true
      %broadcast_in_dim3A_494 = vector.broadcast %broadcast_in_dim3A_493 : i1 to vector<16xi1>
      %masked_cumsum3A = tpu.scan <sum>, %rev3A_492 masked %broadcast_in_dim3A_494 : vector<16xi32>, vector<16xi1> -> vector<16xi32>
      %add3A_495 = vector.broadcast %scan3A_41 : i32 to vector<16xi32>
      %add3A_496 = arith.addi %masked_cumsum3A, %add3A_495 : vector<16xi32>
      %ge3A = vector.broadcast %scan3A : i32 to vector<16xi32>
      %ge3A_497 = arith.cmpi sge, %add3A_496, %ge3A : vector<16xi32>
      %all_reduce_population_count3A = tpu.all_reduce %ge3A_497 {dim = 0 : i64, kind = #tpu.reduction_kind<sum>} : vector<16xi1> -> vector<16xi32>
      %reduce_max3A = arith.constant true
      %reduce_max3A_498 = vector.broadcast %reduce_max3A : i1 to vector<16xi1>
      %reduce_max3A_499 = arith.constant -2147483648 : i32
      %reduce_max3A_500 = vector.broadcast %reduce_max3A_499 : i32 to vector<16xi32>
      %reduce_max3A_501 = arith.xori %all_reduce_population_count3A, %reduce_max3A_500 : vector<16xi32>
      %reduce_max3A_502 = tpu.scan <max>, %reduce_max3A_501 masked %reduce_max3A_498 : vector<16xi32>, vector<16xi1> -> vector<16xi32>
      %reduce_max3A_503 = arith.xori %reduce_max3A_502, %reduce_max3A_500 : vector<16xi32>
      %reduce_max3A_504 = vector.extract %reduce_max3A_503[15] : i32 from vector<16xi32>
      %all_reduce_ffs3A = tpu.all_reduce %ge3A_497 {dim = 0 : i64, kind = #tpu.reduction_kind<find_first_set>} : vector<16xi1> -> vector<16xi32>
      %reduce_max3A_505 = arith.constant true
      %reduce_max3A_506 = vector.broadcast %reduce_max3A_505 : i1 to vector<16xi1>
      %reduce_max3A_507 = arith.constant -2147483648 : i32
      %reduce_max3A_508 = vector.broadcast %reduce_max3A_507 : i32 to vector<16xi32>
      %reduce_max3A_509 = arith.xori %all_reduce_ffs3A, %reduce_max3A_508 : vector<16xi32>
      %reduce_max3A_510 = tpu.scan <max>, %reduce_max3A_509 masked %reduce_max3A_506 : vector<16xi32>, vector<16xi1> -> vector<16xi32>
      %reduce_max3A_511 = arith.xori %reduce_max3A_510, %reduce_max3A_508 : vector<16xi32>
      %reduce_max3A_512 = vector.extract %reduce_max3A_511[15] : i32 from vector<16xi32>
      %gt3A = arith.constant 0 : i32
      %gt3A_513 = arith.cmpi sgt, %reduce_max3A_504, %gt3A : i32
      %not3A = arith.constant true
      %not3A_514 = arith.xori %scan3A_38, %not3A : i1
      %and3A = arith.andi %gt3A_513, %not3A_514 : i1
      %mul3A_515 = arith.constant 16 : i32
      %mul3A_516 = arith.muli %sub3A_42, %mul3A_515 : i32
      %add3A_517 = arith.constant 15 : i32
      %add3A_518 = arith.addi %mul3A_516, %add3A_517 : i32
      %sub3A_519 = arith.subi %add3A_518, %reduce_max3A_512 : i32
      %iota3A_520 = tpu.iota {dimensions = array<i32: 0>} : vector<16xi32>
      %eq3A_521 = vector.broadcast %reduce_max3A_512 : i32 to vector<16xi32>
      %eq3A_522 = arith.cmpi eq, %iota3A_520, %eq3A_521 : vector<16xi32>
      %broadcast_in_dim3A_523 = arith.constant 0 : i32
      %broadcast_in_dim3A_524 = vector.broadcast %broadcast_in_dim3A_523 : i32 to vector<16xi32>
      %select_n3A = arith.select %eq3A_522, %add3A_496, %broadcast_in_dim3A_524 : vector<16xi1>, vector<16xi32>
      %reduce_sum3A = arith.constant true
      %reduce_sum3A_525 = vector.broadcast %reduce_sum3A : i1 to vector<16xi1>
      %reduce_sum3A_526 = tpu.scan <sum>, %select_n3A masked %reduce_sum3A_525 : vector<16xi32>, vector<16xi1> -> vector<16xi32>
      %reduce_sum3A_527 = vector.extract %reduce_sum3A_526[15] : i32 from vector<16xi32>
      %iota3A_528 = tpu.iota {dimensions = array<i32: 0>} : vector<16xi32>
      %eq3A_529 = vector.broadcast %reduce_max3A_512 : i32 to vector<16xi32>
      %eq3A_530 = arith.cmpi eq, %iota3A_528, %eq3A_529 : vector<16xi32>
      %broadcast_in_dim3A_531 = arith.constant 0 : i32
      %broadcast_in_dim3A_532 = vector.broadcast %broadcast_in_dim3A_531 : i32 to vector<16xi32>
      %select_n3A_533 = arith.select %eq3A_530, %rev3A_492, %broadcast_in_dim3A_532 : vector<16xi1>, vector<16xi32>
      %reduce_sum3A_534 = arith.constant true
      %reduce_sum3A_535 = vector.broadcast %reduce_sum3A_534 : i1 to vector<16xi1>
      %reduce_sum3A_536 = tpu.scan <sum>, %select_n3A_533 masked %reduce_sum3A_535 : vector<16xi32>, vector<16xi1> -> vector<16xi32>
      %reduce_sum3A_537 = vector.extract %reduce_sum3A_536[15] : i32 from vector<16xi32>
      %sub3A_538 = arith.subi %reduce_sum3A_527, %reduce_sum3A_537 : i32
      %sub3A_539 = arith.subi %scan3A, %sub3A_538 : i32
      %select_n3A_540 = arith.select %and3A, %sub3A_519, %scan3A_39 : i32
      %select_n3A_541 = arith.select %and3A, %sub3A_539, %scan3A_40 : i32
      %gt3A_542 = arith.constant 0 : i32
      %gt3A_543 = arith.cmpi sgt, %reduce_max3A_504, %gt3A_542 : i32
      %or3A = arith.ori %scan3A_38, %gt3A_543 : i1
      %iota3A_544 = tpu.iota {dimensions = array<i32: 0>} : vector<16xi32>
      %eq3A_545 = arith.constant 15 : i32
      %eq3A_546 = vector.broadcast %eq3A_545 : i32 to vector<16xi32>
      %eq3A_547 = arith.cmpi eq, %iota3A_544, %eq3A_546 : vector<16xi32>
      %broadcast_in_dim3A_548 = arith.constant 0 : i32
      %broadcast_in_dim3A_549 = vector.broadcast %broadcast_in_dim3A_548 : i32 to vector<16xi32>
      %select_n3A_550 = arith.select %eq3A_547, %add3A_496, %broadcast_in_dim3A_549 : vector<16xi1>, vector<16xi32>
      %reduce_sum3A_551 = arith.constant true
      %reduce_sum3A_552 = vector.broadcast %reduce_sum3A_551 : i1 to vector<16xi1>
      %reduce_sum3A_553 = tpu.scan <sum>, %select_n3A_550 masked %reduce_sum3A_552 : vector<16xi32>, vector<16xi1> -> vector<16xi32>
      %reduce_sum3A_554 = vector.extract %reduce_sum3A_553[15] : i32 from vector<16xi32>
      scf.yield %or3A, %select_n3A_540, %select_n3A_541, %reduce_sum3A_554 : i1, i32, i32, i32
    }
    %scan3A_10 = arith.constant 64 : i32
    %broadcast_in_dim3A = arith.constant 0 : i32
    %broadcast_in_dim3A_11 = vector.broadcast %broadcast_in_dim3A : i32 to vector<16xi32>
    %scan3A_12 = arith.constant 0 : i32
    %scan3A_13 = arith.constant 0 : i32
    %scan3A_14 = arith.constant 258 : i32
    %scan3A_15 = arith.addi %scan3A_13, %scan3A_14 : i32
    %scan3A_16 = arith.constant 1 : i32
    scf.for %scan3A_37 = %scan3A_13 to %scan3A_15 step %scan3A_16  : i32 {
      %mul3A_38 = arith.constant 8 : i32
      %mul3A_39 = arith.muli %scan3A_37, %mul3A_38 : i32
      %add3A_40 = arith.constant 0 : i32
      %add3A_41 = arith.addi %mul3A_39, %add3A_40 : i32
      %mul3A_42 = arith.constant 16 : i32
      %mul3A_43 = arith.muli %add3A_41, %mul3A_42 : i32
      %swap3A = arith.index_cast %mul3A_43 : i32 to index
      %swap3A_44 = tpu.vector_load %arg8[%swap3A] {strides = array<i32>} : memref<33024xi32, #tpu.memory_space<vmem>>, vector<16xi32>,
      tpu.vector_store %arg8[%swap3A], %broadcast_in_dim3A_11 {strides = array<i32>} : memref<33024xi32, #tpu.memory_space<vmem>>, vector<16xi32>,
      %mul3A_45 = arith.constant 8 : i32
      %mul3A_46 = arith.muli %scan3A_37, %mul3A_45 : i32
      %add3A_47 = arith.constant 1 : i32
      %add3A_48 = arith.addi %mul3A_46, %add3A_47 : i32
      %mul3A_49 = arith.constant 16 : i32
      %mul3A_50 = arith.muli %add3A_48, %mul3A_49 : i32
      %swap3A_51 = arith.index_cast %mul3A_50 : i32 to index
      %swap3A_52 = tpu.vector_load %arg8[%swap3A_51] {strides = array<i32>} : memref<33024xi32, #tpu.memory_space<vmem>>, vector<16xi32>,
      tpu.vector_store %arg8[%swap3A_51], %broadcast_in_dim3A_11 {strides = array<i32>} : memref<33024xi32, #tpu.memory_space<vmem>>, vector<16xi32>,
      %mul3A_53 = arith.constant 8 : i32
      %mul3A_54 = arith.muli %scan3A_37, %mul3A_53 : i32
      %add3A_55 = arith.constant 2 : i32
      %add3A_56 = arith.addi %mul3A_54, %add3A_55 : i32
      %mul3A_57 = arith.constant 16 : i32
      %mul3A_58 = arith.muli %add3A_56, %mul3A_57 : i32
      %swap3A_59 = arith.index_cast %mul3A_58 : i32 to index
      %swap3A_60 = tpu.vector_load %arg8[%swap3A_59] {strides = array<i32>} : memref<33024xi32, #tpu.memory_space<vmem>>, vector<16xi32>,
      tpu.vector_store %arg8[%swap3A_59], %broadcast_in_dim3A_11 {strides = array<i32>} : memref<33024xi32, #tpu.memory_space<vmem>>, vector<16xi32>,
      %mul3A_61 = arith.constant 8 : i32
      %mul3A_62 = arith.muli %scan3A_37, %mul3A_61 : i32
      %add3A_63 = arith.constant 3 : i32
      %add3A_64 = arith.addi %mul3A_62, %add3A_63 : i32
      %mul3A_65 = arith.constant 16 : i32
      %mul3A_66 = arith.muli %add3A_64, %mul3A_65 : i32
      %swap3A_67 = arith.index_cast %mul3A_66 : i32 to index
      %swap3A_68 = tpu.vector_load %arg8[%swap3A_67] {strides = array<i32>} : memref<33024xi32, #tpu.memory_space<vmem>>, vector<16xi32>,
      tpu.vector_store %arg8[%swap3A_67], %broadcast_in_dim3A_11 {strides = array<i32>} : memref<33024xi32, #tpu.memory_space<vmem>>, vector<16xi32>,
      %mul3A_69 = arith.constant 8 : i32
      %mul3A_70 = arith.muli %scan3A_37, %mul3A_69 : i32
      %add3A_71 = arith.constant 4 : i32
      %add3A_72 = arith.addi %mul3A_70, %add3A_71 : i32
      %mul3A_73 = arith.constant 16 : i32
      %mul3A_74 = arith.muli %add3A_72, %mul3A_73 : i32
      %swap3A_75 = arith.index_cast %mul3A_74 : i32 to index
      %swap3A_76 = tpu.vector_load %arg8[%swap3A_75] {strides = array<i32>} : memref<33024xi32, #tpu.memory_space<vmem>>, vector<16xi32>,
      tpu.vector_store %arg8[%swap3A_75], %broadcast_in_dim3A_11 {strides = array<i32>} : memref<33024xi32, #tpu.memory_space<vmem>>, vector<16xi32>,
      %mul3A_77 = arith.constant 8 : i32
      %mul3A_78 = arith.muli %scan3A_37, %mul3A_77 : i32
      %add3A_79 = arith.constant 5 : i32
      %add3A_80 = arith.addi %mul3A_78, %add3A_79 : i32
      %mul3A_81 = arith.constant 16 : i32
      %mul3A_82 = arith.muli %add3A_80, %mul3A_81 : i32
      %swap3A_83 = arith.index_cast %mul3A_82 : i32 to index
      %swap3A_84 = tpu.vector_load %arg8[%swap3A_83] {strides = array<i32>} : memref<33024xi32, #tpu.memory_space<vmem>>, vector<16xi32>,
      tpu.vector_store %arg8[%swap3A_83], %broadcast_in_dim3A_11 {strides = array<i32>} : memref<33024xi32, #tpu.memory_space<vmem>>, vector<16xi32>,
      %mul3A_85 = arith.constant 8 : i32
      %mul3A_86 = arith.muli %scan3A_37, %mul3A_85 : i32
      %add3A_87 = arith.constant 6 : i32
      %add3A_88 = arith.addi %mul3A_86, %add3A_87 : i32
      %mul3A_89 = arith.constant 16 : i32
      %mul3A_90 = arith.muli %add3A_88, %mul3A_89 : i32
      %swap3A_91 = arith.index_cast %mul3A_90 : i32 to index
      %swap3A_92 = tpu.vector_load %arg8[%swap3A_91] {strides = array<i32>} : memref<33024xi32, #tpu.memory_space<vmem>>, vector<16xi32>,
      tpu.vector_store %arg8[%swap3A_91], %broadcast_in_dim3A_11 {strides = array<i32>} : memref<33024xi32, #tpu.memory_space<vmem>>, vector<16xi32>,
      %mul3A_93 = arith.constant 8 : i32
      %mul3A_94 = arith.muli %scan3A_37, %mul3A_93 : i32
      %add3A_95 = arith.constant 7 : i32
      %add3A_96 = arith.addi %mul3A_94, %add3A_95 : i32
      %mul3A_97 = arith.constant 16 : i32
      %mul3A_98 = arith.muli %add3A_96, %mul3A_97 : i32
      %swap3A_99 = arith.index_cast %mul3A_98 : i32 to index
      %swap3A_100 = tpu.vector_load %arg8[%swap3A_99] {strides = array<i32>} : memref<33024xi32, #tpu.memory_space<vmem>>, vector<16xi32>,
      tpu.vector_store %arg8[%swap3A_99], %broadcast_in_dim3A_11 {strides = array<i32>} : memref<33024xi32, #tpu.memory_space<vmem>>, vector<16xi32>,
    }
    %scan3A_17 = arith.constant 258 : i32
    %iota3A = tpu.iota {dimensions = array<i32: 0>} : vector<16xi32>
    %mul3A_18 = arith.constant 2065 : i32
    %mul3A_19 = vector.broadcast %mul3A_18 : i32 to vector<16xi32>
    %mul3A_20 = arith.muli %iota3A, %mul3A_19 : vector<16xi32>
    %broadcast_in_dim3A_21 = arith.constant 1 : i32
    %broadcast_in_dim3A_22 = vector.broadcast %broadcast_in_dim3A_21 : i32 to vector<16xi32>
    %scan3A_23 = arith.constant 0 : i32
    %scan3A_24 = arith.constant 0 : i32
    %scan3A_25 = arith.constant 4 : i32
    %scan3A_26 = arith.addi %scan3A_24, %scan3A_25 : i32
    %scan3A_27 = arith.constant 1 : i32
    scf.for %scan3A_37 = %scan3A_24 to %scan3A_26 step %scan3A_27  : i32 {
      %mul3A_38 = arith.constant 16384 : i32
      %mul3A_39 = arith.muli %scan3A_37, %mul3A_38 : i32
      "tpu.region"() ({
        %run_scoped3A = tpu.sem_alloc : memref<!tpu.dma_semaphore, #tpu.memory_space<semaphore_mem>>
        %dma_start3A = tpu.memref_slice %arg2[%add3A, %mul3A_39] : memref<32x65536xi32, #tpu.memory_space<hbm>> -> memref<1x16384xi32, #tpu.memory_space<hbm>>
        %dma_start3A_46 = tpu.memref_squeeze %dma_start3A : memref<1x16384xi32, #tpu.memory_space<hbm>> -> memref<16384xi32, #tpu.memory_space<hbm>>
        %dma_start3A_47 = tpu.memref_slice %arg2[%add3A, %mul3A_39] : memref<32x65536xi32, #tpu.memory_space<hbm>> -> memref<1x16384xi32, #tpu.memory_space<hbm>>
        %dma_start3A_48 = tpu.memref_squeeze %dma_start3A_47 : memref<1x16384xi32, #tpu.memory_space<hbm>> -> memref<16384xi32, #tpu.memory_space<hbm>>
        tpu.enqueue_dma source(%dma_start3A_48 : memref<16384xi32, #tpu.memory_space<hbm>>) target(%arg7 : memref<16384xi32, #tpu.memory_space<vmem>>) target_semaphore(%run_scoped3A : memref<!tpu.dma_semaphore, #tpu.memory_space<semaphore_mem>>)
        %dma_wait3A = tpu.memref_slice %arg2[%add3A, %mul3A_39] : memref<32x65536xi32, #tpu.memory_space<hbm>> -> memref<1x16384xi32, #tpu.memory_space<hbm>>
        %dma_wait3A_49 = tpu.memref_squeeze %dma_wait3A : memref<1x16384xi32, #tpu.memory_space<hbm>> -> memref<16384xi32, #tpu.memory_space<hbm>>
        %dma_wait3A_50 = tpu.memref_slice %arg2[%add3A, %mul3A_39] : memref<32x65536xi32, #tpu.memory_space<hbm>> -> memref<1x16384xi32, #tpu.memory_space<hbm>>
        %dma_wait3A_51 = tpu.memref_squeeze %dma_wait3A_50 : memref<1x16384xi32, #tpu.memory_space<hbm>> -> memref<16384xi32, #tpu.memory_space<hbm>>
        tpu.wait_dma2 semaphore(%run_scoped3A : memref<!tpu.dma_semaphore, #tpu.memory_space<semaphore_mem>>) src(%dma_wait3A_51 : memref<16384xi32, #tpu.memory_space<hbm>>) dst(%arg7 : memref<16384xi32, #tpu.memory_space<vmem>>)
        tpu.yield
      }) : () -> ()
      %scan3A_40 = arith.constant 0 : i32
      %scan3A_41 = arith.constant 0 : i32
      %scan3A_42 = arith.constant 128 : i32
      %scan3A_43 = arith.addi %scan3A_41, %scan3A_42 : i32
      %scan3A_44 = arith.constant 1 : i32
      scf.for %scan3A_46 = %scan3A_41 to %scan3A_43 step %scan3A_44  : i32 {
        %mul3A_47 = arith.constant 8 : i32
        %mul3A_48 = arith.muli %scan3A_46, %mul3A_47 : i32
        %add3A_49 = arith.constant 0 : i32
        %add3A_50 = arith.addi %mul3A_48, %add3A_49 : i32
        %mul3A_51 = arith.constant 16 : i32
        %mul3A_52 = arith.muli %add3A_50, %mul3A_51 : i32
        %get3A = arith.index_cast %mul3A_52 : i32 to index
        %get3A_53 = tpu.vector_load %arg7[%get3A] {strides = array<i32>} : memref<16384xi32, #tpu.memory_space<vmem>>, vector<16xi32>,
        %shift_right_arithmetic3A = arith.constant 21 : i32
        %shift_right_arithmetic3A_54 = vector.broadcast %shift_right_arithmetic3A : i32 to vector<16xi32>
        %shift_right_arithmetic3A_55 = arith.shrsi %get3A_53, %shift_right_arithmetic3A_54 : vector<16xi32>
        %eq3A_56 = vector.broadcast %scan3A_9#1 : i32 to vector<16xi32>
        %eq3A_57 = arith.cmpi eq, %shift_right_arithmetic3A_55, %eq3A_56 : vector<16xi32>
        %shift_right_arithmetic3A_58 = arith.constant 10 : i32
        %shift_right_arithmetic3A_59 = vector.broadcast %shift_right_arithmetic3A_58 : i32 to vector<16xi32>
        %shift_right_arithmetic3A_60 = arith.shrsi %get3A_53, %shift_right_arithmetic3A_59 : vector<16xi32>
        %and3A = arith.constant 2047 : i32
        %and3A_61 = vector.broadcast %and3A : i32 to vector<16xi32>
        %and3A_62 = arith.andi %shift_right_arithmetic3A_60, %and3A_61 : vector<16xi32>
        %add3A_63 = arith.addi %mul3A_20, %and3A_62 : vector<16xi32>
        tpu.vector_store_idx %arg8[%add3A_63], %broadcast_in_dim3A_22 masked %eq3A_57 {add = true} : memref<33024xi32, #tpu.memory_space<vmem>>[vector<16xi32>], vector<16xi32>, vector<16xi1>
        %mul3A_64 = arith.constant 8 : i32
        %mul3A_65 = arith.muli %scan3A_46, %mul3A_64 : i32
        %add3A_66 = arith.constant 1 : i32
        %add3A_67 = arith.addi %mul3A_65, %add3A_66 : i32
        %mul3A_68 = arith.constant 16 : i32
        %mul3A_69 = arith.muli %add3A_67, %mul3A_68 : i32
        %get3A_70 = arith.index_cast %mul3A_69 : i32 to index
        %get3A_71 = tpu.vector_load %arg7[%get3A_70] {strides = array<i32>} : memref<16384xi32, #tpu.memory_space<vmem>>, vector<16xi32>,
        %shift_right_arithmetic3A_72 = arith.constant 21 : i32
        %shift_right_arithmetic3A_73 = vector.broadcast %shift_right_arithmetic3A_72 : i32 to vector<16xi32>
        %shift_right_arithmetic3A_74 = arith.shrsi %get3A_71, %shift_right_arithmetic3A_73 : vector<16xi32>
        %eq3A_75 = vector.broadcast %scan3A_9#1 : i32 to vector<16xi32>
        %eq3A_76 = arith.cmpi eq, %shift_right_arithmetic3A_74, %eq3A_75 : vector<16xi32>
        %shift_right_arithmetic3A_77 = arith.constant 10 : i32
        %shift_right_arithmetic3A_78 = vector.broadcast %shift_right_arithmetic3A_77 : i32 to vector<16xi32>
        %shift_right_arithmetic3A_79 = arith.shrsi %get3A_71, %shift_right_arithmetic3A_78 : vector<16xi32>
        %and3A_80 = arith.constant 2047 : i32
        %and3A_81 = vector.broadcast %and3A_80 : i32 to vector<16xi32>
        %and3A_82 = arith.andi %shift_right_arithmetic3A_79, %and3A_81 : vector<16xi32>
        %add3A_83 = arith.addi %mul3A_20, %and3A_82 : vector<16xi32>
        tpu.vector_store_idx %arg8[%add3A_83], %broadcast_in_dim3A_22 masked %eq3A_76 {add = true} : memref<33024xi32, #tpu.memory_space<vmem>>[vector<16xi32>], vector<16xi32>, vector<16xi1>
        %mul3A_84 = arith.constant 8 : i32
        %mul3A_85 = arith.muli %scan3A_46, %mul3A_84 : i32
        %add3A_86 = arith.constant 2 : i32
        %add3A_87 = arith.addi %mul3A_85, %add3A_86 : i32
        %mul3A_88 = arith.constant 16 : i32
        %mul3A_89 = arith.muli %add3A_87, %mul3A_88 : i32
        %get3A_90 = arith.index_cast %mul3A_89 : i32 to index
        %get3A_91 = tpu.vector_load %arg7[%get3A_90] {strides = array<i32>} : memref<16384xi32, #tpu.memory_space<vmem>>, vector<16xi32>,
        %shift_right_arithmetic3A_92 = arith.constant 21 : i32
        %shift_right_arithmetic3A_93 = vector.broadcast %shift_right_arithmetic3A_92 : i32 to vector<16xi32>
        %shift_right_arithmetic3A_94 = arith.shrsi %get3A_91, %shift_right_arithmetic3A_93 : vector<16xi32>
        %eq3A_95 = vector.broadcast %scan3A_9#1 : i32 to vector<16xi32>
        %eq3A_96 = arith.cmpi eq, %shift_right_arithmetic3A_94, %eq3A_95 : vector<16xi32>
        %shift_right_arithmetic3A_97 = arith.constant 10 : i32
        %shift_right_arithmetic3A_98 = vector.broadcast %shift_right_arithmetic3A_97 : i32 to vector<16xi32>
        %shift_right_arithmetic3A_99 = arith.shrsi %get3A_91, %shift_right_arithmetic3A_98 : vector<16xi32>
        %and3A_100 = arith.constant 2047 : i32
        %and3A_101 = vector.broadcast %and3A_100 : i32 to vector<16xi32>
        %and3A_102 = arith.andi %shift_right_arithmetic3A_99, %and3A_101 : vector<16xi32>
        %add3A_103 = arith.addi %mul3A_20, %and3A_102 : vector<16xi32>
        tpu.vector_store_idx %arg8[%add3A_103], %broadcast_in_dim3A_22 masked %eq3A_96 {add = true} : memref<33024xi32, #tpu.memory_space<vmem>>[vector<16xi32>], vector<16xi32>, vector<16xi1>
        %mul3A_104 = arith.constant 8 : i32
        %mul3A_105 = arith.muli %scan3A_46, %mul3A_104 : i32
        %add3A_106 = arith.constant 3 : i32
        %add3A_107 = arith.addi %mul3A_105, %add3A_106 : i32
        %mul3A_108 = arith.constant 16 : i32
        %mul3A_109 = arith.muli %add3A_107, %mul3A_108 : i32
        %get3A_110 = arith.index_cast %mul3A_109 : i32 to index
        %get3A_111 = tpu.vector_load %arg7[%get3A_110] {strides = array<i32>} : memref<16384xi32, #tpu.memory_space<vmem>>, vector<16xi32>,
        %shift_right_arithmetic3A_112 = arith.constant 21 : i32
        %shift_right_arithmetic3A_113 = vector.broadcast %shift_right_arithmetic3A_112 : i32 to vector<16xi32>
        %shift_right_arithmetic3A_114 = arith.shrsi %get3A_111, %shift_right_arithmetic3A_113 : vector<16xi32>
        %eq3A_115 = vector.broadcast %scan3A_9#1 : i32 to vector<16xi32>
        %eq3A_116 = arith.cmpi eq, %shift_right_arithmetic3A_114, %eq3A_115 : vector<16xi32>
        %shift_right_arithmetic3A_117 = arith.constant 10 : i32
        %shift_right_arithmetic3A_118 = vector.broadcast %shift_right_arithmetic3A_117 : i32 to vector<16xi32>
        %shift_right_arithmetic3A_119 = arith.shrsi %get3A_111, %shift_right_arithmetic3A_118 : vector<16xi32>
        %and3A_120 = arith.constant 2047 : i32
        %and3A_121 = vector.broadcast %and3A_120 : i32 to vector<16xi32>
        %and3A_122 = arith.andi %shift_right_arithmetic3A_119, %and3A_121 : vector<16xi32>
        %add3A_123 = arith.addi %mul3A_20, %and3A_122 : vector<16xi32>
        tpu.vector_store_idx %arg8[%add3A_123], %broadcast_in_dim3A_22 masked %eq3A_116 {add = true} : memref<33024xi32, #tpu.memory_space<vmem>>[vector<16xi32>], vector<16xi32>, vector<16xi1>
        %mul3A_124 = arith.constant 8 : i32
        %mul3A_125 = arith.muli %scan3A_46, %mul3A_124 : i32
        %add3A_126 = arith.constant 4 : i32
        %add3A_127 = arith.addi %mul3A_125, %add3A_126 : i32
        %mul3A_128 = arith.constant 16 : i32
        %mul3A_129 = arith.muli %add3A_127, %mul3A_128 : i32
        %get3A_130 = arith.index_cast %mul3A_129 : i32 to index
        %get3A_131 = tpu.vector_load %arg7[%get3A_130] {strides = array<i32>} : memref<16384xi32, #tpu.memory_space<vmem>>, vector<16xi32>,
        %shift_right_arithmetic3A_132 = arith.constant 21 : i32
        %shift_right_arithmetic3A_133 = vector.broadcast %shift_right_arithmetic3A_132 : i32 to vector<16xi32>
        %shift_right_arithmetic3A_134 = arith.shrsi %get3A_131, %shift_right_arithmetic3A_133 : vector<16xi32>
        %eq3A_135 = vector.broadcast %scan3A_9#1 : i32 to vector<16xi32>
        %eq3A_136 = arith.cmpi eq, %shift_right_arithmetic3A_134, %eq3A_135 : vector<16xi32>
        %shift_right_arithmetic3A_137 = arith.constant 10 : i32
        %shift_right_arithmetic3A_138 = vector.broadcast %shift_right_arithmetic3A_137 : i32 to vector<16xi32>
        %shift_right_arithmetic3A_139 = arith.shrsi %get3A_131, %shift_right_arithmetic3A_138 : vector<16xi32>
        %and3A_140 = arith.constant 2047 : i32
        %and3A_141 = vector.broadcast %and3A_140 : i32 to vector<16xi32>
        %and3A_142 = arith.andi %shift_right_arithmetic3A_139, %and3A_141 : vector<16xi32>
        %add3A_143 = arith.addi %mul3A_20, %and3A_142 : vector<16xi32>
        tpu.vector_store_idx %arg8[%add3A_143], %broadcast_in_dim3A_22 masked %eq3A_136 {add = true} : memref<33024xi32, #tpu.memory_space<vmem>>[vector<16xi32>], vector<16xi32>, vector<16xi1>
        %mul3A_144 = arith.constant 8 : i32
        %mul3A_145 = arith.muli %scan3A_46, %mul3A_144 : i32
        %add3A_146 = arith.constant 5 : i32
        %add3A_147 = arith.addi %mul3A_145, %add3A_146 : i32
        %mul3A_148 = arith.constant 16 : i32
        %mul3A_149 = arith.muli %add3A_147, %mul3A_148 : i32
        %get3A_150 = arith.index_cast %mul3A_149 : i32 to index
        %get3A_151 = tpu.vector_load %arg7[%get3A_150] {strides = array<i32>} : memref<16384xi32, #tpu.memory_space<vmem>>, vector<16xi32>,
        %shift_right_arithmetic3A_152 = arith.constant 21 : i32
        %shift_right_arithmetic3A_153 = vector.broadcast %shift_right_arithmetic3A_152 : i32 to vector<16xi32>
        %shift_right_arithmetic3A_154 = arith.shrsi %get3A_151, %shift_right_arithmetic3A_153 : vector<16xi32>
        %eq3A_155 = vector.broadcast %scan3A_9#1 : i32 to vector<16xi32>
        %eq3A_156 = arith.cmpi eq, %shift_right_arithmetic3A_154, %eq3A_155 : vector<16xi32>
        %shift_right_arithmetic3A_157 = arith.constant 10 : i32
        %shift_right_arithmetic3A_158 = vector.broadcast %shift_right_arithmetic3A_157 : i32 to vector<16xi32>
        %shift_right_arithmetic3A_159 = arith.shrsi %get3A_151, %shift_right_arithmetic3A_158 : vector<16xi32>
        %and3A_160 = arith.constant 2047 : i32
        %and3A_161 = vector.broadcast %and3A_160 : i32 to vector<16xi32>
        %and3A_162 = arith.andi %shift_right_arithmetic3A_159, %and3A_161 : vector<16xi32>
        %add3A_163 = arith.addi %mul3A_20, %and3A_162 : vector<16xi32>
        tpu.vector_store_idx %arg8[%add3A_163], %broadcast_in_dim3A_22 masked %eq3A_156 {add = true} : memref<33024xi32, #tpu.memory_space<vmem>>[vector<16xi32>], vector<16xi32>, vector<16xi1>
        %mul3A_164 = arith.constant 8 : i32
        %mul3A_165 = arith.muli %scan3A_46, %mul3A_164 : i32
        %add3A_166 = arith.constant 6 : i32
        %add3A_167 = arith.addi %mul3A_165, %add3A_166 : i32
        %mul3A_168 = arith.constant 16 : i32
        %mul3A_169 = arith.muli %add3A_167, %mul3A_168 : i32
        %get3A_170 = arith.index_cast %mul3A_169 : i32 to index
        %get3A_171 = tpu.vector_load %arg7[%get3A_170] {strides = array<i32>} : memref<16384xi32, #tpu.memory_space<vmem>>, vector<16xi32>,
        %shift_right_arithmetic3A_172 = arith.constant 21 : i32
        %shift_right_arithmetic3A_173 = vector.broadcast %shift_right_arithmetic3A_172 : i32 to vector<16xi32>
        %shift_right_arithmetic3A_174 = arith.shrsi %get3A_171, %shift_right_arithmetic3A_173 : vector<16xi32>
        %eq3A_175 = vector.broadcast %scan3A_9#1 : i32 to vector<16xi32>
        %eq3A_176 = arith.cmpi eq, %shift_right_arithmetic3A_174, %eq3A_175 : vector<16xi32>
        %shift_right_arithmetic3A_177 = arith.constant 10 : i32
        %shift_right_arithmetic3A_178 = vector.broadcast %shift_right_arithmetic3A_177 : i32 to vector<16xi32>
        %shift_right_arithmetic3A_179 = arith.shrsi %get3A_171, %shift_right_arithmetic3A_178 : vector<16xi32>
        %and3A_180 = arith.constant 2047 : i32
        %and3A_181 = vector.broadcast %and3A_180 : i32 to vector<16xi32>
        %and3A_182 = arith.andi %shift_right_arithmetic3A_179, %and3A_181 : vector<16xi32>
        %add3A_183 = arith.addi %mul3A_20, %and3A_182 : vector<16xi32>
        tpu.vector_store_idx %arg8[%add3A_183], %broadcast_in_dim3A_22 masked %eq3A_176 {add = true} : memref<33024xi32, #tpu.memory_space<vmem>>[vector<16xi32>], vector<16xi32>, vector<16xi1>
        %mul3A_184 = arith.constant 8 : i32
        %mul3A_185 = arith.muli %scan3A_46, %mul3A_184 : i32
        %add3A_186 = arith.constant 7 : i32
        %add3A_187 = arith.addi %mul3A_185, %add3A_186 : i32
        %mul3A_188 = arith.constant 16 : i32
        %mul3A_189 = arith.muli %add3A_187, %mul3A_188 : i32
        %get3A_190 = arith.index_cast %mul3A_189 : i32 to index
        %get3A_191 = tpu.vector_load %arg7[%get3A_190] {strides = array<i32>} : memref<16384xi32, #tpu.memory_space<vmem>>, vector<16xi32>,
        %shift_right_arithmetic3A_192 = arith.constant 21 : i32
        %shift_right_arithmetic3A_193 = vector.broadcast %shift_right_arithmetic3A_192 : i32 to vector<16xi32>
        %shift_right_arithmetic3A_194 = arith.shrsi %get3A_191, %shift_right_arithmetic3A_193 : vector<16xi32>
        %eq3A_195 = vector.broadcast %scan3A_9#1 : i32 to vector<16xi32>
        %eq3A_196 = arith.cmpi eq, %shift_right_arithmetic3A_194, %eq3A_195 : vector<16xi32>
        %shift_right_arithmetic3A_197 = arith.constant 10 : i32
        %shift_right_arithmetic3A_198 = vector.broadcast %shift_right_arithmetic3A_197 : i32 to vector<16xi32>
        %shift_right_arithmetic3A_199 = arith.shrsi %get3A_191, %shift_right_arithmetic3A_198 : vector<16xi32>
        %and3A_200 = arith.constant 2047 : i32
        %and3A_201 = vector.broadcast %and3A_200 : i32 to vector<16xi32>
        %and3A_202 = arith.andi %shift_right_arithmetic3A_199, %and3A_201 : vector<16xi32>
        %add3A_203 = arith.addi %mul3A_20, %and3A_202 : vector<16xi32>
        tpu.vector_store_idx %arg8[%add3A_203], %broadcast_in_dim3A_22 masked %eq3A_196 {add = true} : memref<33024xi32, #tpu.memory_space<vmem>>[vector<16xi32>], vector<16xi32>, vector<16xi1>
      }
      %scan3A_45 = arith.constant 128 : i32
    }
    %scan3A_28 = arith.constant 4 : i32
    %scan3A_29 = arith.constant 0 : i32
    %scan3A_30 = arith.constant 0 : i32
    %scan3A_31 = arith.constant 128 : i32
    %scan3A_32 = arith.addi %scan3A_30, %scan3A_31 : i32
    %scan3A_33 = arith.constant 1 : i32
    scf.for %scan3A_37 = %scan3A_30 to %scan3A_32 step %scan3A_33  : i32 {
      %mul3A_38 = arith.constant 16 : i32
      %mul3A_39 = arith.muli %scan3A_37, %mul3A_38 : i32
      %get3A = arith.index_cast %mul3A_39 : i32 to index
      %get3A_40 = tpu.vector_load %arg8[%get3A] {strides = array<i32>} : memref<33024xi32, #tpu.memory_space<vmem>>, vector<16xi32>,
      %mul3A_41 = arith.constant 16 : i32
      %mul3A_42 = arith.muli %scan3A_37, %mul3A_41 : i32
      %add3A_43 = arith.constant 2065 : i32
      %add3A_44 = arith.addi %add3A_43, %mul3A_42 : i32
      %get3A_45 = arith.index_cast %add3A_44 : i32 to index
      %get3A_46 = tpu.vector_load %arg8[%get3A_45] {strides = array<i32>} : memref<33024xi32, #tpu.memory_space<vmem>>, vector<16xi32>,
      %add3A_47 = arith.addi %get3A_40, %get3A_46 : vector<16xi32>
      %mul3A_48 = arith.constant 16 : i32
      %mul3A_49 = arith.muli %scan3A_37, %mul3A_48 : i32
      %add3A_50 = arith.constant 4130 : i32
      %add3A_51 = arith.addi %add3A_50, %mul3A_49 : i32
      %get3A_52 = arith.index_cast %add3A_51 : i32 to index
      %get3A_53 = tpu.vector_load %arg8[%get3A_52] {strides = array<i32>} : memref<33024xi32, #tpu.memory_space<vmem>>, vector<16xi32>,
      %add3A_54 = arith.addi %add3A_47, %get3A_53 : vector<16xi32>
      %mul3A_55 = arith.constant 16 : i32
      %mul3A_56 = arith.muli %scan3A_37, %mul3A_55 : i32
      %add3A_57 = arith.constant 6195 : i32
      %add3A_58 = arith.addi %add3A_57, %mul3A_56 : i32
      %get3A_59 = arith.index_cast %add3A_58 : i32 to index
      %get3A_60 = tpu.vector_load %arg8[%get3A_59] {strides = array<i32>} : memref<33024xi32, #tpu.memory_space<vmem>>, vector<16xi32>,
      %add3A_61 = arith.addi %add3A_54, %get3A_60 : vector<16xi32>
      %mul3A_62 = arith.constant 16 : i32
      %mul3A_63 = arith.muli %scan3A_37, %mul3A_62 : i32
      %add3A_64 = arith.constant 8260 : i32
      %add3A_65 = arith.addi %add3A_64, %mul3A_63 : i32
      %get3A_66 = arith.index_cast %add3A_65 : i32 to index
      %get3A_67 = tpu.vector_load %arg8[%get3A_66] {strides = array<i32>} : memref<33024xi32, #tpu.memory_space<vmem>>, vector<16xi32>,
      %add3A_68 = arith.addi %add3A_61, %get3A_67 : vector<16xi32>
      %mul3A_69 = arith.constant 16 : i32
      %mul3A_70 = arith.muli %scan3A_37, %mul3A_69 : i32
      %add3A_71 = arith.constant 10325 : i32
      %add3A_72 = arith.addi %add3A_71, %mul3A_70 : i32
      %get3A_73 = arith.index_cast %add3A_72 : i32 to index
      %get3A_74 = tpu.vector_load %arg8[%get3A_73] {strides = array<i32>} : memref<33024xi32, #tpu.memory_space<vmem>>, vector<16xi32>,
      %add3A_75 = arith.addi %add3A_68, %get3A_74 : vector<16xi32>
      %mul3A_76 = arith.constant 16 : i32
      %mul3A_77 = arith.muli %scan3A_37, %mul3A_76 : i32
      %add3A_78 = arith.constant 12390 : i32
      %add3A_79 = arith.addi %add3A_78, %mul3A_77 : i32
      %get3A_80 = arith.index_cast %add3A_79 : i32 to index
      %get3A_81 = tpu.vector_load %arg8[%get3A_80] {strides = array<i32>} : memref<33024xi32, #tpu.memory_space<vmem>>, vector<16xi32>,
      %add3A_82 = arith.addi %add3A_75, %get3A_81 : vector<16xi32>
      %mul3A_83 = arith.constant 16 : i32
      %mul3A_84 = arith.muli %scan3A_37, %mul3A_83 : i32
      %add3A_85 = arith.constant 14455 : i32
      %add3A_86 = arith.addi %add3A_85, %mul3A_84 : i32
      %get3A_87 = arith.index_cast %add3A_86 : i32 to index
      %get3A_88 = tpu.vector_load %arg8[%get3A_87] {strides = array<i32>} : memref<33024xi32, #tpu.memory_space<vmem>>, vector<16xi32>,
      %add3A_89 = arith.addi %add3A_82, %get3A_88 : vector<16xi32>
      %mul3A_90 = arith.constant 16 : i32
      %mul3A_91 = arith.muli %scan3A_37, %mul3A_90 : i32
      %add3A_92 = arith.constant 16520 : i32
      %add3A_93 = arith.addi %add3A_92, %mul3A_91 : i32
      %get3A_94 = arith.index_cast %add3A_93 : i32 to index
      %get3A_95 = tpu.vector_load %arg8[%get3A_94] {strides = array<i32>} : memref<33024xi32, #tpu.memory_space<vmem>>, vector<16xi32>,
      %add3A_96 = arith.addi %add3A_89, %get3A_95 : vector<16xi32>
      %mul3A_97 = arith.constant 16 : i32
      %mul3A_98 = arith.muli %scan3A_37, %mul3A_97 : i32
      %add3A_99 = arith.constant 18585 : i32
      %add3A_100 = arith.addi %add3A_99, %mul3A_98 : i32
      %get3A_101 = arith.index_cast %add3A_100 : i32 to index
      %get3A_102 = tpu.vector_load %arg8[%get3A_101] {strides = array<i32>} : memref<33024xi32, #tpu.memory_space<vmem>>, vector<16xi32>,
      %add3A_103 = arith.addi %add3A_96, %get3A_102 : vector<16xi32>
      %mul3A_104 = arith.constant 16 : i32
      %mul3A_105 = arith.muli %scan3A_37, %mul3A_104 : i32
      %add3A_106 = arith.constant 20650 : i32
      %add3A_107 = arith.addi %add3A_106, %mul3A_105 : i32
      %get3A_108 = arith.index_cast %add3A_107 : i32 to index
      %get3A_109 = tpu.vector_load %arg8[%get3A_108] {strides = array<i32>} : memref<33024xi32, #tpu.memory_space<vmem>>, vector<16xi32>,
      %add3A_110 = arith.addi %add3A_103, %get3A_109 : vector<16xi32>
      %mul3A_111 = arith.constant 16 : i32
      %mul3A_112 = arith.muli %scan3A_37, %mul3A_111 : i32
      %add3A_113 = arith.constant 22715 : i32
      %add3A_114 = arith.addi %add3A_113, %mul3A_112 : i32
      %get3A_115 = arith.index_cast %add3A_114 : i32 to index
      %get3A_116 = tpu.vector_load %arg8[%get3A_115] {strides = array<i32>} : memref<33024xi32, #tpu.memory_space<vmem>>, vector<16xi32>,
      %add3A_117 = arith.addi %add3A_110, %get3A_116 : vector<16xi32>
      %mul3A_118 = arith.constant 16 : i32
      %mul3A_119 = arith.muli %scan3A_37, %mul3A_118 : i32
      %add3A_120 = arith.constant 24780 : i32
      %add3A_121 = arith.addi %add3A_120, %mul3A_119 : i32
      %get3A_122 = arith.index_cast %add3A_121 : i32 to index
      %get3A_123 = tpu.vector_load %arg8[%get3A_122] {strides = array<i32>} : memref<33024xi32, #tpu.memory_space<vmem>>, vector<16xi32>,
      %add3A_124 = arith.addi %add3A_117, %get3A_123 : vector<16xi32>
      %mul3A_125 = arith.constant 16 : i32
      %mul3A_126 = arith.muli %scan3A_37, %mul3A_125 : i32
      %add3A_127 = arith.constant 26845 : i32
      %add3A_128 = arith.addi %add3A_127, %mul3A_126 : i32
      %get3A_129 = arith.index_cast %add3A_128 : i32 to index
      %get3A_130 = tpu.vector_load %arg8[%get3A_129] {strides = array<i32>} : memref<33024xi32, #tpu.memory_space<vmem>>, vector<16xi32>,
      %add3A_131 = arith.addi %add3A_124, %get3A_130 : vector<16xi32>
      %mul3A_132 = arith.constant 16 : i32
      %mul3A_133 = arith.muli %scan3A_37, %mul3A_132 : i32
      %add3A_134 = arith.constant 28910 : i32
      %add3A_135 = arith.addi %add3A_134, %mul3A_133 : i32
      %get3A_136 = arith.index_cast %add3A_135 : i32 to index
      %get3A_137 = tpu.vector_load %arg8[%get3A_136] {strides = array<i32>} : memref<33024xi32, #tpu.memory_space<vmem>>, vector<16xi32>,
      %add3A_138 = arith.addi %add3A_131, %get3A_137 : vector<16xi32>
      %mul3A_139 = arith.constant 16 : i32
      %mul3A_140 = arith.muli %scan3A_37, %mul3A_139 : i32
      %add3A_141 = arith.constant 30975 : i32
      %add3A_142 = arith.addi %add3A_141, %mul3A_140 : i32
      %get3A_143 = arith.index_cast %add3A_142 : i32 to index
      %get3A_144 = tpu.vector_load %arg8[%get3A_143] {strides = array<i32>} : memref<33024xi32, #tpu.memory_space<vmem>>, vector<16xi32>,
      %add3A_145 = arith.addi %add3A_138, %get3A_144 : vector<16xi32>
      %mul3A_146 = arith.constant 16 : i32
      %mul3A_147 = arith.muli %scan3A_37, %mul3A_146 : i32
      %swap3A = arith.index_cast %mul3A_147 : i32 to index
      %swap3A_148 = tpu.vector_load %arg9[%swap3A] {strides = array<i32>} : memref<2048xi32, #tpu.memory_space<vmem>>, vector<16xi32>,
      tpu.vector_store %arg9[%swap3A], %add3A_145 {strides = array<i32>} : memref<2048xi32, #tpu.memory_space<vmem>>, vector<16xi32>,
    }
    %scan3A_34 = arith.constant 128 : i32
    "tpu.region"() ({
      %run_scoped3A = tpu.sem_alloc : memref<!tpu.dma_semaphore, #tpu.memory_space<semaphore_mem>>
      %dma_start3A = arith.constant 0 : i32
      %dma_start3A_37 = tpu.memref_slice %arg4[%add3A, %dma_start3A] : memref<32x2048xi32, #tpu.memory_space<hbm>> -> memref<1x2048xi32, #tpu.memory_space<hbm>>
      %dma_start3A_38 = tpu.memref_squeeze %dma_start3A_37 : memref<1x2048xi32, #tpu.memory_space<hbm>> -> memref<2048xi32, #tpu.memory_space<hbm>>
      %dma_start3A_39 = arith.constant 0 : i32
      %dma_start3A_40 = tpu.memref_slice %arg4[%add3A, %dma_start3A_39] : memref<32x2048xi32, #tpu.memory_space<hbm>> -> memref<1x2048xi32, #tpu.memory_space<hbm>>
      %dma_start3A_41 = tpu.memref_squeeze %dma_start3A_40 : memref<1x2048xi32, #tpu.memory_space<hbm>> -> memref<2048xi32, #tpu.memory_space<hbm>>
      tpu.enqueue_dma source(%arg9 : memref<2048xi32, #tpu.memory_space<vmem>>) target(%dma_start3A_41 : memref<2048xi32, #tpu.memory_space<hbm>>) target_semaphore(%run_scoped3A : memref<!tpu.dma_semaphore, #tpu.memory_space<semaphore_mem>>)
      %dma_wait3A = arith.constant 0 : i32
      %dma_wait3A_42 = tpu.memref_slice %arg4[%add3A, %dma_wait3A] : memref<32x2048xi32, #tpu.memory_space<hbm>> -> memref<1x2048xi32, #tpu.memory_space<hbm>>
      %dma_wait3A_43 = tpu.memref_squeeze %dma_wait3A_42 : memref<1x2048xi32, #tpu.memory_space<hbm>> -> memref<2048xi32, #tpu.memory_space<hbm>>
      %dma_wait3A_44 = arith.constant 0 : i32
      %dma_wait3A_45 = tpu.memref_slice %arg4[%add3A, %dma_wait3A_44] : memref<32x2048xi32, #tpu.memory_space<hbm>> -> memref<1x2048xi32, #tpu.memory_space<hbm>>
      %dma_wait3A_46 = tpu.memref_squeeze %dma_wait3A_45 : memref<1x2048xi32, #tpu.memory_space<hbm>> -> memref<2048xi32, #tpu.memory_space<hbm>>
      tpu.wait_dma2 semaphore(%run_scoped3A : memref<!tpu.dma_semaphore, #tpu.memory_space<semaphore_mem>>) src(%arg9 : memref<2048xi32, #tpu.memory_space<vmem>>) dst(%dma_wait3A_46 : memref<2048xi32, #tpu.memory_space<hbm>>)
      tpu.yield
    }) : () -> ()
    %eq3A = arith.constant 0 : i32
    %eq3A_35 = arith.cmpi eq, %add3A, %eq3A : i32
    %convert_element_type3A = arith.extui %eq3A_35 : i1 to i32
    %cond3A = arith.constant 0 : i32
    %cond3A_36 = arith.cmpi ne, %convert_element_type3A, %cond3A : i32
    scf.if %cond3A_36 {
      %eq3A_37 = arith.constant 0 : i32
      %eq3A_38 = vector.broadcast %eq3A_37 : i32 to vector<16xi32>
      %eq3A_39 = arith.cmpi eq, %iota3A, %eq3A_38 : vector<16xi32>
      %eq3A_40 = arith.constant 1 : i32
      %eq3A_41 = vector.broadcast %eq3A_40 : i32 to vector<16xi32>
      %eq3A_42 = arith.cmpi eq, %iota3A, %eq3A_41 : vector<16xi32>
      %jit3A = arith.constant 0 : i32
      %broadcast_in_dim3A_43 = vector.broadcast %scan3A_9#2 : i32 to vector<16xi32>
      %broadcast_in_dim3A_44 = vector.broadcast %jit3A : i32 to vector<16xi32>
      %select_n3A = arith.select %eq3A_42, %broadcast_in_dim3A_43, %broadcast_in_dim3A_44 : vector<16xi1>, vector<16xi32>
      %broadcast_in_dim3A_45 = vector.broadcast %scan3A_9#1 : i32 to vector<16xi32>
      %select_n3A_46 = arith.select %eq3A_39, %broadcast_in_dim3A_45, %select_n3A : vector<16xi1>, vector<16xi32>
      %swap3A = arith.constant 0 : index
      %swap3A_47 = tpu.vector_load %arg10[%swap3A] {strides = array<i32>} : memref<16xi32, #tpu.memory_space<vmem>>, vector<16xi32>,
      tpu.vector_store %arg10[%swap3A], %select_n3A_46 {strides = array<i32>} : memref<16xi32, #tpu.memory_space<vmem>>, vector<16xi32>,
      "tpu.region"() ({
        %run_scoped3A = tpu.sem_alloc : memref<!tpu.dma_semaphore, #tpu.memory_space<semaphore_mem>>
        tpu.enqueue_dma source(%arg10 : memref<16xi32, #tpu.memory_space<vmem>>) target(%arg5 : memref<16xi32, #tpu.memory_space<hbm>>) target_semaphore(%run_scoped3A : memref<!tpu.dma_semaphore, #tpu.memory_space<semaphore_mem>>)
        tpu.wait_dma2 semaphore(%run_scoped3A : memref<!tpu.dma_semaphore, #tpu.memory_space<semaphore_mem>>) src(%arg10 : memref<16xi32, #tpu.memory_space<vmem>>) dst(%arg5 : memref<16xi32, #tpu.memory_space<hbm>>)
        tpu.yield
      }) : () -> ()
    } else {
    }
    return
  }
}

module attributes {stable_mosaic.version = 14 : i64} {
  func.func @_loss_map_body(%arg0: i32, %arg1: i32, %arg2: memref<1x19x128x512xf32, #tpu.memory_space<vmem>>, %arg3: memref<1x19x128x512xf32, #tpu.memory_space<vmem>>, %arg4: memref<1x128x512xf32, #tpu.memory_space<vmem>>) attributes {dimension_semantics = [#tpu.dimension_semantics<arbitrary>, #tpu.dimension_semantics<arbitrary>], iteration_bounds = array<i64: 4, 4>, scalar_prefetch = 0 : i64, scratch_operands = 0 : i64, tpu.core_type = #tpu.core_type<tc>, window_params = [{transform_indices = @transform_0, window_bounds = array<i64: 1, 19, 128, 512>}, {transform_indices = @transform_1, window_bounds = array<i64: 1, 19, 128, 512>}, {transform_indices = @transform_2, window_bounds = array<i64: 1, 128, 512>}]} {
    %get3A = arith.constant 0 : index
    %get3A_0 = arith.constant 0 : index
    %get3A_1 = arith.constant 0 : index
    %get3A_2 = arith.constant 0 : index
    %get3A_3 = vector.load %arg2[%get3A, %get3A_0, %get3A_1, %get3A_2] : memref<1x19x128x512xf32, #tpu.memory_space<vmem>>, vector<1x19x128x512xf32>
    %get3A_4 = vector.shape_cast %get3A_3 : vector<1x19x128x512xf32> to vector<19x128x512xf32>
    %get3A_5 = arith.constant 0 : index
    %get3A_6 = arith.constant 0 : index
    %get3A_7 = arith.constant 0 : index
    %get3A_8 = arith.constant 0 : index
    %get3A_9 = vector.load %arg3[%get3A_5, %get3A_6, %get3A_7, %get3A_8] : memref<1x19x128x512xf32, #tpu.memory_space<vmem>>, vector<1x19x128x512xf32>
    %get3A_10 = vector.shape_cast %get3A_9 : vector<1x19x128x512xf32> to vector<19x128x512xf32>
    %reduce_max3A = arith.constant dense<0xFF800000> : vector<128x512xf32>
    %reduce_max3A_11 = vector.multi_reduction <maximumf>, %get3A_4, %reduce_max3A [0] : vector<19x128x512xf32> to vector<128x512xf32>
    %broadcast_in_dim3A = vector.shape_cast %reduce_max3A_11 : vector<128x512xf32> to vector<1x128x512xf32>
    %sub3A = vector.broadcast %broadcast_in_dim3A : vector<1x128x512xf32> to vector<19x128x512xf32>
    %sub3A_12 = arith.subf %get3A_4, %sub3A : vector<19x128x512xf32>
    %exp3A = math.exp %sub3A_12 : vector<19x128x512xf32>
    %reduce_sum3A = arith.constant dense<0.000000e+00> : vector<128x512xf32>
    %reduce_sum3A_13 = vector.multi_reduction <add>, %exp3A, %reduce_sum3A [0] : vector<19x128x512xf32> to vector<128x512xf32>
    %reduce_sum3A_14 = arith.constant dense<0.000000e+00> : vector<128x512xf32>
    %reduce_sum3A_15 = vector.multi_reduction <add>, %get3A_10, %reduce_sum3A_14 [0] : vector<19x128x512xf32> to vector<128x512xf32>
    %mul3A = arith.mulf %get3A_10, %get3A_4 : vector<19x128x512xf32>
    %reduce_sum3A_16 = arith.constant dense<0.000000e+00> : vector<128x512xf32>
    %reduce_sum3A_17 = vector.multi_reduction <add>, %mul3A, %reduce_sum3A_16 [0] : vector<19x128x512xf32> to vector<128x512xf32>
    %log3A = math.log %reduce_sum3A_13 : vector<128x512xf32>
    %add3A = arith.addf %reduce_max3A_11, %log3A : vector<128x512xf32>
    %mul3A_18 = arith.mulf %reduce_sum3A_15, %add3A : vector<128x512xf32>
    %sub3A_19 = arith.subf %mul3A_18, %reduce_sum3A_17 : vector<128x512xf32>
    %max3A = arith.constant 0.000000e+00 : f32
    %max3A_20 = vector.broadcast %max3A : f32 to vector<128x512xf32>
    %max3A_21 = arith.maximumf %sub3A_19, %max3A_20 : vector<128x512xf32>
    %swap3A = arith.constant 0 : index
    %swap3A_22 = arith.constant 0 : index
    %swap3A_23 = arith.constant 0 : index
    %swap3A_24 = vector.load %arg4[%swap3A, %swap3A_22, %swap3A_23] : memref<1x128x512xf32, #tpu.memory_space<vmem>>, vector<1x128x512xf32>
    %swap3A_25 = vector.shape_cast %swap3A_24 : vector<1x128x512xf32> to vector<128x512xf32>
    %swap3A_26 = vector.shape_cast %max3A_21 : vector<128x512xf32> to vector<1x128x512xf32>
    tpu.vector_store %arg4[%swap3A, %swap3A_22, %swap3A_23], %swap3A_26 {strides = array<i32>} : memref<1x128x512xf32, #tpu.memory_space<vmem>>, vector<1x128x512xf32>,
    return
  }
  func.func @transform_0(%arg0: i32, %arg1: i32) -> (i32, i32, i32, i32) {
    %add3A = arith.constant 4 : i32
    %add3A_0 = arith.addi %arg0, %add3A : i32
    %c0_i32 = arith.constant 0 : i32
    %c0_i32_1 = arith.constant 0 : i32
    %c0_i32_2 = arith.constant 0 : i32
    return %add3A_0, %c0_i32, %arg1, %c0_i32_1 : i32, i32, i32, i32
  }
  func.func @transform_1(%arg0: i32, %arg1: i32) -> (i32, i32, i32, i32) {
    %add3A = arith.constant 4 : i32
    %add3A_0 = arith.addi %arg0, %add3A : i32
    %c0_i32 = arith.constant 0 : i32
    %c0_i32_1 = arith.constant 0 : i32
    %c0_i32_2 = arith.constant 0 : i32
    return %add3A_0, %c0_i32, %arg1, %c0_i32_1 : i32, i32, i32, i32
  }
  func.func @transform_2(%arg0: i32, %arg1: i32) -> (i32, i32, i32) {
    %c0_i32 = arith.constant 0 : i32
    %c0_i32_0 = arith.constant 0 : i32
    return %arg0, %arg1, %c0_i32 : i32, i32, i32
  }
}

module attributes {stable_mosaic.version = 14 : i64} {
  func.func @_loss_map_body(%arg0: i32, %arg1: i32, %arg2: memref<1x19x128x512xf32, #tpu.memory_space<vmem>>, %arg3: memref<1x19x128x512xf32, #tpu.memory_space<vmem>>, %arg4: memref<1x128x512xf32, #tpu.memory_space<vmem>>) attributes {dimension_semantics = [#tpu.dimension_semantics<arbitrary>, #tpu.dimension_semantics<arbitrary>], iteration_bounds = array<i64: 4, 4>, scalar_prefetch = 0 : i64, scratch_operands = 0 : i64, tpu.core_type = #tpu.core_type<tc>, window_params = [{transform_indices = @transform_0, window_bounds = array<i64: 1, 19, 128, 512>}, {transform_indices = @transform_1, window_bounds = array<i64: 1, 19, 128, 512>}, {transform_indices = @transform_2, window_bounds = array<i64: 1, 128, 512>}]} {
    %get3A = arith.constant 0 : index
    %get3A_0 = arith.constant 0 : index
    %get3A_1 = arith.constant 0 : index
    %get3A_2 = arith.constant 0 : index
    %get3A_3 = vector.load %arg2[%get3A, %get3A_0, %get3A_1, %get3A_2] : memref<1x19x128x512xf32, #tpu.memory_space<vmem>>, vector<1x19x128x512xf32>
    %get3A_4 = vector.shape_cast %get3A_3 : vector<1x19x128x512xf32> to vector<19x128x512xf32>
    %get3A_5 = arith.constant 0 : index
    %get3A_6 = arith.constant 0 : index
    %get3A_7 = arith.constant 0 : index
    %get3A_8 = arith.constant 0 : index
    %get3A_9 = vector.load %arg3[%get3A_5, %get3A_6, %get3A_7, %get3A_8] : memref<1x19x128x512xf32, #tpu.memory_space<vmem>>, vector<1x19x128x512xf32>
    %get3A_10 = vector.shape_cast %get3A_9 : vector<1x19x128x512xf32> to vector<19x128x512xf32>
    %reduce_max3A = arith.constant dense<0xFF800000> : vector<128x512xf32>
    %reduce_max3A_11 = vector.multi_reduction <maximumf>, %get3A_4, %reduce_max3A [0] : vector<19x128x512xf32> to vector<128x512xf32>
    %broadcast_in_dim3A = vector.shape_cast %reduce_max3A_11 : vector<128x512xf32> to vector<1x128x512xf32>
    %sub3A = vector.broadcast %broadcast_in_dim3A : vector<1x128x512xf32> to vector<19x128x512xf32>
    %sub3A_12 = arith.subf %get3A_4, %sub3A : vector<19x128x512xf32>
    %exp3A = math.exp %sub3A_12 : vector<19x128x512xf32>
    %reduce_sum3A = arith.constant dense<0.000000e+00> : vector<128x512xf32>
    %reduce_sum3A_13 = vector.multi_reduction <add>, %exp3A, %reduce_sum3A [0] : vector<19x128x512xf32> to vector<128x512xf32>
    %reduce_sum3A_14 = arith.constant dense<0.000000e+00> : vector<128x512xf32>
    %reduce_sum3A_15 = vector.multi_reduction <add>, %get3A_10, %reduce_sum3A_14 [0] : vector<19x128x512xf32> to vector<128x512xf32>
    %mul3A = arith.mulf %get3A_10, %get3A_4 : vector<19x128x512xf32>
    %reduce_sum3A_16 = arith.constant dense<0.000000e+00> : vector<128x512xf32>
    %reduce_sum3A_17 = vector.multi_reduction <add>, %mul3A, %reduce_sum3A_16 [0] : vector<19x128x512xf32> to vector<128x512xf32>
    %log3A = math.log %reduce_sum3A_13 : vector<128x512xf32>
    %add3A = arith.addf %reduce_max3A_11, %log3A : vector<128x512xf32>
    %mul3A_18 = arith.mulf %reduce_sum3A_15, %add3A : vector<128x512xf32>
    %sub3A_19 = arith.subf %mul3A_18, %reduce_sum3A_17 : vector<128x512xf32>
    %max3A = arith.constant 0.000000e+00 : f32
    %max3A_20 = vector.broadcast %max3A : f32 to vector<128x512xf32>
    %max3A_21 = arith.maximumf %sub3A_19, %max3A_20 : vector<128x512xf32>
    %swap3A = arith.constant 0 : index
    %swap3A_22 = arith.constant 0 : index
    %swap3A_23 = arith.constant 0 : index
    %swap3A_24 = vector.load %arg4[%swap3A, %swap3A_22, %swap3A_23] : memref<1x128x512xf32, #tpu.memory_space<vmem>>, vector<1x128x512xf32>
    %swap3A_25 = vector.shape_cast %swap3A_24 : vector<1x128x512xf32> to vector<128x512xf32>
    %swap3A_26 = vector.shape_cast %max3A_21 : vector<128x512xf32> to vector<1x128x512xf32>
    tpu.vector_store %arg4[%swap3A, %swap3A_22, %swap3A_23], %swap3A_26 {strides = array<i32>} : memref<1x128x512xf32, #tpu.memory_space<vmem>>, vector<1x128x512xf32>,
    return
  }
  func.func @transform_0(%arg0: i32, %arg1: i32) -> (i32, i32, i32, i32) {
    %add3A = arith.constant 0 : i32
    %add3A_0 = arith.addi %arg0, %add3A : i32
    %c0_i32 = arith.constant 0 : i32
    %c0_i32_1 = arith.constant 0 : i32
    %c0_i32_2 = arith.constant 0 : i32
    return %add3A_0, %c0_i32, %arg1, %c0_i32_1 : i32, i32, i32, i32
  }
  func.func @transform_1(%arg0: i32, %arg1: i32) -> (i32, i32, i32, i32) {
    %add3A = arith.constant 0 : i32
    %add3A_0 = arith.addi %arg0, %add3A : i32
    %c0_i32 = arith.constant 0 : i32
    %c0_i32_1 = arith.constant 0 : i32
    %c0_i32_2 = arith.constant 0 : i32
    return %add3A_0, %c0_i32, %arg1, %c0_i32_1 : i32, i32, i32, i32
  }
  func.func @transform_2(%arg0: i32, %arg1: i32) -> (i32, i32, i32) {
    %c0_i32 = arith.constant 0 : i32
    %c0_i32_0 = arith.constant 0 : i32
    return %arg0, %arg1, %c0_i32 : i32, i32, i32
  }
}

module attributes {stable_mosaic.version = 14 : i64} {
  func.func @_finish_body(%arg0: memref<1024x1024xf32, #tpu.memory_space<vmem>>, %arg1: memref<1024x1024xf32, #tpu.memory_space<vmem>>, %arg2: memref<32x2048xi32, #tpu.memory_space<vmem>>, %arg3: memref<1x16xi32, #tpu.memory_space<vmem>>, %arg4: memref<1x1xf32, #tpu.memory_space<vmem>>) attributes {dimension_semantics = [], scalar_prefetch = 0 : i64, scratch_operands = 0 : i64, tpu.core_type = #tpu.core_type<tc>} {
    %get3A = arith.constant 0 : index
    %get3A_0 = arith.constant 0 : index
    %get3A_1 = vector.load %arg2[%get3A, %get3A_0] : memref<32x2048xi32, #tpu.memory_space<vmem>>, vector<32x2048xi32>
    %convert_element_type3A = arith.sitofp %get3A_1 : vector<32x2048xi32> to vector<32x2048xf32>
    %reduce_sum3A = arith.constant dense<0.000000e+00> : vector<2048xf32>
    %reduce_sum3A_2 = vector.multi_reduction <add>, %convert_element_type3A, %reduce_sum3A [0] : vector<32x2048xf32> to vector<2048xf32>
    %broadcast_in_dim3A = vector.shape_cast %reduce_sum3A_2 : vector<2048xf32> to vector<1x2048xf32>
    %iota3A = tpu.iota {dimensions = array<i32: 0>} : vector<2048x2048xi32>
    %iota3A_3 = tpu.iota {dimensions = array<i32: 1>} : vector<2048x2048xi32>
    %ge3A = arith.cmpi sge, %iota3A, %iota3A_3 : vector<2048x2048xi32>
    %convert_element_type3A_4 = arith.extui %ge3A : vector<2048x2048xi1> to vector<2048x2048xi32>
    %convert_element_type3A_5 = arith.sitofp %convert_element_type3A_4 : vector<2048x2048xi32> to vector<2048x2048xf32>
    %dot_general3A = arith.constant dense<0.000000e+00> : vector<1x2048xf32>
    %dot_general3A_6 = tpu.matmul %broadcast_in_dim3A, %convert_element_type3A_5, %dot_general3A {dimension_numbers = #tpu.dot_dimension_numbers<[1], [0], [0], [1], [0, 0, 1, 1], [], []>, transpose_lhs_hint = false} : vector<1x2048xf32>, vector<2048x2048xf32>, vector<1x2048xf32> -> vector<1x2048xf32>
    %iota3A_7 = tpu.iota {dimensions = array<i32: 1>} : vector<1x16xi32>
    %get3A_8 = arith.constant 0 : index
    %get3A_9 = arith.constant 0 : index
    %get3A_10 = vector.load %arg3[%get3A_8, %get3A_9] : memref<1x16xi32, #tpu.memory_space<vmem>>, vector<1x16xi32>
    %eq3A = arith.constant 0 : i32
    %eq3A_11 = vector.broadcast %eq3A : i32 to vector<1x16xi32>
    %eq3A_12 = arith.cmpi eq, %iota3A_7, %eq3A_11 : vector<1x16xi32>
    %jit3A = arith.constant 0 : i32
    %broadcast_in_dim3A_13 = vector.broadcast %jit3A : i32 to vector<1x16xi32>
    %select_n3A = arith.select %eq3A_12, %get3A_10, %broadcast_in_dim3A_13 : vector<1x16xi1>, vector<1x16xi32>
    %reduce_sum3A_14 = vector.shape_cast %select_n3A : vector<1x16xi32> to vector<1x1x16xi32>
    %reduce_sum3A_15 = arith.constant dense<0> : vector<1xi32>
    %reduce_sum3A_16 = vector.multi_reduction <add>, %reduce_sum3A_14, %reduce_sum3A_15 [1, 2] : vector<1x1x16xi32> to vector<1xi32>
    %reduce_sum3A_17 = vector.shape_cast %reduce_sum3A_16 : vector<1xi32> to vector<1x1x1xi32>
    %reduce_sum3A_18 = vector.extract %reduce_sum3A_17[0, 0, 0] : i32 from vector<1x1x1xi32>
    %eq3A_19 = arith.constant 1 : i32
    %eq3A_20 = vector.broadcast %eq3A_19 : i32 to vector<1x16xi32>
    %eq3A_21 = arith.cmpi eq, %iota3A_7, %eq3A_20 : vector<1x16xi32>
    %jit3A_22 = arith.constant 0 : i32
    %broadcast_in_dim3A_23 = vector.broadcast %jit3A_22 : i32 to vector<1x16xi32>
    %select_n3A_24 = arith.select %eq3A_21, %get3A_10, %broadcast_in_dim3A_23 : vector<1x16xi1>, vector<1x16xi32>
    %reduce_sum3A_25 = vector.shape_cast %select_n3A_24 : vector<1x16xi32> to vector<1x1x16xi32>
    %reduce_sum3A_26 = arith.constant dense<0> : vector<1xi32>
    %reduce_sum3A_27 = vector.multi_reduction <add>, %reduce_sum3A_25, %reduce_sum3A_26 [1, 2] : vector<1x1x16xi32> to vector<1xi32>
    %reduce_sum3A_28 = vector.shape_cast %reduce_sum3A_27 : vector<1xi32> to vector<1x1x1xi32>
    %reduce_sum3A_29 = vector.extract %reduce_sum3A_28[0, 0, 0] : i32 from vector<1x1x1xi32>
    %convert_element_type3A_30 = arith.sitofp %reduce_sum3A_29 : i32 to f32
    %iota3A_31 = tpu.iota {dimensions = array<i32: 1>} : vector<1x2048xi32>
    %ge3A_32 = vector.broadcast %convert_element_type3A_30 : f32 to vector<1x2048xf32>
    %ge3A_33 = arith.cmpf oge, %dot_general3A_6, %ge3A_32 : vector<1x2048xf32>
    %jit3A_34 = arith.constant -1 : i32
    %broadcast_in_dim3A_35 = vector.broadcast %jit3A_34 : i32 to vector<1x2048xi32>
    %select_n3A_36 = arith.select %ge3A_33, %iota3A_31, %broadcast_in_dim3A_35 : vector<1x2048xi1>, vector<1x2048xi32>
    %reduce_max3A = vector.shape_cast %select_n3A_36 : vector<1x2048xi32> to vector<1x1x2048xi32>
    %reduce_max3A_37 = arith.constant dense<-2147483648> : vector<1xi32>
    %reduce_max3A_38 = vector.multi_reduction <maxsi>, %reduce_max3A, %reduce_max3A_37 [1, 2] : vector<1x1x2048xi32> to vector<1xi32>
    %reduce_max3A_39 = vector.shape_cast %reduce_max3A_38 : vector<1xi32> to vector<1x1x1xi32>
    %reduce_max3A_40 = vector.extract %reduce_max3A_39[0, 0, 0] : i32 from vector<1x1x1xi32>
    %shift_left3A = arith.constant 11 : i32
    %shift_left3A_41 = arith.shli %reduce_sum3A_18, %shift_left3A : i32
    %or3A = arith.ori %shift_left3A_41, %reduce_max3A_40 : i32
    %get3A_42 = arith.constant 0 : index
    %get3A_43 = arith.constant 0 : index
    %get3A_44 = vector.load %arg0[%get3A_42, %get3A_43] : memref<1024x1024xf32, #tpu.memory_space<vmem>>, vector<1024x1024xf32>
    %get3A_45 = arith.constant 0 : index
    %get3A_46 = arith.constant 0 : index
    %get3A_47 = vector.load %arg1[%get3A_45, %get3A_46] : memref<1024x1024xf32, #tpu.memory_space<vmem>>, vector<1024x1024xf32>
    %bitcast_convert_type3A = tpu.bitcast %get3A_44 : vector<1024x1024xf32> -> vector<1024x1024xi32>
    %bitcast_convert_type3A_48 = tpu.bitcast %get3A_47 : vector<1024x1024xf32> -> vector<1024x1024xi32>
    %shift_left3A_49 = arith.constant 10 : i32
    %shift_left3A_50 = arith.shli %or3A, %shift_left3A_49 : i32
    %scan3A = arith.constant 0 : i32
    %scan3A_51 = arith.constant 10 : i32
    %scan3A_52 = arith.addi %scan3A, %scan3A_51 : i32
    %scan3A_53 = arith.constant 1 : i32
    %scan3A_54 = scf.for %scan3A_95 = %scan3A to %scan3A_52 step %scan3A_53 iter_args(%scan3A_96 = %shift_left3A_50) -> (i32)  : i32 {
      %sub3A = arith.constant 9 : i32
      %sub3A_97 = arith.subi %sub3A, %scan3A_95 : i32
      %shift_left3A_98 = arith.constant 1 : i32
      %shift_left3A_99 = arith.shli %shift_left3A_98, %sub3A_97 : i32
      %or3A_100 = arith.ori %scan3A_96, %shift_left3A_99 : i32
      %ge3A_101 = vector.broadcast %or3A_100 : i32 to vector<1024x1024xi32>
      %ge3A_102 = arith.cmpi sge, %bitcast_convert_type3A, %ge3A_101 : vector<1024x1024xi32>
      %convert_element_type3A_103 = arith.extui %ge3A_102 : vector<1024x1024xi1> to vector<1024x1024xi32>
      %reduce_sum3A_104 = vector.shape_cast %convert_element_type3A_103 : vector<1024x1024xi32> to vector<1x1024x1024xi32>
      %reduce_sum3A_105 = arith.constant dense<0> : vector<1xi32>
      %reduce_sum3A_106 = vector.multi_reduction <add>, %reduce_sum3A_104, %reduce_sum3A_105 [1, 2] : vector<1x1024x1024xi32> to vector<1xi32>
      %reduce_sum3A_107 = vector.shape_cast %reduce_sum3A_106 : vector<1xi32> to vector<1x1x1xi32>
      %reduce_sum3A_108 = vector.extract %reduce_sum3A_107[0, 0, 0] : i32 from vector<1x1x1xi32>
      %ge3A_109 = vector.broadcast %or3A_100 : i32 to vector<1024x1024xi32>
      %ge3A_110 = arith.cmpi sge, %bitcast_convert_type3A_48, %ge3A_109 : vector<1024x1024xi32>
      %convert_element_type3A_111 = arith.extui %ge3A_110 : vector<1024x1024xi1> to vector<1024x1024xi32>
      %reduce_sum3A_112 = vector.shape_cast %convert_element_type3A_111 : vector<1024x1024xi32> to vector<1x1024x1024xi32>
      %reduce_sum3A_113 = arith.constant dense<0> : vector<1xi32>
      %reduce_sum3A_114 = vector.multi_reduction <add>, %reduce_sum3A_112, %reduce_sum3A_113 [1, 2] : vector<1x1024x1024xi32> to vector<1xi32>
      %reduce_sum3A_115 = vector.shape_cast %reduce_sum3A_114 : vector<1xi32> to vector<1x1x1xi32>
      %reduce_sum3A_116 = vector.extract %reduce_sum3A_115[0, 0, 0] : i32 from vector<1x1x1xi32>
      %add3A_117 = arith.addi %reduce_sum3A_108, %reduce_sum3A_116 : i32
      %ge3A_118 = arith.constant 1468006 : i32
      %ge3A_119 = arith.cmpi sge, %add3A_117, %ge3A_118 : i32
      %select_n3A_120 = arith.select %ge3A_119, %or3A_100, %scan3A_96 : i32
      scf.yield %select_n3A_120 : i32
    }
    %scan3A_55 = arith.constant 10 : i32
    %bitcast_convert_type3A_56 = arith.bitcast %scan3A_54 : i32 to f32
    %ge3A_57 = vector.broadcast %bitcast_convert_type3A_56 : f32 to vector<1024x1024xf32>
    %ge3A_58 = arith.cmpf oge, %get3A_44, %ge3A_57 : vector<1024x1024xf32>
    %ge3A_59 = vector.broadcast %bitcast_convert_type3A_56 : f32 to vector<1024x1024xf32>
    %ge3A_60 = arith.cmpf oge, %get3A_47, %ge3A_59 : vector<1024x1024xf32>
    %jit3A_61 = arith.constant 0.000000e+00 : f32
    %broadcast_in_dim3A_62 = vector.broadcast %jit3A_61 : f32 to vector<1024x1024xf32>
    %select_n3A_63 = arith.select %ge3A_58, %get3A_44, %broadcast_in_dim3A_62 : vector<1024x1024xi1>, vector<1024x1024xf32>
    %reduce_sum3A_64 = vector.shape_cast %select_n3A_63 : vector<1024x1024xf32> to vector<1x1024x1024xf32>
    %reduce_sum3A_65 = arith.constant dense<0.000000e+00> : vector<1xf32>
    %reduce_sum3A_66 = vector.multi_reduction <add>, %reduce_sum3A_64, %reduce_sum3A_65 [1, 2] : vector<1x1024x1024xf32> to vector<1xf32>
    %reduce_sum3A_67 = vector.shape_cast %reduce_sum3A_66 : vector<1xf32> to vector<1x1x1xf32>
    %reduce_sum3A_68 = vector.extract %reduce_sum3A_67[0, 0, 0] : f32 from vector<1x1x1xf32>
    %jit3A_69 = arith.constant 0.000000e+00 : f32
    %broadcast_in_dim3A_70 = vector.broadcast %jit3A_69 : f32 to vector<1024x1024xf32>
    %select_n3A_71 = arith.select %ge3A_60, %get3A_47, %broadcast_in_dim3A_70 : vector<1024x1024xi1>, vector<1024x1024xf32>
    %reduce_sum3A_72 = vector.shape_cast %select_n3A_71 : vector<1024x1024xf32> to vector<1x1024x1024xf32>
    %reduce_sum3A_73 = arith.constant dense<0.000000e+00> : vector<1xf32>
    %reduce_sum3A_74 = vector.multi_reduction <add>, %reduce_sum3A_72, %reduce_sum3A_73 [1, 2] : vector<1x1024x1024xf32> to vector<1xf32>
    %reduce_sum3A_75 = vector.shape_cast %reduce_sum3A_74 : vector<1xf32> to vector<1x1x1xf32>
    %reduce_sum3A_76 = vector.extract %reduce_sum3A_75[0, 0, 0] : f32 from vector<1x1x1xf32>
    %add3A = arith.addf %reduce_sum3A_68, %reduce_sum3A_76 : f32
    %convert_element_type3A_77 = arith.extui %ge3A_58 : vector<1024x1024xi1> to vector<1024x1024xi32>
    %reduce_sum3A_78 = vector.shape_cast %convert_element_type3A_77 : vector<1024x1024xi32> to vector<1x1024x1024xi32>
    %reduce_sum3A_79 = arith.constant dense<0> : vector<1xi32>
    %reduce_sum3A_80 = vector.multi_reduction <add>, %reduce_sum3A_78, %reduce_sum3A_79 [1, 2] : vector<1x1024x1024xi32> to vector<1xi32>
    %reduce_sum3A_81 = vector.shape_cast %reduce_sum3A_80 : vector<1xi32> to vector<1x1x1xi32>
    %reduce_sum3A_82 = vector.extract %reduce_sum3A_81[0, 0, 0] : i32 from vector<1x1x1xi32>
    %convert_element_type3A_83 = arith.extui %ge3A_60 : vector<1024x1024xi1> to vector<1024x1024xi32>
    %reduce_sum3A_84 = vector.shape_cast %convert_element_type3A_83 : vector<1024x1024xi32> to vector<1x1024x1024xi32>
    %reduce_sum3A_85 = arith.constant dense<0> : vector<1xi32>
    %reduce_sum3A_86 = vector.multi_reduction <add>, %reduce_sum3A_84, %reduce_sum3A_85 [1, 2] : vector<1x1024x1024xi32> to vector<1xi32>
    %reduce_sum3A_87 = vector.shape_cast %reduce_sum3A_86 : vector<1xi32> to vector<1x1x1xi32>
    %reduce_sum3A_88 = vector.extract %reduce_sum3A_87[0, 0, 0] : i32 from vector<1x1x1xi32>
    %add3A_89 = arith.addi %reduce_sum3A_82, %reduce_sum3A_88 : i32
    %convert_element_type3A_90 = arith.sitofp %add3A_89 : i32 to f32
    %add3A_91 = arith.constant 1.000000e-07 : f32
    %add3A_92 = arith.addf %convert_element_type3A_90, %add3A_91 : f32
    %div3A = arith.divf %add3A, %add3A_92 : f32
    %reshape3A = vector.broadcast %div3A : f32 to vector<1x1xf32>
    %swap3A = arith.constant 0 : index
    %swap3A_93 = arith.constant 0 : index
    %swap3A_94 = vector.load %arg4[%swap3A, %swap3A_93] : memref<1x1xf32, #tpu.memory_space<vmem>>, vector<1x1xf32>
    tpu.vector_store %arg4[%swap3A, %swap3A_93], %reshape3A {strides = array<i32>} : memref<1x1xf32, #tpu.memory_space<vmem>>, vector<1x1xf32>,
    return
  }
}

</mosaic_0001>

<sc_bundles>
// kernel: kernel.11.cloned.1.call-start
scs
__scs_entry_jumppad:
0x0: {  	(pc) =	sbr.rel $0x88, $3  }
0x1: {  	(tag) =	ssettag $0x0;
	lr =	simm.s32 $0x1  }
0x2: {  	[smem:$0x3F9F] =	sst lr;
	_ =	strace $0xD0000000  }
0x3: {  	_ = 	snop  }
0x4: {  	_ = 	snop  }
0x5: {  	_ = 	snop  }
0x6: {  	_ = 	snop  }
0x7: {  	_ = 	snop  }
__scs_overlays_trampoline_lowered:
0x8: {  	[smem:$0x3FAE] =	sst s0  }
0x9: {  	[smem:$0x3FAF] =	sst s1  }
0xa: {  	[smem:$0x3FB0] =	sst s2  }
0xb: {  	[smem:$0x3FB1] =	sst s3  }
0xc: {  	[smem:$0x3FB2] =	sst s4  }
0xd: {  	[smem:$0x3FB3] =	sst s5  }
0xe: {  	[smem:$0x3FB4] =	sst s6  }
0xf: {  	[smem:$0x3FB5] =	sst s7  }
0x10: {  	[smem:$0x3FB6] =	sst s8  }
0x11: {  	[smem:$0x3FB7] =	sst s9;
	s0 =	simm.s32 @!p0 $0x0  }
0x12: {  	s1 =	sld [smem:$0x3F9D];
	s0 =	simm.s32 @p0 $0x1  }
0x13: {  	[smem:$0x3FB8] =	sst s0;
	s0 =	simm.s32 @!p1 $0x0  }
0x14: {  	s2 =	sld [smem:$0x3F9C];
	s0 =	simm.s32 @p1 $0x1  }
0x15: {  	[smem:$0x3FB9] =	sst s0;
	s0 =	simm.s32 @!p2 $0x0  }
0x16: {  	s3 =	sld [smem:$0x3FDB];
	s0 =	simm.s32 @p2 $0x1  }
0x17: {  	s4 =	simm.s32 $0x1BF5;
	[smem:$0x3FBB] =	sst s0  }
0x18: {  	s0 =	sld [smem:$0x3F9E];
	_ =	swait.ge [sflag:s4], $0x0  }
0x19: {  	s7 =	sld [smem:$0x3F9F]  }
0x1a: {  	s8 =	sadd.s32 $0xFFFFE003, lr  }
0x1b: {  	s9 =	sadd.s32 $0xFFFFFEF7, lr;
	s5 =	simm.s32 $0xFFFFFFFF;
	p2 =	slt.u32 s8, $0xFFFFF086  }
0x1c: {  	p1 =	slt.u32 s9, $0xF7A;
	s5 =	simm.s32 @!p2 $0x0  }
0x1d: {  	s5 =	simm.s32 @p1 $0x1;
	p0 =	seq.s32 s7, s2  }
0x1e: {  	s7 =	smul.u32 @!p0 $0xF7A, s2;
	p2 =	seq.s32 @!p0 s5, $0x0  }
0x1f: {  	s9 =	smul.u32 $0xF7A, s1;
	s8 =	simm.s32 @!p0 $0x1BF5;
	p2 =	por !p2, p0  }
0x20: {  	[sflag:s8] =	ssyncset.s32 @!p0 $0xFFFFF086;
	s6 =	sadd.s32 @!p0 s3, s7;
	s7 =	simm.s32 @!p0 $0x108  }
0x21: {  	s3 =	sadd.s32 s3, s9;
	s6 =	sadd.s32 @!p0 $0x88, s6;
	s7 =	simm.s32 @p2 $0x1082  }
0x22: {  	[simem:s7], [sflag:s8] =	dma.local @!p0 [hbm:s6], $0xF7A  }
0x23: {  	s9 =	sor.u32 $0xD0000000, s2;
	s6 =	simm.s32 $0x108;
	_ =	swait.ge @!p0 [sflag:s8], $0x0  }
0x24: {  	s3 =	sadd.s32 $0x88, s3;
	s6 =	simm.s32 @!p1 $0x1082;
	[sflag:s4] =	ssyncset.s32 $0xFFFFF086  }
0x25: {  	[simem:s6], [sflag:s4] =	dma.local [hbm:s3], $0xF7A  }
0x26: {  	[smem:$0x3F9F] =	sst s1;
	(tag) =	ssettag s2;
	_ =	strace s9  }
0x27: {  	s1 =	sld [smem:$0x3FAF]  }
0x28: {  	s2 =	sld [smem:$0x3FB0]  }
0x29: {  	s4 =	sld [smem:$0x3FB2]  }
0x2a: {  	p0 =	seq.s32 s5, $0x0;
	s5 =	sld [smem:$0x3FB3]  }
0x2b: {  	s6 =	sld [smem:$0x3FB4]  }
0x2c: {  	s7 =	sld [smem:$0x3FB5]  }
0x2d: {  	s3 =	simm.s32 $0x108;
	s8 =	sld [smem:$0x3FB6]  }
0x2e: {  	s3 =	simm.s32 @!p0 $0x1082;
	s9 =	sld [smem:$0x3FB7]  }
0x2f: {  	lr =	sadd.s32 s0, s3;
	s0 =	sld [smem:$0x3FAE]  }
0x30: {  	s3 =	sld [smem:$0x3FB1]  }
0x31: {  	[smem:$0x3FBA] =	sst s10  }
0x32: {  	s10 =	sld [smem:$0x3FB8];
	_ =	sdelay $0x3  }
0x33: {  	p0 =	seq.s32 s10, $0x1;
	s10 =	sld [smem:$0x3FBA];
	_ =	sdelay $0x3  }
0x34: {  	[smem:$0x3FBA] =	sst s10  }
0x35: {  	s10 =	sld [smem:$0x3FB9];
	_ =	sdelay $0x3  }
0x36: {  	p1 =	seq.s32 s10, $0x1;
	s10 =	sld [smem:$0x3FBA];
	_ =	sdelay $0x3  }
0x37: {  	[smem:$0x3FBA] =	sst s10  }
0x38: {  	s10 =	sld [smem:$0x3FBB]  }
0x39: {  	_ = 	snop;
	(pc) =	sbr.ind lr, $3  }
0x3a: {  	_ = 	snop  }
0x3b: {  	_ = 	snop  }
0x3c: {  	p2 =	seq.s32 s10, $0x1;
	s10 =	sld [smem:$0x3FBA]  }
0x3d: {  	_ =	shalt  }
0x3e: {  	_ =	shalt  }
0x3f: {  	_ =	shalt  }
0x40: {  	_ =	shalt  }
0x41: {  	_ =	shalt  }
0x42: {  	_ =	shalt  }
0x43: {  	_ =	shalt  }
0x44: {  	_ =	shalt  }
0x45: {  	_ =	shalt  }
0x46: {  	_ =	shalt  }
0x47: {  	_ =	shalt  }
0x48: {  	_ =	shalt  }
0x49: {  	_ =	shalt  }
0x4a: {  	_ =	shalt  }
0x4b: {  	_ =	shalt  }
0x4c: {  	_ =	shalt  }
0x4d: {  	_ =	shalt  }
0x4e: {  	_ =	shalt  }
0x4f: {  	_ =	shalt  }
0x50: {  	_ =	shalt  }
0x51: {  	_ =	shalt  }
0x52: {  	_ =	shalt  }
0x53: {  	_ =	shalt  }
0x54: {  	_ =	shalt  }
0x55: {  	_ =	shalt  }
0x56: {  	_ =	shalt  }
0x57: {  	_ =	shalt  }
0x58: {  	_ =	shalt  }
0x59: {  	_ =	shalt  }
0x5a: {  	_ =	shalt  }
0x5b: {  	_ =	shalt  }
0x5c: {  	_ =	shalt  }
0x5d: {  	_ =	shalt  }
0x5e: {  	_ =	shalt  }
0x5f: {  	_ =	shalt  }
0x60: {  	_ =	shalt  }
0x61: {  	_ =	shalt  }
0x62: {  	_ =	shalt  }
0x63: {  	_ =	shalt  }
0x64: {  	_ =	shalt  }
0x65: {  	_ =	shalt  }
0x66: {  	_ =	shalt  }
0x67: {  	_ =	shalt  }
0x68: {  	_ =	shalt  }
0x69: {  	_ =	shalt  }
0x6a: {  	_ =	shalt  }
0x6b: {  	_ =	shalt  }
0x6c: {  	_ =	shalt  }
0x6d: {  	_ =	shalt  }
0x6e: {  	_ =	shalt  }
0x6f: {  	_ =	shalt  }
0x70: {  	_ =	shalt  }
0x71: {  	_ =	shalt  }
0x72: {  	_ =	shalt  }
0x73: {  	_ =	shalt  }
0x74: {  	_ =	shalt  }
0x75: {  	_ =	shalt  }
0x76: {  	_ =	shalt  }
0x77: {  	_ =	shalt  }
0x78: {  	_ =	shalt  }
0x79: {  	_ =	shalt  }
0x7a: {  	_ =	shalt  }
0x7b: {  	_ =	shalt  }
0x7c: {  	_ =	shalt  }
0x7d: {  	_ =	shalt  }
0x7e: {  	_ =	shalt  }
0x7f: {  	_ =	shalt  }
0x80: {  	_ =	shalt  }
0x81: {  	_ =	shalt  }
0x82: {  	_ =	shalt  }
0x83: {  	_ =	shalt  }
0x84: {  	_ =	shalt  }
0x85: {  	_ =	shalt  }
0x86: {  	_ =	shalt  }
0x87: {  	_ =	shalt  }
.Lfunc_end0:
.L_simem_size_0:
called_computation.1_lowered:
.L_overlay_start_0:
0x88: {  	s2 =	sld [smem:$0x3FD9]  }
0x89: {  	s3 =	sld [smem:$0x3FFE];
	_ =	sdelay $0x1  }
0x8a: {  	s1 =	srdreg.scid  }
0x8b: {  	s0 =	sand.u32 $0x1, s1  }
0x8c: {  	s16 =	sshll.u32 s0, $0xA;
	s2 =	sadd.s32 s3, s2  }
0x8d: {  	s2 =	sadd.s32 s2, s16  }
0x8e: {  	[smem:$0x3FC6] =	sst s2  }
0x8f: {  	_ = 	snop  }
0x90: {  	(tm) =	ssettm $0x1  }
0x91: {  	s17 =	sld [smem:$0x3FFB];
	_ =	sdelay $0x3  }
0x92: {  	_ =	strace s17  }
0x93: {  	s2 =	sld [smem:$0x3FFC];
	_ =	sdelay $0x3  }
0x94: {  	_ =	strace s2  }
0x95: {  	s2 =	sld [smem:$0x3FFD];
	_ =	sdelay $0x3  }
0x96: {  	_ =	strace s2  }
0x97: {  	_ =	strace $0x8FFFFFFF  }
0x98: {  	s18 =	sld [smem:$0x3FDB];
	_ =	sdelay $0x1  }
0x99: {  	s19 =	simm.s32 $_scs_section_size  }
0x9a: {  	s4 =	simm.s32 $_size__tile_overlayer_lowered;
	s5 =	simm.s32 $_tile_overlayer_lowered  }
0x9b: {  	s22 =	simm.s32 $0x1BFF;
	s21 =	sshll.u32 s5, $0x1;
	s2 =	sadd.s32 s19, s18  }
0x9c: {  	s6 =	simm.s32 $0x0;
	s20 =	sshll.u32 s4, $0x1;
	s4 =	sadd.s32 s21, s2  }
0x9d: {  	[timem:s6], [sflag:s22] =	dma.local [hbm:s4], s20  }
0x9e: {  	_ =	swait.ge [sflag:s22], s20  }
0x9f: {  	s3 =	ssub.s32 $0x0, s20;
	[sflag:s22] =	ssyncset.done $0x0  }
0xa0: {  	[sflag:s22] =	ssyncadd.s32 s3;
	_ =	sdelay $0x1  }
0xa1: {  	s23 =	simm.s32 $0x1B8B  }
0xa2: {  	_ =	swait.ge [sflag:s23], $0x1  }
0xa3: {  	[sflag:s23] =	ssyncset.done $0x0  }
0xa4: {  	s25 =	simm.s32 $0x1B8E;
	s24 =	sld [smem:$0x3FFE];
	[sflag:s23] =	ssyncadd.s32 $0xFFFFFFFF  }
0xa5: {  	s26 =	simm.s32 $execute0_lowered;
	[smem:$0x3FD2] =	sst s25  }
0xa6: {  	s4 =	sshll.u32 s26, $0x1;
	_ =	strace $0x80000046;
	[dreg:$0x1] =	wrdreg $0xFFFFFFFF  }
0xa7: {  	s28 =	simm.s32 $_size_execute0_lowered;
	s2 =	sadd.s32 s2, s4;
	[dreg:$0x0] =	wrdreg $0x0  }
0xa8: {  	s4 =	sshll.u32 s28, $0x1;
	[dreg:$0x2] =	wrdreg s2  }
0xa9: {  	[dreg:$0x3] =	wrdreg s4  }
0xaa: {  	[dreg:$0x4] =	wrdreg $0xC0  }
0xab: {  	_ =	task [dreg:s6], $0x5FFFF  }
0xac: {  	[dreg:$0x1] =	wrdreg $0xFFFFFFFF  }
0xad: {  	[dreg:$0x0] =	wrdreg $0x60  }
0xae: {  	[dreg:$0x2] =	wrdreg s24  }
0xaf: {  	[dreg:$0x3] =	wrdreg $0xA  }
0xb0: {  	_ =	task.clear_ibuf [dreg:s6], $0x4FFFF;
	_ =	strace $0x90000046  }
0xb1: {  	s29 =	simm.s32 $0xA;
	_ =	strace $0x80000048  }
0xb2: {  	_ =	swait.ge [sflag:s29], $0x1  }
0xb3: {  	[sflag:s29] =	ssyncadd.s32 $0xFFFFFFFF  }
0xb4: {  	_ =	strace $0x90000048  }
0xb5: {  	_ =	sfence  }
0xb6: {  	s30 =	sld [smem:$0x0];
	_ =	sdelay $0x2  }
0xb7: {  	s31 =	sshll.u32 s1, $0xD;
	s1 =	sshrl.u32 s1, $0x2  }
0xb8: {  	s3 =	sand.u32 $0x4000, s31;
	s1 =	sadd.s32 s1, s30  }
0xb9: {  	s0 =	sor.u32 s3, s0;
	s1 =	sshll.u32 s1, $0x11  }
0xba: {  	s0 =	sor.u32 s1, s0  }
0xbb: {  	s0 =	sadd.s32 $0x8F2B, s0  }
0xbc: {  	[sflag:s0] =	ssyncadd.remote.s32 $0x1  }
0xbd: {  	_ =	sfence.sel $0xFFFF  }
0xbe: {  	[dreg:$0x0] =	wrdreg $0xFFFFFFFF;
	(pc) =	sbr.abs _section_cstart, $3  }
0xbf: {  	[dreg:$0x1] =	wrdreg $0xFFFFFFFF  }
0xc0: {  	_ =	task.clear_ibuf [dreg:s6], $0x2FFFF;
	_ =	strace $0x9FFFFFFF  }
0xc1: {  	(tm) =	ssettm $0x7FFFFFFF  }
tec
execute0_lowered:
.L_overlay_start_1:
0x0: {  	(tag) =	ssettag $0x1  }
0x1: {  	s3 =	rddreg [dreg:$0x0]  }
0x2: {  	s0 =	rddreg [dreg:$0x1];
	s2 =	simm.s32 $0x0  }
0x3: {  	s4 =	srdreg.scid;
	s1 =	stileid.u32;
	s8 =	simm.s32 $0x1  }
0x4: {  	s9 =	simm.s32 $0x8000;
	s10 =	simm.s32 $0xC100;
	s11 =	simm.s32 $0x0  }
0x5: {  	[smem:$0x7FF] =	sst s2;
	s4 =	sand.u32 $0x1, s4;
	s5 =	sshll.u32 s1, $0x8  }
0x6: {  	s6 =	sshrl.u32 s1, $0x2;
	s7 =	sshll.u32 s4, $0x7;
	s5 =	sand.u32 $0x300, s5  }
0x7: {  	s29 =	sshll.u32 s6, $0x12;
	s6 =	sshll.u32 s6, $0xD;
	s5 =	sor.u32 s7, s5  }
0x8: {  	_ =	strace $0x80000047;
	s7 =	sor.u32 s29, s5;
	s5 =	sor.u32 s6, s5  }
0x9: {  	s4 =	ssub.s32 $0x2, s4;
	s30 =	sshrl.u32 s7, $0x3;
	s5 =	sshrl.u32 s5, $0x3  }
0xa: {  	s31 =	sshrl.u32 s4, $0x1;
	s6 =	sadd.s32 s30, s3;
	s5 =	sadd.s32 s5, s3  }
0xb: {  	v1 =	vlaneseq.u32;
	s7 =	ssub.s32 s4, s31;
	s3 =	sadd.s32 $0x1800, s6;
	s4 =	sadd.s32 $0x21800, s5  }
0xc: {  	v0 =	vimm.s32 $0x0;
	v2 =	vimm.s32 $0x1;
	v1 =	vmul.u32 $0x411, v1;
	s5 =	smax.u32 s7, $0x1;
	s6 =	simm.s32 $0x80;
	s7 =	simm.s32 $0x400  }
.LBB2_1:
0xd: {  	[tilespmem:s2], [sflag:$0x1] =	stream.strided.gather [hbm4b:s3+s6], $0x8000, s7, s6, $0x38;
	[tilespmem:$0xC500] =	vst v63  }
0xe: {  	_ =	swait.ge [sflag:s8], $0x8000  }
0xf: {  	[sflag:s8] =	ssyncset.done $0x0  }
0x10: {  	s13 =	simm.s32 $0x0;
	s12 =	simm.s32 $0x200;
	[sflag:s8] =	ssyncadd.s32 $0xFFFF8000  }
.LBB2_2:
0x11: {  	p0 =	sne.s32 s12, $0x10200;
	[tilespmem:s13+$0x8070] =	vst v0  }
0x12: {  	[tilespmem:s13+$0x8000] =	vst v0  }
0x13: {  	[tilespmem:s13+$0x8010] =	vst v0  }
.Ltmp0:
0x14: {  	[tilespmem:s13+$0x8020] =	vst v0;
	(pc) =	sbr.rel @p0 .LBB2_2-.Ltmp0, $4  }
0x15: {  	[tilespmem:s13+$0x8030] =	vst v0  }
0x16: {  	[tilespmem:s13+$0x8040] =	vst v0  }
0x17: {  	[tilespmem:s13+$0x8050] =	vst v0  }
0x18: {  	[tilespmem:s13+$0x8060] =	vst v0;
	s13 =	sshra.s32 s12, $0x2;
	s12 =	sadd.s32 $0x200, s12  }
0x19: {  	[tilespmem:s13+$0x8070] =	vst v0  }
0x1a: {  	[tilespmem:s13+$0x8000] =	vst v0  }
0x1b: {  	[tilespmem:s13+$0x8010] =	vst v0  }
0x1c: {  	[tilespmem:s13+$0x8020] =	vst v0  }
0x1d: {  	[tilespmem:s13+$0x8030] =	vst v0  }
0x1e: {  	[tilespmem:s13+$0x8040] =	vst v0  }
0x1f: {  	[tilespmem:s13+$0x8050] =	vst v0  }
0x20: {  	s12 =	simm.s32 $0x0;
	[tilespmem:s13+$0x8060] =	vst v0  }
.LBB2_4:
0x21: {  	s13 =	sshra.s32 s12, $0x2  }
0x22: {  	v3 =	vld [tilespmem:s13+$0x0];
	_ =	sdelay $0x4  }
0x23: {  	v3 =	vshra.s32 v3, $0x15  }
0x24: {  	v3 =	vadd.s32 v1, v3;
	_ =	sdelay $0x4  }
0x25: {  	[tilespmem:v3+s9+$0x0] =	vst.idx.add.s32.msk $0xffff, v2  }
0x26: {  	v3 =	vld [tilespmem:s13+$0x10];
	_ =	sdelay $0x4  }
0x27: {  	v3 =	vshra.s32 v3, $0x15  }
0x28: {  	v3 =	vadd.s32 v1, v3;
	_ =	sdelay $0x4  }
0x29: {  	[tilespmem:v3+s9+$0x0] =	vst.idx.add.s32.msk $0xffff, v2  }
0x2a: {  	v3 =	vld [tilespmem:s13+$0x20];
	_ =	sdelay $0x4  }
0x2b: {  	v3 =	vshra.s32 v3, $0x15  }
0x2c: {  	v3 =	vadd.s32 v1, v3;
	_ =	sdelay $0x4  }
0x2d: {  	[tilespmem:v3+s9+$0x0] =	vst.idx.add.s32.msk $0xffff, v2  }
0x2e: {  	v3 =	vld [tilespmem:s13+$0x30];
	_ =	sdelay $0x4  }
0x2f: {  	v3 =	vshra.s32 v3, $0x15  }
0x30: {  	v3 =	vadd.s32 v1, v3;
	_ =	sdelay $0x4  }
0x31: {  	[tilespmem:v3+s9+$0x0] =	vst.idx.add.s32.msk $0xffff, v2  }
0x32: {  	v3 =	vld [tilespmem:s13+$0x40];
	_ =	sdelay $0x4  }
0x33: {  	v3 =	vshra.s32 v3, $0x15  }
0x34: {  	v3 =	vadd.s32 v1, v3;
	_ =	sdelay $0x4  }
0x35: {  	[tilespmem:v3+s9+$0x0] =	vst.idx.add.s32.msk $0xffff, v2  }
0x36: {  	v3 =	vld [tilespmem:s13+$0x50];
	_ =	sdelay $0x4  }
0x37: {  	v3 =	vshra.s32 v3, $0x15  }
0x38: {  	v3 =	vadd.s32 v1, v3;
	_ =	sdelay $0x4  }
0x39: {  	[tilespmem:v3+s9+$0x0] =	vst.idx.add.s32.msk $0xffff, v2  }
0x3a: {  	v3 =	vld [tilespmem:s13+$0x60];
	_ =	sdelay $0x4  }
0x3b: {  	v3 =	vshra.s32 v3, $0x15  }
0x3c: {  	v3 =	vadd.s32 v1, v3;
	_ =	sdelay $0x4  }
0x3d: {  	[tilespmem:v3+s9+$0x0] =	vst.idx.add.s32.msk $0xffff, v2  }
0x3e: {  	v3 =	vld [tilespmem:s13+$0x70];
	_ =	sdelay $0x4  }
0x3f: {  	v3 =	vshra.s32 v3, $0x15  }
0x40: {  	p0 =	sne.s32 s12, $0x1FE00;
	v3 =	vadd.s32 v1, v3  }
.Ltmp1:
0x41: {  	_ = 	snop;
	(pc) =	sbr.rel @p0 .LBB2_4-.Ltmp1, $2  }
0x42: {  	_ =	sdelay $0x2  }
0x43: {  	s12 =	sadd.s32 $0x200, s12;
	[tilespmem:v3+s9+$0x0] =	vst.idx.add.s32.msk $0xffff, v2  }
0x44: {  	s12 =	simm.s32 $0x0  }
0x45: {  	v3 =	vld [tilespmem:s12+$0x8000]  }
0x46: {  	v4 =	vld [tilespmem:s12+$0x8411]  }
0x47: {  	v5 =	vld [tilespmem:s12+$0x8822]  }
0x48: {  	v6 =	vld [tilespmem:s12+$0x8C33]  }
0x49: {  	v7 =	vld [tilespmem:s12+$0x9044]  }
0x4a: {  	v8 =	vld [tilespmem:s12+$0x9455]  }
0x4b: {  	v3 =	vadd.s32 v3, v4;
	v4 =	vld [tilespmem:s12+$0x9866]  }
0x4c: {  	v3 =	vadd.s32 v5, v3;
	v5 =	vld [tilespmem:s12+$0x9C77]  }
0x4d: {  	v3 =	vadd.s32 v6, v3;
	v6 =	vld [tilespmem:s12+$0xA088]  }
0x4e: {  	v3 =	vadd.s32 v7, v3;
	v7 =	vld [tilespmem:s12+$0xA499]  }
0x4f: {  	v3 =	vadd.s32 v8, v3;
	v8 =	vld [tilespmem:s12+$0xA8AA]  }
0x50: {  	v9 =	vld [tilespmem:s12+$0xACBB];
	v3 =	vadd.s32 v4, v3  }
0x51: {  	v4 =	vld [tilespmem:s12+$0xB0CC];
	v3 =	vadd.s32 v5, v3  }
0x52: {  	v5 =	vld [tilespmem:s12+$0xB4DD];
	v3 =	vadd.s32 v6, v3  }
0x53: {  	v6 =	vld [tilespmem:s12+$0xB8EE];
	v3 =	vadd.s32 v7, v3  }
0x54: {  	s13 =	simm.s32 $0x10;
	v7 =	vld [tilespmem:s12+$0xBCFF];
	v8 =	vadd.s32 v8, v3  }
0x55: {  	s14 =	simm.s32 $0x80;
	v3 =	vld [tilespmem:s13+$0x8000];
	v8 =	vadd.s32 v9, v8  }
.LBB2_6:
0x56: {  	p0 =	sne.s32 s14, $0xFC0;
	v9 =	vld [tilespmem:s13+$0x8411];
	v4 =	vadd.s32 v4, v8  }
0x57: {  	v8 =	vld [tilespmem:s13+$0x8822];
	v4 =	vadd.s32 v5, v4  }
0x58: {  	v5 =	vld [tilespmem:s13+$0x8C33];
	v4 =	vadd.s32 v6, v4  }
0x59: {  	v6 =	vld [tilespmem:s13+$0x9044];
	v4 =	vadd.s32 v7, v4  }
0x5a: {  	v7 =	vld [tilespmem:s13+$0x9455];
	[tilespmem:s12+$0xC100] =	vst v4;
	s12 =	smov.u32 s13  }
0x5b: {  	v3 =	vadd.s32 v3, v9;
	v4 =	vld [tilespmem:s12+$0x9866]  }
0x5c: {  	v3 =	vadd.s32 v8, v3;
	v8 =	vld [tilespmem:s12+$0x9C77]  }
0x5d: {  	v3 =	vadd.s32 v5, v3;
	v5 =	vld [tilespmem:s12+$0xA088]  }
0x5e: {  	v3 =	vadd.s32 v6, v3;
	v6 =	vld [tilespmem:s12+$0xA499]  }
0x5f: {  	v3 =	vadd.s32 v7, v3;
	v7 =	vld [tilespmem:s12+$0xA8AA]  }
0x60: {  	v3 =	vadd.s32 v4, v3;
	v9 =	vld [tilespmem:s12+$0xACBB]  }
.Ltmp2:
0x61: {  	v3 =	vadd.s32 v8, v3;
	v4 =	vld [tilespmem:s12+$0xB0CC];
	(pc) =	sbr.rel @p0 .LBB2_6-.Ltmp2, $4  }
0x62: {  	v3 =	vadd.s32 v5, v3;
	v5 =	vld [tilespmem:s12+$0xB4DD]  }
0x63: {  	v3 =	vadd.s32 v6, v3;
	v6 =	vld [tilespmem:s12+$0xB8EE]  }
0x64: {  	s13 =	sshra.s32 s14, $0x2;
	v8 =	vadd.s32 v7, v3;
	v7 =	vld [tilespmem:s12+$0xBCFF]  }
0x65: {  	s14 =	sadd.s32 $0x40, s14;
	v3 =	vld [tilespmem:s13+$0x8000];
	v8 =	vadd.s32 v9, v8  }
0x66: {  	v9 =	vld [tilespmem:s13+$0x8411];
	v4 =	vadd.s32 v4, v8  }
0x67: {  	v51 =	vld [tilespmem:s13+$0x8822];
	v4 =	vadd.s32 v5, v4  }
0x68: {  	v52 =	vld [tilespmem:s13+$0x8C33];
	v4 =	vadd.s32 v6, v4  }
0x69: {  	v53 =	vld [tilespmem:s13+$0x9044];
	v4 =	vadd.s32 v7, v4  }
0x6a: {  	v54 =	vld [tilespmem:s13+$0x9455];
	[tilespmem:s12+$0xC100] =	vst v4  }
0x6b: {  	v3 =	vadd.s32 v3, v9;
	v4 =	vld [tilespmem:s13+$0x9866]  }
0x6c: {  	v55 =	vld [tilespmem:s13+$0x9C77];
	v3 =	vadd.s32 v51, v3  }
0x6d: {  	v56 =	vld [tilespmem:s13+$0xA088];
	v3 =	vadd.s32 v52, v3  }
0x6e: {  	v57 =	vld [tilespmem:s13+$0xA499];
	v3 =	vadd.s32 v53, v3  }
0x6f: {  	v58 =	vld [tilespmem:s13+$0xA8AA];
	v3 =	vadd.s32 v54, v3  }
0x70: {  	v59 =	vld [tilespmem:s13+$0xACBB];
	v3 =	vadd.s32 v4, v3  }
0x71: {  	v60 =	vld [tilespmem:s13+$0xB0CC];
	v3 =	vadd.s32 v55, v3  }
0x72: {  	v61 =	vld [tilespmem:s13+$0xB4DD];
	v3 =	vadd.s32 v56, v3  }
0x73: {  	v62 =	vld [tilespmem:s13+$0xB8EE];
	v3 =	vadd.s32 v57, v3  }
0x74: {  	v63 =	vld [tilespmem:s13+$0xBCFF];
	v3 =	vadd.s32 v58, v3  }
0x75: {  	v3 =	vadd.s32 v59, v3  }
0x76: {  	v3 =	vadd.s32 v60, v3  }
0x77: {  	v3 =	vadd.s32 v61, v3  }
0x78: {  	s11 =	sadd.s32 $0x1, s11;
	v3 =	vadd.s32 v62, v3  }
0x79: {  	p0 =	sne.s32 s11, s5;
	v3 =	vadd.s32 v63, v3  }
.Ltmp3:
0x7a: {  	[tilespmem:s13+$0xC100] =	vst v3;
	(pc) =	sbr.rel @p0 .LBB2_1-.Ltmp3, $4  }
0x7b: {  	[hbm4b:s4+s6] =	stream.strided.scatter [tilespmem:s10], [sflag:$0x1], $0x400, s7, s6, $0x38;
	[tilespmem:$0xC500] =	vst v63  }
0x7c: {  	_ =	swait.ge [sflag:s8], $0x400  }
0x7d: {  	[sflag:s8] =	ssyncset.done $0x0  }
0x7e: {  	[sflag:s8] =	ssyncadd.s32 $0xFFFFFC00  }
0x7f: {  	_ =	sfence.sel $0x180000  }
0x80: {  	[bflag:$0x0] =	sbarrier.arrive $0xFFFF  }
0x81: {  	p0 =	sne.s32 s1, $0x0;
	_ =	strace $0x90000047  }
0x82: {  	s0 =	sadd.s32 @!p0 $0x100000, s0;
	[bflag:$0x2] =	sbarrier.arrive $0xFFFF  }
0x83: {  	[sflag:s0] =	ssyncadd.tile.s32 @!p0 $0x1;
	_ =	shalt  }
.Lfunc_end2:
_tile_overlayer_lowered:
.L_overlay_start_2:
0x84: {  	(tag) =	ssettag $0x2  }
0x85: {  	s0 =	rddreg [dreg:$0x0];
	s2 =	stileid.u32  }
0x86: {  	s1 =	rddreg [dreg:$0x1];
	p0 =	sne.s32 s2, $0x0  }
0x87: {  	s3 =	rddreg [dreg:$0x2];
	[bflag:$0x3] =	sbarrier.arrive $0xFFFF;
	s2 =	simm.s32 @!p0 $0x1C01  }
0x88: {  	[timem:s3], [sflag:s2] =	dma.local @!p0 [hbm:s0], s1  }
0x89: {  	s0 =	simm.s32 @!p0 $0x1  }
0x8a: {  	_ =	swait.ge @!p0 [sflag:s0], s1  }
0x8b: {  	s1 =	ssub.s32 @!p0 $0x0, s1;
	[sflag:s0] =	ssyncset.done @!p0 $0x0  }
0x8c: {  	[sflag:s0] =	ssyncadd.s32 @!p0 s1  }
0x8d: {  	[bflag:$0x3] =	sbarrier.arrive $0xFFFF  }
0x8e: {  	_ =	shalt  }

// kernel: kernel.14.cloned.1.call-start
scs
__scs_entry_jumppad:
0x0: {  	(pc) =	sbr.rel $0x88, $3  }
0x1: {  	(tag) =	ssettag $0x0;
	lr =	simm.s32 $0x1  }
0x2: {  	[smem:$0x3F9F] =	sst lr;
	_ =	strace $0xD0000000  }
0x3: {  	_ = 	snop  }
0x4: {  	_ = 	snop  }
0x5: {  	_ = 	snop  }
0x6: {  	_ = 	snop  }
0x7: {  	_ = 	snop  }
__scs_overlays_trampoline_lowered:
0x8: {  	[smem:$0x3FAE] =	sst s0  }
0x9: {  	[smem:$0x3FAF] =	sst s1  }
0xa: {  	[smem:$0x3FB0] =	sst s2  }
0xb: {  	[smem:$0x3FB1] =	sst s3  }
0xc: {  	[smem:$0x3FB2] =	sst s4  }
0xd: {  	[smem:$0x3FB3] =	sst s5  }
0xe: {  	[smem:$0x3FB4] =	sst s6  }
0xf: {  	[smem:$0x3FB5] =	sst s7  }
0x10: {  	[smem:$0x3FB6] =	sst s8  }
0x11: {  	[smem:$0x3FB7] =	sst s9;
	s0 =	simm.s32 @!p0 $0x0  }
0x12: {  	s1 =	sld [smem:$0x3F9D];
	s0 =	simm.s32 @p0 $0x1  }
0x13: {  	[smem:$0x3FB8] =	sst s0;
	s0 =	simm.s32 @!p1 $0x0  }
0x14: {  	s2 =	sld [smem:$0x3F9C];
	s0 =	simm.s32 @p1 $0x1  }
0x15: {  	[smem:$0x3FB9] =	sst s0;
	s0 =	simm.s32 @!p2 $0x0  }
0x16: {  	s3 =	sld [smem:$0x3FDB];
	s0 =	simm.s32 @p2 $0x1  }
0x17: {  	s4 =	simm.s32 $0x1BF5;
	[smem:$0x3FBB] =	sst s0  }
0x18: {  	s0 =	sld [smem:$0x3F9E];
	_ =	swait.ge [sflag:s4], $0x0  }
0x19: {  	s7 =	sld [smem:$0x3F9F]  }
0x1a: {  	s8 =	sadd.s32 $0xFFFFE003, lr  }
0x1b: {  	s9 =	sadd.s32 $0xFFFFFEF7, lr;
	s5 =	simm.s32 $0xFFFFFFFF;
	p2 =	slt.u32 s8, $0xFFFFF086  }
0x1c: {  	p1 =	slt.u32 s9, $0xF7A;
	s5 =	simm.s32 @!p2 $0x0  }
0x1d: {  	s5 =	simm.s32 @p1 $0x1;
	p0 =	seq.s32 s7, s2  }
0x1e: {  	s7 =	smul.u32 @!p0 $0xF7A, s2;
	p2 =	seq.s32 @!p0 s5, $0x0  }
0x1f: {  	s9 =	smul.u32 $0xF7A, s1;
	s8 =	simm.s32 @!p0 $0x1BF5;
	p2 =	por !p2, p0  }
0x20: {  	[sflag:s8] =	ssyncset.s32 @!p0 $0xFFFFF086;
	s6 =	sadd.s32 @!p0 s3, s7;
	s7 =	simm.s32 @!p0 $0x108  }
0x21: {  	s3 =	sadd.s32 s3, s9;
	s6 =	sadd.s32 @!p0 $0x88, s6;
	s7 =	simm.s32 @p2 $0x1082  }
0x22: {  	[simem:s7], [sflag:s8] =	dma.local @!p0 [hbm:s6], $0xF7A  }
0x23: {  	s9 =	sor.u32 $0xD0000000, s2;
	s6 =	simm.s32 $0x108;
	_ =	swait.ge @!p0 [sflag:s8], $0x0  }
0x24: {  	s3 =	sadd.s32 $0x88, s3;
	s6 =	simm.s32 @!p1 $0x1082;
	[sflag:s4] =	ssyncset.s32 $0xFFFFF086  }
0x25: {  	[simem:s6], [sflag:s4] =	dma.local [hbm:s3], $0xF7A  }
0x26: {  	[smem:$0x3F9F] =	sst s1;
	(tag) =	ssettag s2;
	_ =	strace s9  }
0x27: {  	s1 =	sld [smem:$0x3FAF]  }
0x28: {  	s2 =	sld [smem:$0x3FB0]  }
0x29: {  	s4 =	sld [smem:$0x3FB2]  }
0x2a: {  	p0 =	seq.s32 s5, $0x0;
	s5 =	sld [smem:$0x3FB3]  }
0x2b: {  	s6 =	sld [smem:$0x3FB4]  }
0x2c: {  	s7 =	sld [smem:$0x3FB5]  }
0x2d: {  	s3 =	simm.s32 $0x108;
	s8 =	sld [smem:$0x3FB6]  }
0x2e: {  	s3 =	simm.s32 @!p0 $0x1082;
	s9 =	sld [smem:$0x3FB7]  }
0x2f: {  	lr =	sadd.s32 s0, s3;
	s0 =	sld [smem:$0x3FAE]  }
0x30: {  	s3 =	sld [smem:$0x3FB1]  }
0x31: {  	[smem:$0x3FBA] =	sst s10  }
0x32: {  	s10 =	sld [smem:$0x3FB8];
	_ =	sdelay $0x3  }
0x33: {  	p0 =	seq.s32 s10, $0x1;
	s10 =	sld [smem:$0x3FBA];
	_ =	sdelay $0x3  }
0x34: {  	[smem:$0x3FBA] =	sst s10  }
0x35: {  	s10 =	sld [smem:$0x3FB9];
	_ =	sdelay $0x3  }
0x36: {  	p1 =	seq.s32 s10, $0x1;
	s10 =	sld [smem:$0x3FBA];
	_ =	sdelay $0x3  }
0x37: {  	[smem:$0x3FBA] =	sst s10  }
0x38: {  	s10 =	sld [smem:$0x3FBB]  }
0x39: {  	_ = 	snop;
	(pc) =	sbr.ind lr, $3  }
0x3a: {  	_ = 	snop  }
0x3b: {  	_ = 	snop  }
0x3c: {  	p2 =	seq.s32 s10, $0x1;
	s10 =	sld [smem:$0x3FBA]  }
0x3d: {  	_ =	shalt  }
0x3e: {  	_ =	shalt  }
0x3f: {  	_ =	shalt  }
0x40: {  	_ =	shalt  }
0x41: {  	_ =	shalt  }
0x42: {  	_ =	shalt  }
0x43: {  	_ =	shalt  }
0x44: {  	_ =	shalt  }
0x45: {  	_ =	shalt  }
0x46: {  	_ =	shalt  }
0x47: {  	_ =	shalt  }
0x48: {  	_ =	shalt  }
0x49: {  	_ =	shalt  }
0x4a: {  	_ =	shalt  }
0x4b: {  	_ =	shalt  }
0x4c: {  	_ =	shalt  }
0x4d: {  	_ =	shalt  }
0x4e: {  	_ =	shalt  }
0x4f: {  	_ =	shalt  }
0x50: {  	_ =	shalt  }
0x51: {  	_ =	shalt  }
0x52: {  	_ =	shalt  }
0x53: {  	_ =	shalt  }
0x54: {  	_ =	shalt  }
0x55: {  	_ =	shalt  }
0x56: {  	_ =	shalt  }
0x57: {  	_ =	shalt  }
0x58: {  	_ =	shalt  }
0x59: {  	_ =	shalt  }
0x5a: {  	_ =	shalt  }
0x5b: {  	_ =	shalt  }
0x5c: {  	_ =	shalt  }
0x5d: {  	_ =	shalt  }
0x5e: {  	_ =	shalt  }
0x5f: {  	_ =	shalt  }
0x60: {  	_ =	shalt  }
0x61: {  	_ =	shalt  }
0x62: {  	_ =	shalt  }
0x63: {  	_ =	shalt  }
0x64: {  	_ =	shalt  }
0x65: {  	_ =	shalt  }
0x66: {  	_ =	shalt  }
0x67: {  	_ =	shalt  }
0x68: {  	_ =	shalt  }
0x69: {  	_ =	shalt  }
0x6a: {  	_ =	shalt  }
0x6b: {  	_ =	shalt  }
0x6c: {  	_ =	shalt  }
0x6d: {  	_ =	shalt  }
0x6e: {  	_ =	shalt  }
0x6f: {  	_ =	shalt  }
0x70: {  	_ =	shalt  }
0x71: {  	_ =	shalt  }
0x72: {  	_ =	shalt  }
0x73: {  	_ =	shalt  }
0x74: {  	_ =	shalt  }
0x75: {  	_ =	shalt  }
0x76: {  	_ =	shalt  }
0x77: {  	_ =	shalt  }
0x78: {  	_ =	shalt  }
0x79: {  	_ =	shalt  }
0x7a: {  	_ =	shalt  }
0x7b: {  	_ =	shalt  }
0x7c: {  	_ =	shalt  }
0x7d: {  	_ =	shalt  }
0x7e: {  	_ =	shalt  }
0x7f: {  	_ =	shalt  }
0x80: {  	_ =	shalt  }
0x81: {  	_ =	shalt  }
0x82: {  	_ =	shalt  }
0x83: {  	_ =	shalt  }
0x84: {  	_ =	shalt  }
0x85: {  	_ =	shalt  }
0x86: {  	_ =	shalt  }
0x87: {  	_ =	shalt  }
.Lfunc_end0:
.L_simem_size_0:
called_computation.2_lowered:
.L_overlay_start_0:
0x88: {  	s2 =	sld [smem:$0x3FD9]  }
0x89: {  	s3 =	sld [smem:$0x3FFE];
	_ =	sdelay $0x1  }
0x8a: {  	s1 =	srdreg.scid  }
0x8b: {  	s0 =	sand.u32 $0x1, s1  }
0x8c: {  	s17 =	sshll.u32 s0, $0xA;
	s2 =	sadd.s32 s3, s2  }
0x8d: {  	s2 =	sadd.s32 s2, s17  }
0x8e: {  	[smem:$0x3FC6] =	sst s2  }
0x8f: {  	_ = 	snop  }
0x90: {  	s2 =	sld [smem:$0x3FD0];
	(tm) =	ssettm $0x1  }
0x91: {  	s18 =	sld [smem:$0x3FFB];
	_ =	sdelay $0x3  }
0x92: {  	_ =	strace s18  }
0x93: {  	s3 =	sld [smem:$0x3FFC];
	_ =	sdelay $0x3  }
0x94: {  	_ =	strace s3  }
0x95: {  	s3 =	sld [smem:$0x3FFD];
	_ =	sdelay $0x3  }
0x96: {  	_ =	strace s3  }
0x97: {  	_ =	strace $0x8FFFFFFF  }
0x98: {  	s19 =	sld [smem:$0x3FDB];
	_ =	sdelay $0x1  }
0x99: {  	s4 =	simm.s32 $_scs_section_size  }
0x9a: {  	s5 =	simm.s32 $_size__tile_overlayer_lowered;
	s6 =	simm.s32 $_tile_overlayer_lowered  }
0x9b: {  	s22 =	simm.s32 $0x1BFF;
	s21 =	sshll.u32 s6, $0x1;
	s3 =	sadd.s32 s4, s19  }
0x9c: {  	s7 =	simm.s32 $0x0;
	s20 =	sshll.u32 s5, $0x1;
	s5 =	sadd.s32 s21, s3  }
0x9d: {  	[timem:s7], [sflag:s22] =	dma.local [hbm:s5], s20  }
0x9e: {  	_ =	swait.ge [sflag:s22], s20  }
0x9f: {  	s4 =	ssub.s32 $0x0, s20;
	[sflag:s22] =	ssyncset.done $0x0  }
0xa0: {  	[sflag:s22] =	ssyncadd.s32 s4;
	_ =	sdelay $0x1  }
0xa1: {  	s23 =	simm.s32 $0x1B8B  }
0xa2: {  	_ =	swait.ge [sflag:s23], $0x1  }
0xa3: {  	[sflag:s23] =	ssyncset.done $0x0  }
0xa4: {  	s25 =	simm.s32 $0x1B8E;
	s24 =	sld [smem:$0x3FFE];
	[sflag:s23] =	ssyncadd.s32 $0xFFFFFFFF  }
0xa5: {  	s26 =	simm.s32 $execute0_lowered;
	[smem:$0x3FD2] =	sst s25  }
0xa6: {  	s5 =	sshll.u32 s26, $0x1;
	_ =	strace $0x8000004C;
	[dreg:$0x1] =	wrdreg $0xFFFFFFFF  }
0xa7: {  	s28 =	simm.s32 $_size_execute0_lowered;
	s3 =	sadd.s32 s3, s5;
	[dreg:$0x0] =	wrdreg $0x0  }
0xa8: {  	s5 =	sshll.u32 s28, $0x1;
	[dreg:$0x2] =	wrdreg s3  }
0xa9: {  	[dreg:$0x3] =	wrdreg s5  }
0xaa: {  	[dreg:$0x4] =	wrdreg $0xC0  }
0xab: {  	_ =	task [dreg:s7], $0x5FFFF  }
0xac: {  	[dreg:$0x1] =	wrdreg $0xFFFFFFFF  }
0xad: {  	[dreg:$0x0] =	wrdreg $0x60  }
0xae: {  	[dreg:$0x2] =	wrdreg s24  }
0xaf: {  	[dreg:$0x3] =	wrdreg s2  }
0xb0: {  	[dreg:$0x4] =	wrdreg $0x9  }
0xb1: {  	_ =	task.clear_ibuf [dreg:s7], $0x5FFFF;
	_ =	strace $0x9000004C  }
0xb2: {  	s29 =	simm.s32 $0x9;
	_ =	strace $0x8000004E  }
0xb3: {  	_ =	swait.ge [sflag:s29], $0x1  }
0xb4: {  	[sflag:s29] =	ssyncadd.s32 $0xFFFFFFFF  }
0xb5: {  	_ =	strace $0x9000004E  }
0xb6: {  	_ =	sfence  }
0xb7: {  	s30 =	sld [smem:$0x0];
	_ =	sdelay $0x2  }
0xb8: {  	s31 =	sshll.u32 s1, $0xD;
	s1 =	sshrl.u32 s1, $0x2  }
0xb9: {  	s3 =	sand.u32 $0x4000, s31;
	s1 =	sadd.s32 s1, s30  }
0xba: {  	s0 =	sor.u32 s3, s0;
	s1 =	sshll.u32 s1, $0x11  }
0xbb: {  	s0 =	sor.u32 s1, s0  }
0xbc: {  	s0 =	sadd.s32 $0x8F2B, s0  }
0xbd: {  	[sflag:s0] =	ssyncadd.remote.s32 $0x1  }
0xbe: {  	_ =	sfence.sel $0xFFFF  }
0xbf: {  	[dreg:$0x0] =	wrdreg $0xFFFFFFFF;
	(pc) =	sbr.abs _section_cstart, $3  }
0xc0: {  	[dreg:$0x1] =	wrdreg $0xFFFFFFFF  }
0xc1: {  	_ =	task.clear_ibuf [dreg:s7], $0x2FFFF;
	_ =	strace $0x9FFFFFFF  }
0xc2: {  	(tm) =	ssettm $0x7FFFFFFF  }
0xc3: {  	_ =	shalt  }
tec
execute0_lowered:
.L_overlay_start_1:
0x0: {  	(tag) =	ssettag $0x1  }
0x1: {  	s4 =	rddreg [dreg:$0x0]  }
0x2: {  	s2 =	rddreg [dreg:$0x1]  }
0x3: {  	s0 =	rddreg [dreg:$0x2]  }
0x4: {  	s5 =	srdreg.scid;
	s1 =	stileid.u32;
	s3 =	simm.s32 $0x0  }
0x5: {  	s9 =	simm.s32 $0x80;
	s10 =	simm.s32 $0x400;
	s11 =	simm.s32 $0x10000  }
0x6: {  	s12 =	simm.s32 $0x1;
	s14 =	simm.s32 $0x1C100;
	s5 =	sand.u32 $0x1, s5  }
0x7: {  	s6 =	sshll.u32 s1, $0x1;
	[smem:$0x7FF] =	sst s3;
	s7 =	sshll.u32 s1, $0x9  }
0x8: {  	s13 =	sor.u32 s5, s6;
	_ =	strace $0x8000004D;
	s5 =	ssub.s32 $0x2, s5  }
0x9: {  	s7 =	sand.u32 $0x1800, s7;
	s6 =	sshll.u32 s13, $0x4;
	s8 =	sshrl.u32 s5, $0x1  }
0xa: {  	p0 =	sne.s32 s13, $0x0;
	s13 =	simm.s32 $0x14000;
	s6 =	sand.u32 $0x70, s6  }
0xb: {  	v0 =	vlaneseq.u32;
	s8 =	ssub.s32 s5, s8;
	s5 =	sand.u32 $0xC, s1;
	s15 =	simm.s32 @!p0 $0x0  }
0xc: {  	vm0 =	vmmov $0x7fff;
	v1 =	vmul.u32 $0xFFFFFFFF, v0;
	s6 =	sadd.s32 s6, s4;
	s4 =	sadd.s32 $0x1800, s4;
	s8 =	smax.u32 s8, $0x1  }
0xd: {  	v2 =	vimm.s32 $0x0;
	v4 =	vimm.s32 $0x1;
	v3 =	vmul.u32 $0x811, v0;
	s15 =	simm.s32 @p0 $0x1;
	s7 =	sadd.s32 s7, s6;
	s6 =	sadd.s32 $0x43800, s6  }
0xe: {  	v1 =	vadd.s32 $0xF, v1;
	vm1 =	vcmask @!p0 $0x300;
	vm2 =	vcmask @!p0 $0x704;
	[smem:$0x7FD] =	sst s15;
	s15 =	simm.s32 $0x0;
	s7 =	sadd.s32 $0x3800, s7  }
.LBB2_1:
0xf: {  	p1 =	por $0x0, $0x0  }
.Ltmp0:
0x10: {  	_ = 	snop;
	(pc) =	sbr.rel @p1 .LBB2_2-.Ltmp0, $4  }
0x11: {  	[tilespmem:s3], [sflag:$0x1] =	stream.linear.gather [hbm4b:s4+s3], $0x10000, $0x38;
	[tilespmem:$0x1C980] =	vst v63  }
0x12: {  	p6 =	por $0x0, $0x0;
	s17 =	simm.s32 $0x1F80;
	_ =	swait.ge [sflag:s12], $0x10000  }
0x13: {  	s16 =	simm.s32 $0x800003FF;
	s23 =	simm.s32 $0x1F00;
	[sflag:s12] =	ssyncset.done $0x0  }
0x14: {  	p2 =	por $0x0, $0x0;
	p3 =	por $0x0, $0x0;
	[sflag:s12] =	ssyncadd.s32 $0xFFFF0000  }
0x15: {  	s18 =	simm.s32 $0x3F0  }
0x16: {  	s20 =	sand.u32 $0x1C00, s17;
	s19 =	sand.u32 $0x70, s18  }
0x17: {  	s24 =	sor.u32 s19, s20  }
0x18: {  	v5 =	vld [tilespmem:s24+$0x0]  }
0x19: {  	v6 =	vld [tilespmem:s24+$0x80]  }
0x1a: {  	v7 =	vld [tilespmem:s24+$0x100]  }
0x1b: {  	v8 =	vld [tilespmem:s24+$0x180]  }
0x1c: {  	v9 =	vld [tilespmem:s24+$0x200]  }
0x1d: {  	s31 =	sor.u32 s17, s18;
	v10 =	vld [tilespmem:s24+$0x280]  }
0x1e: {  	s17 =	sor.u32 $0x380, s31;
	v5 =	vadd.s32 v5, v6;
	v6 =	vld [tilespmem:s24+$0x300]  }
0x1f: {  	v11 =	vld [tilespmem:s17+$0x0];
	v5 =	vadd.s32 v7, v5  }
0x20: {  	v12 =	vld [tilespmem:s24+$0x2000];
	v5 =	vadd.s32 v8, v5  }
0x21: {  	p1 =	por $0x0, $0x0;
	v13 =	vld [tilespmem:s24+$0x2080];
	v5 =	vadd.s32 v9, v5  }
.Ltmp1:
0x22: {  	v7 =	vld [tilespmem:s24+$0x2100];
	v5 =	vadd.s32 v10, v5;
	(pc) =	sbr.rel @p1 .LBB2_4-.Ltmp1, $4  }
0x23: {  	v8 =	vld [tilespmem:s24+$0x2180];
	v5 =	vadd.s32 v6, v5  }
0x24: {  	v9 =	vld [tilespmem:s24+$0x2200];
	v5 =	vadd.s32 v11, v5  }
0x25: {  	v10 =	vld [tilespmem:s24+$0x2280];
	v5 =	vadd.s32 v12, v5  }
0x26: {  	s21 =	simm.s32 $0x1E80;
	p2 =	por $0x1, $0x1;
	v11 =	vld [tilespmem:s24+$0x2300];
	v12 =	vadd.s32 v13, v5  }
0x27: {  	v5 =	vadd.s32 v7, v12;
	v6 =	vld [tilespmem:s24+$0x2380]  }
0x28: {  	v7 =	vld [tilespmem:s24+$0x4000];
	v5 =	vadd.s32 v8, v5  }
0x29: {  	v8 =	vld [tilespmem:s24+$0x4080];
	v5 =	vadd.s32 v9, v5  }
0x2a: {  	v9 =	vld [tilespmem:s24+$0x4100];
	v5 =	vadd.s32 v10, v5  }
0x2b: {  	v10 =	vld [tilespmem:s24+$0x4180];
	v5 =	vadd.s32 v11, v5  }
0x2c: {  	v5 =	vadd.s32 v6, v5;
	v6 =	vld [tilespmem:s24+$0x4200]  }
0x2d: {  	v5 =	vadd.s32 v7, v5;
	v7 =	vld [tilespmem:s24+$0x4280]  }
0x2e: {  	v5 =	vadd.s32 v8, v5;
	v8 =	vld [tilespmem:s24+$0x4300]  }
0x2f: {  	v5 =	vadd.s32 v9, v5;
	v9 =	vld [tilespmem:s24+$0x4380]  }
0x30: {  	v5 =	vadd.s32 v10, v5;
	v10 =	vld [tilespmem:s24+$0x6000]  }
0x31: {  	v5 =	vadd.s32 v6, v5;
	v6 =	vld [tilespmem:s24+$0x6080]  }
0x32: {  	v5 =	vadd.s32 v7, v5;
	v7 =	vld [tilespmem:s24+$0x6100]  }
0x33: {  	v5 =	vadd.s32 v8, v5;
	v8 =	vld [tilespmem:s24+$0x6180]  }
0x34: {  	v5 =	vadd.s32 v9, v5;
	v9 =	vld [tilespmem:s24+$0x6200]  }
0x35: {  	v5 =	vadd.s32 v10, v5;
	v10 =	vld [tilespmem:s24+$0x6280]  }
0x36: {  	v5 =	vadd.s32 v6, v5;
	v6 =	vld [tilespmem:s24+$0x6300]  }
0x37: {  	v5 =	vadd.s32 v7, v5;
	v7 =	vld [tilespmem:s24+$0x6380]  }
0x38: {  	v5 =	vadd.s32 v8, v5;
	v8 =	vld [tilespmem:s24+$0x8000]  }
0x39: {  	v5 =	vadd.s32 v9, v5;
	v9 =	vld [tilespmem:s24+$0x8080]  }
0x3a: {  	v5 =	vadd.s32 v10, v5;
	v10 =	vld [tilespmem:s24+$0x8100]  }
0x3b: {  	v5 =	vadd.s32 v6, v5;
	v6 =	vld [tilespmem:s24+$0x8180]  }
0x3c: {  	v5 =	vadd.s32 v7, v5;
	v7 =	vld [tilespmem:s24+$0x8200]  }
0x3d: {  	v5 =	vadd.s32 v8, v5;
	v8 =	vld [tilespmem:s24+$0x8280]  }
0x3e: {  	v5 =	vadd.s32 v9, v5;
	v9 =	vld [tilespmem:s24+$0x8300]  }
0x3f: {  	v5 =	vadd.s32 v10, v5;
	v10 =	vld [tilespmem:s24+$0x8380]  }
0x40: {  	v5 =	vadd.s32 v6, v5;
	v6 =	vld [tilespmem:s24+$0xA000]  }
0x41: {  	v5 =	vadd.s32 v7, v5;
	v7 =	vld [tilespmem:s24+$0xA080]  }
0x42: {  	v5 =	vadd.s32 v8, v5;
	v8 =	vld [tilespmem:s24+$0xA100]  }
0x43: {  	v5 =	vadd.s32 v9, v5;
	v9 =	vld [tilespmem:s24+$0xA180]  }
0x44: {  	v5 =	vadd.s32 v10, v5;
	v10 =	vld [tilespmem:s24+$0xA200]  }
0x45: {  	v5 =	vadd.s32 v6, v5;
	v6 =	vld [tilespmem:s24+$0xA280]  }
0x46: {  	v5 =	vadd.s32 v7, v5;
	v7 =	vld [tilespmem:s24+$0xA300]  }
0x47: {  	v5 =	vadd.s32 v8, v5;
	v8 =	vld [tilespmem:s24+$0xA380]  }
0x48: {  	v5 =	vadd.s32 v9, v5;
	v9 =	vld [tilespmem:s24+$0xC000]  }
0x49: {  	v5 =	vadd.s32 v10, v5;
	v10 =	vld [tilespmem:s24+$0xC080]  }
0x4a: {  	v5 =	vadd.s32 v6, v5;
	v6 =	vld [tilespmem:s24+$0xC100]  }
0x4b: {  	v5 =	vadd.s32 v7, v5;
	v7 =	vld [tilespmem:s24+$0xC180]  }
0x4c: {  	v5 =	vadd.s32 v8, v5;
	v8 =	vld [tilespmem:s24+$0xC200]  }
0x4d: {  	v5 =	vadd.s32 v9, v5;
	v9 =	vld [tilespmem:s24+$0xC280]  }
0x4e: {  	v5 =	vadd.s32 v10, v5;
	v10 =	vld [tilespmem:s24+$0xC300]  }
0x4f: {  	v5 =	vadd.s32 v6, v5;
	v6 =	vld [tilespmem:s24+$0xC380]  }
0x50: {  	v5 =	vadd.s32 v7, v5;
	v7 =	vld [tilespmem:s24+$0xE000]  }
0x51: {  	v5 =	vadd.s32 v8, v5;
	v8 =	vld [tilespmem:s24+$0xE080]  }
0x52: {  	v5 =	vadd.s32 v9, v5;
	v9 =	vld [tilespmem:s24+$0xE100]  }
0x53: {  	v5 =	vadd.s32 v10, v5;
	v10 =	vld [tilespmem:s24+$0xE180]  }
0x54: {  	v5 =	vadd.s32 v6, v5;
	v6 =	vld [tilespmem:s24+$0xE200]  }
0x55: {  	s17 =	simm.s32 $0x3E0;
	v5 =	vadd.s32 v7, v5;
	v7 =	vld [tilespmem:s24+$0xE280]  }
0x56: {  	s19 =	sand.u32 $0x1C00, s23;
	s18 =	sand.u32 $0x70, s17;
	v5 =	vadd.s32 v8, v5;
	v8 =	vld [tilespmem:s24+$0xE300]  }
0x57: {  	s22 =	sor.u32 s18, s19;
	v5 =	vadd.s32 v9, v5;
	v9 =	vld [tilespmem:s24+$0xE380]  }
0x58: {  	v11 =	vld [tilespmem:s22+$0x0];
	v5 =	vadd.s32 v10, v5  }
0x59: {  	v10 =	vld [tilespmem:s22+$0x80];
	v5 =	vadd.s32 v6, v5  }
0x5a: {  	v6 =	vld [tilespmem:s22+$0x100];
	v5 =	vadd.s32 v7, v5  }
0x5b: {  	v7 =	vld [tilespmem:s22+$0x180];
	v5 =	vadd.s32 v8, v5  }
0x5c: {  	v8 =	vld [tilespmem:s22+$0x200];
	v5 =	vadd.s32 v9, v5  }
0x5d: {  	s17 =	sor.u32 s23, s17;
	v9 =	vld [tilespmem:s22+$0x280];
	v5 =	vperm.xlane v5, v1  }
0x5e: {  	s17 =	sor.u32 $0x380, s17;
	v10 =	vadd.s32 v11, v10;
	v11 =	vld [tilespmem:s22+$0x300]  }
0x5f: {  	v6 =	vadd.s32 v6, v10;
	v10 =	vld [tilespmem:s17+$0x0];
	(xrf0) =	vadd.scan.msk.s32 $0xffff, v5  }
0x60: {  	v12 =	vld [tilespmem:s22+$0x2000];
	v6 =	vadd.s32 v7, v6  }
0x61: {  	p1 =	por $0x0, $0x0;
	v13 =	vld [tilespmem:s22+$0x2080];
	v6 =	vadd.s32 v8, v6  }
.Ltmp2:
0x62: {  	v7 =	vld [tilespmem:s22+$0x2100];
	v6 =	vadd.s32 v9, v6;
	(pc) =	sbr.rel @p1 .LBB2_6-.Ltmp2, $4  }
0x63: {  	v8 =	vld [tilespmem:s22+$0x2180];
	v6 =	vadd.s32 v11, v6  }
0x64: {  	p5 =	por !p6, !p6;
	p3 =	por $0x1, $0x1;
	v9 =	vld [tilespmem:s22+$0x2200];
	v6 =	vadd.s32 v10, v6  }
0x65: {  	p4 =	por $0x0, $0x0;
	s20 =	simm.s32 $0x0;
	s23 =	simm.s32 $0x1E00;
	v10 =	vld [tilespmem:s22+$0x2280];
	v6 =	vadd.s32 v12, v6;
	v14, _, _ =	vpop (xrf0)  }
0x66: {  	s18 =	simm.s32 $0x800003FF;
	s19 =	simm.s32 $0x1;
	s17 =	simm.s32 $0x800003EF;
	v11 =	vld [tilespmem:s22+$0x2300];
	v12 =	vadd.s32 v13, v6;
	v6 =	vadd.s32 s3, v14  }
.LBB2_7:
0x67: {  	p6 =	seq.s32 s23, $0x0;
	v7 =	vadd.s32 v7, v12;
	v12 =	vld [tilespmem:s22+$0x2380];
	vm3 =	vgt.s32 v6, $0x166665;
	v13 =	vsel vm0, $0x0, v6  }
0x68: {  	v7 =	vadd.s32 v8, v7;
	v8 =	vld [tilespmem:s22+$0x4000];
	v14 =	vmpcnt.ones.xlane vm3;
	v15 =	vmctz.xlane vm3;
	(xrf0) =	vadd.scan.msk.s32 $0xffff, v13  }
0x69: {  	v7 =	vadd.s32 v9, v7;
	v9 =	vld [tilespmem:s22+$0x4080]  }
0x6a: {  	v7 =	vadd.s32 v10, v7;
	v10 =	vld [tilespmem:s22+$0x4100];
	v13 =	vxor.u32 $0x80000000, v14;
	v14 =	vxor.u32 $0x80000000, v15  }
0x6b: {  	v7 =	vadd.s32 v11, v7;
	v11 =	vld [tilespmem:s22+$0x4180];
	(xrf0) =	vmax.scan.msk.u32 $0xffff, v14  }
0x6c: {  	v7 =	vadd.s32 v12, v7;
	v12 =	vld [tilespmem:s22+$0x4200];
	(xrf0) =	vmax.scan.msk.u32 $0xffff, v13  }
0x6d: {  	v7 =	vadd.s32 v8, v7;
	v8 =	vld [tilespmem:s22+$0x4280]  }
0x6e: {  	v7 =	vadd.s32 v9, v7;
	v9 =	vld [tilespmem:s22+$0x4300];
	v13, _, _ =	vpop (xrf0)  }
0x6f: {  	v7 =	vadd.s32 v10, v7;
	v10 =	vld [tilespmem:s22+$0x4380];
	(v2sf) =	vpush v13, $0xF  }
0x70: {  	v7 =	vadd.s32 v11, v7;
	v11 =	vld [tilespmem:s22+$0x6000]  }
0x71: {  	v7 =	vadd.s32 v12, v7;
	v12 =	vld [tilespmem:s22+$0x6080];
	v13, _, _ =	vpop (xrf0)  }
0x72: {  	v7 =	vadd.s32 v8, v7;
	v8 =	vld [tilespmem:s22+$0x6100];
	v14, _, _ =	vpop (xrf0);
	(v2sf) =	vpush v13, $0xF  }
0x73: {  	v7 =	vadd.s32 v9, v7;
	v9 =	vld [tilespmem:s22+$0x6180];
	(v2sf) =	vpush v14, $0xF  }
0x74: {  	v7 =	vadd.s32 v10, v7;
	v10 =	vld [tilespmem:s22+$0x6200]  }
0x75: {  	v7 =	vadd.s32 v11, v7;
	v11 =	vld [tilespmem:s22+$0x6280]  }
0x76: {  	v7 =	vadd.s32 v12, v7;
	v12 =	vld [tilespmem:s22+$0x6300]  }
0x77: {  	v7 =	vadd.s32 v8, v7;
	v8 =	vld [tilespmem:s22+$0x6380]  }
0x78: {  	v7 =	vadd.s32 v9, v7;
	v9 =	vld [tilespmem:s22+$0x8000]  }
0x79: {  	v7 =	vadd.s32 v10, v7;
	v10 =	vld [tilespmem:s22+$0x8080]  }
0x7a: {  	v7 =	vadd.s32 v11, v7;
	v11 =	vld [tilespmem:s22+$0x8100]  }
0x7b: {  	v7 =	vadd.s32 v12, v7;
	v12 =	vld [tilespmem:s22+$0x8180]  }
0x7c: {  	v7 =	vadd.s32 v8, v7;
	v8 =	vld [tilespmem:s22+$0x8200]  }
0x7d: {  	v7 =	vadd.s32 v9, v7;
	v9 =	vld [tilespmem:s22+$0x8280]  }
0x7e: {  	v7 =	vadd.s32 v10, v7;
	v10 =	vld [tilespmem:s22+$0x8300];
	s24 =	spop (v2sf)  }
0x7f: {  	v7 =	vadd.s32 v11, v7;
	v11 =	vld [tilespmem:s22+$0x8380]  }
0x80: {  	v7 =	vadd.s32 v12, v7;
	v12 =	vld [tilespmem:s22+$0xA000]  }
0x81: {  	v7 =	vadd.s32 v8, v7;
	v8 =	vld [tilespmem:s22+$0xA080];
	s25 =	spop (v2sf)  }
0x82: {  	v7 =	vadd.s32 v9, v7;
	v9 =	vld [tilespmem:s22+$0xA100];
	s26 =	sxor.u32 $0x80000000, s25;
	s25 =	ssub.s32 s18, s25;
	s18 =	spop (v2sf)  }
0x83: {  	v7 =	vadd.s32 v10, v7;
	v10 =	vld [tilespmem:s22+$0xA180];
	p1 =	sgt.u32 s18, $0x80000000;
	v13 =	vmov s26;
	s18 =	smov.u32 s17  }
0x84: {  	v7 =	vadd.s32 v11, v7;
	v11 =	vld [tilespmem:s22+$0xA200];
	p0 =	por !p1, !p5;
	vm3 =	veq.s32 v13, v0;
	p4 =	por p4, p1  }
0x85: {  	v7 =	vadd.s32 v12, v7;
	v12 =	vld [tilespmem:s22+$0xA280];
	p5 =	por !p4, !p4;
	p1 =	por !p0, !p0;
	v6 =	vnsel vm3, $0x0, v6;
	v5 =	vnsel vm3, $0x0, v5  }
0x86: {  	v7 =	vadd.s32 v8, v7;
	v8 =	vld [tilespmem:s22+$0xA300];
	s20 =	smov.u32 @p1 s25;
	(xrf0) =	vadd.scan.msk.s32 $0xffff, v6  }
0x87: {  	v6 =	vadd.s32 v9, v7;
	v7 =	vld [tilespmem:s22+$0xA380];
	(xrf0) =	vadd.scan.msk.s32 $0xffff, v5  }
0x88: {  	v5 =	vadd.s32 v10, v6;
	v6 =	vld [tilespmem:s22+$0xC000]  }
0x89: {  	v5 =	vadd.s32 v11, v5;
	v9 =	vld [tilespmem:s22+$0xC080]  }
0x8a: {  	v5 =	vadd.s32 v12, v5;
	v10 =	vld [tilespmem:s22+$0xC100]  }
0x8b: {  	v5 =	vadd.s32 v8, v5;
	v8 =	vld [tilespmem:s22+$0xC180]  }
0x8c: {  	v5 =	vadd.s32 v7, v5;
	v7 =	vld [tilespmem:s22+$0xC200];
	v11, _, _ =	vpop (xrf0)  }
0x8d: {  	v5 =	vadd.s32 v6, v5;
	v6 =	vld [tilespmem:s22+$0xC280];
	(v2sf) =	vpush v11, $0xF;
	v11, _, _ =	vpop (xrf0)  }
0x8e: {  	v5 =	vadd.s32 v9, v5;
	v9 =	vld [tilespmem:s22+$0xC300];
	(v2sf) =	vpush v11, $0xF  }
0x8f: {  	v5 =	vadd.s32 v10, v5;
	v10 =	vld [tilespmem:s22+$0xC380]  }
0x90: {  	v5 =	vadd.s32 v8, v5;
	v8 =	vld [tilespmem:s22+$0xE000]  }
0x91: {  	v5 =	vadd.s32 v7, v5;
	v7 =	vld [tilespmem:s22+$0xE080]  }
0x92: {  	v5 =	vadd.s32 v6, v5;
	v6 =	vld [tilespmem:s22+$0xE100]  }
0x93: {  	v5 =	vadd.s32 v9, v5;
	v9 =	vld [tilespmem:s22+$0xE180]  }
0x94: {  	s17 =	sadd.s32 $0xFFFFFFF0, s17;
	v5 =	vadd.s32 v10, v5;
	v10 =	vld [tilespmem:s22+$0xE200]  }
0x95: {  	s25 =	sadd.s32 $0x7FFFFFF1, s17;
	v5 =	vadd.s32 v8, v5;
	v8 =	vld [tilespmem:s22+$0xE280]  }
0x96: {  	s28 =	sand.u32 $0x1C00, s21;
	s26 =	sand.u32 $0x70, s25;
	v5 =	vadd.s32 v7, v5;
	v7 =	vld [tilespmem:s22+$0xE300]  }
0x97: {  	v5 =	vadd.s32 v6, v5;
	v6 =	vld [tilespmem:s22+$0xE380];
	s22 =	sor.u32 s26, s28  }
0x98: {  	v11 =	vld [tilespmem:s22+$0x0];
	v5 =	vadd.s32 v9, v5  }
0x99: {  	v9 =	vld [tilespmem:s22+$0x80];
	v5 =	vadd.s32 v10, v5  }
0x9a: {  	v10 =	vld [tilespmem:s22+$0x100];
	v5 =	vadd.s32 v8, v5  }
0x9b: {  	v8 =	vld [tilespmem:s22+$0x180];
	v5 =	vadd.s32 v7, v5  }
0x9c: {  	v7 =	vld [tilespmem:s22+$0x200];
	v5 =	vadd.s32 v6, v5;
	s26 =	spop (v2sf)  }
0x9d: {  	s25 =	sor.u32 s21, s25;
	s21 =	smov.u32 s23;
	v6 =	vld [tilespmem:s22+$0x280];
	v5 =	vperm.xlane v5, v1;
	s28 =	spop (v2sf)  }
0x9e: {  	s25 =	sor.u32 $0x380, s25;
	v9 =	vadd.s32 v11, v9;
	v11 =	vld [tilespmem:s22+$0x300];
	s26 =	ssub.s32 s28, s26  }
0x9f: {  	v9 =	vadd.s32 v10, v9;
	v10 =	vld [tilespmem:s25+$0x0];
	(xrf0) =	vadd.scan.msk.s32 $0xffff, v5;
	s25 =	sadd.s32 $0x166666, s26  }
0xa0: {  	v8 =	vadd.s32 v8, v9;
	v12 =	vld [tilespmem:s22+$0x2000];
	s19 =	smov.u32 @p1 s25  }
0xa1: {  	v7 =	vadd.s32 v7, v8;
	v13 =	vld [tilespmem:s22+$0x2080]  }
.Ltmp3:
0xa2: {  	v6 =	vadd.s32 v6, v7;
	v7 =	vld [tilespmem:s22+$0x2100];
	(pc) =	sbr.rel @!p6 .LBB2_7-.Ltmp3, $4  }
0xa3: {  	v6 =	vadd.s32 v11, v6;
	v8 =	vld [tilespmem:s22+$0x2180]  }
0xa4: {  	v6 =	vadd.s32 v10, v6;
	v9 =	vld [tilespmem:s22+$0x2200]  }
0xa5: {  	v6 =	vadd.s32 v12, v6;
	v10 =	vld [tilespmem:s22+$0x2280];
	v14, _, _ =	vpop (xrf0)  }
0xa6: {  	s23 =	sadd.s32 $0xFFFFFF80, s23;
	v12 =	vadd.s32 v13, v6;
	v11 =	vld [tilespmem:s22+$0x2300];
	v6 =	vadd.s32 s24, v14  }
0xa7: {  	s24 =	smov.u32 s22;
	s23 =	smov.u32 s21;
	p6 =	por $0x0, $0x0  }
.LBB2_9:
0xa8: {  	v13 =	vld @p2 [tilespmem:s24+$0x2380]  }
0xa9: {  	v14 =	vld @p2 [tilespmem:s24+$0x4000]  }
0xaa: {  	v15 =	vld @p2 [tilespmem:s24+$0x4080]  }
0xab: {  	v16 =	vld @p2 [tilespmem:s24+$0x4100]  }
0xac: {  	v17 =	vld @p2 [tilespmem:s24+$0x4180]  }
0xad: {  	v18 =	vld @p2 [tilespmem:s24+$0x4200]  }
0xae: {  	v19 =	vld @p2 [tilespmem:s24+$0x4280]  }
0xaf: {  	v20 =	vld @p2 [tilespmem:s24+$0x4300]  }
0xb0: {  	v21 =	vld @p2 [tilespmem:s24+$0x4380]  }
0xb1: {  	v22 =	vld @p2 [tilespmem:s24+$0x6000]  }
0xb2: {  	v23 =	vld @p2 [tilespmem:s24+$0x6080]  }
0xb3: {  	v24 =	vld @p2 [tilespmem:s24+$0x6100]  }
0xb4: {  	v25 =	vld @p2 [tilespmem:s24+$0x6180]  }
0xb5: {  	v26 =	vld @p2 [tilespmem:s24+$0x6200]  }
0xb6: {  	v27 =	vld @p2 [tilespmem:s24+$0x6280]  }
0xb7: {  	v28 =	vld @p2 [tilespmem:s24+$0x6300]  }
0xb8: {  	v29 =	vld @p2 [tilespmem:s24+$0x6380]  }
0xb9: {  	v30 =	vld @p2 [tilespmem:s24+$0x8000]  }
0xba: {  	v31 =	vld @p2 [tilespmem:s24+$0x8080]  }
0xbb: {  	v32 =	vld @p2 [tilespmem:s24+$0x8100]  }
0xbc: {  	v33 =	vld @p2 [tilespmem:s24+$0x8180]  }
0xbd: {  	v34 =	vld @p2 [tilespmem:s24+$0x8200]  }
0xbe: {  	v7 =	vadd.s32 @p2 v7, v12;
	v12 =	vld @p2 [tilespmem:s24+$0x8280]  }
0xbf: {  	s21 =	sadd.s32 @p2 $0xFFFFFFF0, s17;
	v7 =	vadd.s32 @p2 v8, v7;
	v8 =	vld @p2 [tilespmem:s24+$0x8300]  }
0xc0: {  	s16 =	smov.u32 @p2 s21;
	v7 =	vadd.s32 @p2 v9, v7;
	v9 =	vld @p2 [tilespmem:s24+$0x8380]  }
0xc1: {  	s22 =	sadd.s32 $0x7FFFFFF1, s16;
	v7 =	vadd.s32 @p2 v10, v7;
	v10 =	vld @p2 [tilespmem:s24+$0xA000]  }
0xc2: {  	s25 =	sand.u32 $0x1C00, s23;
	s31 =	sand.u32 $0x70, s22;
	v7 =	vadd.s32 @p2 v11, v7;
	v11 =	vld @p2 [tilespmem:s24+$0xA080]  }
0xc3: {  	s21 =	sor.u32 s31, s25;
	v7 =	vadd.s32 @p2 v13, v7;
	v13 =	vld @p2 [tilespmem:s24+$0xA100]  }
0xc4: {  	v53 =	vld [tilespmem:s21+$0x0];
	v7 =	vadd.s32 @p2 v14, v7  }
0xc5: {  	v54 =	vld [tilespmem:s21+$0x80];
	v7 =	vadd.s32 @p2 v15, v7  }
0xc6: {  	v55 =	vld [tilespmem:s21+$0x100];
	v7 =	vadd.s32 @p2 v16, v7  }
0xc7: {  	v56 =	vld [tilespmem:s21+$0x180];
	v7 =	vadd.s32 @p2 v17, v7  }
0xc8: {  	v57 =	vld [tilespmem:s21+$0x200];
	v7 =	vadd.s32 @p2 v18, v7  }
0xc9: {  	s22 =	sor.u32 s23, s22;
	v58 =	vld [tilespmem:s21+$0x280];
	v7 =	vadd.s32 @p2 v19, v7  }
0xca: {  	s22 =	sor.u32 $0x380, s22;
	v59 =	vld [tilespmem:s21+$0x300];
	v7 =	vadd.s32 @p2 v20, v7  }
0xcb: {  	v60 =	vld [tilespmem:s22+$0x0];
	v7 =	vadd.s32 @p2 v21, v7  }
0xcc: {  	v61 =	vld [tilespmem:s21+$0x2000];
	v7 =	vadd.s32 @p2 v22, v7  }
0xcd: {  	v62 =	vld [tilespmem:s21+$0x2080];
	v7 =	vadd.s32 @p2 v23, v7  }
0xce: {  	v63 =	vld [tilespmem:s21+$0x2100];
	v7 =	vadd.s32 @p2 v24, v7  }
0xcf: {  	v14 =	vld @p2 [tilespmem:s24+$0xA180];
	v7 =	vadd.s32 @p2 v25, v7  }
0xd0: {  	v15 =	vld @p2 [tilespmem:s24+$0xA200];
	v7 =	vadd.s32 @p2 v26, v7  }
0xd1: {  	v16 =	vld @p2 [tilespmem:s24+$0xA280];
	v7 =	vadd.s32 @p2 v27, v7  }
0xd2: {  	v17 =	vld @p2 [tilespmem:s24+$0xA300];
	v7 =	vadd.s32 @p2 v28, v7  }
0xd3: {  	v18 =	vld @p2 [tilespmem:s24+$0xA380];
	v7 =	vadd.s32 @p2 v29, v7  }
0xd4: {  	v19 =	vld @p2 [tilespmem:s24+$0xC000];
	v7 =	vadd.s32 @p2 v30, v7  }
0xd5: {  	vm3 =	vgt.s32 @p3 v6, $0x166665;
	v20 =	vld @p2 [tilespmem:s24+$0xC080];
	v7 =	vadd.s32 @p2 v31, v7  }
0xd6: {  	v35 =	vmctz.xlane @p3 vm3;
	v21 =	vld @p2 [tilespmem:s24+$0xC100];
	v7 =	vadd.s32 @p2 v32, v7  }
0xd7: {  	v36 =	vsel @p3 vm0, $0x0, v6;
	v22 =	vld @p2 [tilespmem:s24+$0xC180];
	v7 =	vadd.s32 @p2 v33, v7  }
0xd8: {  	(xrf0) =	vadd.scan.msk.s32 @p3 $0xffff, v36;
	v35 =	vxor.u32 @p3 $0x80000000, v35;
	v23 =	vld @p2 [tilespmem:s24+$0xC200];
	v7 =	vadd.s32 @p2 v34, v7  }
0xd9: {  	(xrf0) =	vmax.scan.msk.u32 @p3 $0xffff, v35;
	v24 =	vld @p2 [tilespmem:s24+$0xC280];
	v7 =	vadd.s32 @p2 v12, v7  }
0xda: {  	v25 =	vld @p2 [tilespmem:s24+$0xC300];
	v7 =	vadd.s32 @p2 v8, v7  }
0xdb: {  	v26 =	vld @p2 [tilespmem:s24+$0xC380];
	v7 =	vadd.s32 @p2 v9, v7  }
0xdc: {  	v27 =	vld @p2 [tilespmem:s24+$0xE000];
	v7 =	vadd.s32 @p2 v10, v7  }
0xdd: {  	v28 =	vld @p2 [tilespmem:s24+$0xE080];
	v7 =	vadd.s32 @p2 v11, v7  }
0xde: {  	v35, _, _ =	vpop @p3 (xrf0);
	v29 =	vld @p2 [tilespmem:s24+$0xE100];
	v7 =	vadd.s32 @p2 v13, v7  }
0xdf: {  	(v2sf) =	vpush @p3 v35, $0xF;
	v30 =	vld @p2 [tilespmem:s24+$0xE180];
	v8 =	vadd.s32 v53, v54;
	v7 =	vadd.s32 @p2 v14, v7;
	v14, _, _ =	vpop @p3 (xrf0)  }
0xe0: {  	v31 =	vld @p2 [tilespmem:s24+$0xE200];
	v8 =	vadd.s32 v55, v8;
	(v2sf) =	vpush @p3 v14, $0xF;
	v7 =	vadd.s32 @p2 v15, v7  }
0xe1: {  	v32 =	vld @p2 [tilespmem:s24+$0xE280];
	v8 =	vadd.s32 v56, v8;
	v7 =	vadd.s32 @p2 v16, v7  }
0xe2: {  	v33 =	vld @p2 [tilespmem:s24+$0xE300];
	v8 =	vadd.s32 v57, v8;
	v7 =	vadd.s32 @p2 v17, v7  }
0xe3: {  	v34 =	vld @p2 [tilespmem:s24+$0xE380];
	v8 =	vadd.s32 v58, v8;
	v7 =	vadd.s32 @p2 v18, v7  }
0xe4: {  	v8 =	vadd.s32 v59, v8;
	v16 =	vld [tilespmem:s21+$0x2180];
	v7 =	vadd.s32 @p2 v19, v7  }
0xe5: {  	v8 =	vadd.s32 v60, v8;
	v17 =	vld [tilespmem:s21+$0x2200];
	v7 =	vadd.s32 @p2 v20, v7  }
0xe6: {  	v8 =	vadd.s32 v61, v8;
	v18 =	vld [tilespmem:s21+$0x2280];
	v7 =	vadd.s32 @p2 v21, v7  }
0xe7: {  	v8 =	vadd.s32 v62, v8;
	v19 =	vld [tilespmem:s21+$0x2300];
	v7 =	vadd.s32 @p2 v22, v7  }
0xe8: {  	v8 =	vadd.s32 v63, v8;
	v20 =	vld [tilespmem:s21+$0x2380];
	v7 =	vadd.s32 @p2 v23, v7  }
0xe9: {  	v8 =	vadd.s32 v16, v8;
	v21 =	vld [tilespmem:s21+$0x4000];
	v7 =	vadd.s32 @p2 v24, v7  }
0xea: {  	v8 =	vadd.s32 v17, v8;
	v22 =	vld [tilespmem:s21+$0x4080];
	v7 =	vadd.s32 @p2 v25, v7  }
0xeb: {  	v8 =	vadd.s32 v18, v8;
	v23 =	vld [tilespmem:s21+$0x4100];
	v7 =	vadd.s32 @p2 v26, v7  }
0xec: {  	v8 =	vadd.s32 v19, v8;
	v24 =	vld [tilespmem:s21+$0x4180];
	v7 =	vadd.s32 @p2 v27, v7  }
0xed: {  	v8 =	vadd.s32 v20, v8;
	v25 =	vld [tilespmem:s21+$0x4200];
	v7 =	vadd.s32 @p2 v28, v7  }
0xee: {  	s23 =	spop @p3 (v2sf);
	v14 =	vmpcnt.ones.xlane @p3 vm3;
	v8 =	vadd.s32 v21, v8;
	v26 =	vld [tilespmem:s21+$0x4280];
	v7 =	vadd.s32 @p2 v29, v7  }
0xef: {  	v8 =	vadd.s32 v22, v8;
	v27 =	vld [tilespmem:s21+$0x4300];
	v7 =	vadd.s32 @p2 v30, v7;
	s22 =	spop @p3 (v2sf)  }
0xf0: {  	v14 =	vxor.u32 @p3 $0x80000000, v14;
	v8 =	vadd.s32 v23, v8;
	v28 =	vld [tilespmem:s21+$0x4380];
	v7 =	vadd.s32 @p2 v31, v7;
	s24 =	sxor.u32 @p3 $0x80000000, s22  }
0xf1: {  	v8 =	vadd.s32 v24, v8;
	v29 =	vld [tilespmem:s21+$0x6000];
	v7 =	vadd.s32 @p2 v32, v7;
	v15 =	vmov @p3 s24  }
0xf2: {  	v8 =	vadd.s32 v25, v8;
	v30 =	vld [tilespmem:s21+$0x6080];
	vm3 =	veq.s32 @p3 v15, v0;
	v7 =	vadd.s32 @p2 v33, v7  }
0xf3: {  	(xrf0) =	vmax.scan.msk.u32 @p3 $0xffff, v14;
	v8 =	vadd.s32 v26, v8;
	v31 =	vld [tilespmem:s21+$0x6100];
	v6 =	vnsel @p3 vm3, $0x0, v6;
	v7 =	vadd.s32 @p2 v34, v7  }
0xf4: {  	v32 =	vld [tilespmem:s21+$0x6180];
	v5 =	vnsel @p3 vm3, $0x0, v5;
	(xrf0) =	vadd.scan.msk.s32 @p3 $0xffff, v6;
	v6 =	vperm.xlane @p2 v7, v1;
	v7 =	vadd.s32 v27, v8  }
0xf5: {  	(xrf0) =	vadd.scan.msk.s32 @p3 $0xffff, v5;
	v5 =	vadd.s32 v28, v7;
	v7 =	vld [tilespmem:s21+$0x6200]  }
0xf6: {  	v33 =	vld [tilespmem:s21+$0x6280];
	(xrf0) =	vadd.scan.msk.s32 @p2 $0xffff, v6;
	v5 =	vadd.s32 v29, v5  }
0xf7: {  	v34 =	vld [tilespmem:s21+$0x6300];
	v5 =	vadd.s32 v30, v5  }
0xf8: {  	v35 =	vld [tilespmem:s21+$0x6380];
	v5 =	vadd.s32 v31, v5  }
0xf9: {  	v36 =	vld [tilespmem:s21+$0x8000];
	v12, _, _ =	vpop @p3 (xrf0);
	v5 =	vadd.s32 v32, v5  }
0xfa: {  	v13, _, _ =	vpop @p3 (xrf0);
	v5 =	vadd.s32 v7, v5;
	v7 =	vld [tilespmem:s21+$0x8080]  }
0xfb: {  	v37 =	vld [tilespmem:s21+$0x8100];
	s24 =	simm.s32 $0x0;
	v14, _, _ =	vpop @p3 (xrf0);
	v5 =	vadd.s32 v33, v5  }
0xfc: {  	v38 =	vld [tilespmem:s21+$0x8180];
	s24 =	smov.u32 @p3 s23;
	v15, _, _ =	vpop @p2 (xrf0);
	v5 =	vadd.s32 v34, v5  }
0xfd: {  	v39 =	vld [tilespmem:s21+$0x8200];
	v15 =	vadd.s32 @p2 s24, v15;
	v5 =	vadd.s32 v35, v5  }
0xfe: {  	v40 =	vld [tilespmem:s21+$0x8280];
	v15 =	vpsel p2, v15, v0;
	v5 =	vadd.s32 v36, v5  }
0xff: {  	vm3 =	vgt.s32 @p2 v15, $0x166665;
	v5 =	vadd.s32 v7, v5;
	v7 =	vld [tilespmem:s21+$0x8300]  }
0x100: {  	v41 =	vld [tilespmem:s21+$0x8380];
	v16 =	vmctz.xlane @p2 vm3;
	v5 =	vadd.s32 v37, v5  }
0x101: {  	v42 =	vld [tilespmem:s21+$0xA000];
	v17 =	vsel @p2 vm0, $0x0, v15;
	v5 =	vadd.s32 v38, v5  }
0x102: {  	v43 =	vld [tilespmem:s21+$0xA080];
	(xrf0) =	vadd.scan.msk.s32 @p2 $0xffff, v17;
	v16 =	vxor.u32 @p2 $0x80000000, v16;
	v5 =	vadd.s32 v39, v5  }
0x103: {  	v44 =	vld [tilespmem:s21+$0xA100];
	(xrf0) =	vmax.scan.msk.u32 @p2 $0xffff, v16;
	v5 =	vadd.s32 v40, v5  }
0x104: {  	v5 =	vadd.s32 v7, v5;
	v7 =	vld [tilespmem:s21+$0xA180]  }
0x105: {  	v45 =	vld [tilespmem:s21+$0xA200];
	v5 =	vadd.s32 v41, v5  }
0x106: {  	v46 =	vld [tilespmem:s21+$0xA280];
	(v2sf) =	vpush @p3 v12, $0xF;
	v5 =	vadd.s32 v42, v5  }
0x107: {  	v47 =	vld [tilespmem:s21+$0xA300];
	(v2sf) =	vpush @p3 v13, $0xF;
	v5 =	vadd.s32 v43, v5  }
0x108: {  	v48 =	vld [tilespmem:s21+$0xA380];
	(v2sf) =	vpush @p3 v14, $0xF;
	v12, _, _ =	vpop @p2 (xrf0);
	v5 =	vadd.s32 v44, v5  }
0x109: {  	(v2sf) =	vpush @p2 v12, $0xF;
	v12, _, _ =	vpop @p2 (xrf0);
	v5 =	vadd.s32 v7, v5;
	v7 =	vld [tilespmem:s21+$0xC000]  }
0x10a: {  	v49 =	vld [tilespmem:s21+$0xC080];
	(v2sf) =	vpush @p2 v12, $0xF;
	v5 =	vadd.s32 v45, v5  }
0x10b: {  	v50 =	vld [tilespmem:s21+$0xC100];
	v5 =	vadd.s32 v46, v5  }
0x10c: {  	v51 =	vld [tilespmem:s21+$0xC180];
	v5 =	vadd.s32 v47, v5  }
0x10d: {  	v52 =	vld [tilespmem:s21+$0xC200];
	v5 =	vadd.s32 v48, v5  }
0x10e: {  	v5 =	vadd.s32 v7, v5;
	v7 =	vld [tilespmem:s21+$0xC280]  }
0x10f: {  	v53 =	vld [tilespmem:s21+$0xC300];
	v5 =	vadd.s32 v49, v5  }
0x110: {  	v54 =	vld [tilespmem:s21+$0xC380];
	v5 =	vadd.s32 v50, v5  }
0x111: {  	v55 =	vld [tilespmem:s21+$0xE000];
	v5 =	vadd.s32 v51, v5  }
0x112: {  	v56 =	vld [tilespmem:s21+$0xE080];
	v5 =	vadd.s32 v52, v5  }
0x113: {  	v5 =	vadd.s32 v7, v5;
	v7 =	vld [tilespmem:s21+$0xE100]  }
0x114: {  	v57 =	vld [tilespmem:s21+$0xE180];
	v5 =	vadd.s32 v53, v5  }
0x115: {  	v58 =	vld [tilespmem:s21+$0xE200];
	s24 =	spop @p3 (v2sf);
	v5 =	vadd.s32 v54, v5  }
0x116: {  	v59 =	vld [tilespmem:s21+$0xE280];
	s23 =	spop @p3 (v2sf);
	v5 =	vadd.s32 v55, v5  }
0x117: {  	v60 =	vld [tilespmem:s21+$0xE300];
	s25 =	spop @p3 (v2sf);
	v5 =	vadd.s32 v56, v5  }
0x118: {  	s26 =	spop @p2 (v2sf);
	v5 =	vadd.s32 v7, v5;
	v7 =	vld [tilespmem:s21+$0xE380]  }
0x119: {  	s21 =	spop @p2 (v2sf);
	v5 =	vadd.s32 v57, v5  }
0x11a: {  	v9 =	vmpcnt.ones.xlane @p2 vm3;
	s28 =	sxor.u32 @p2 $0x80000000, s21;
	v5 =	vadd.s32 v58, v5  }
0x11b: {  	v10 =	vmov @p2 s28;
	v5 =	vadd.s32 v59, v5  }
0x11c: {  	v9 =	vxor.u32 @p2 $0x80000000, v9;
	vm3 =	veq.s32 @p2 v10, v0;
	v5 =	vadd.s32 v60, v5  }
0x11d: {  	v6 =	vpsel p2, v6, v0;
	(xrf0) =	vmax.scan.msk.u32 @p2 $0xffff, v9;
	v8 =	vnsel @p2 vm3, $0x0, v15;
	v5 =	vadd.s32 v7, v5  }
0x11e: {  	v6 =	vnsel @p2 vm3, $0x0, v6;
	(xrf0) =	vadd.scan.msk.s32 @p2 $0xffff, v8;
	v5 =	vperm.xlane v5, v1  }
0x11f: {  	(xrf0) =	vadd.scan.msk.s32 @p2 $0xffff, v6  }
0x120: {  	(xrf0) =	vadd.scan.msk.s32 $0xffff, v5;
	_ =	sdelay $0x2  }
0x121: {  	v6, _, _ =	vpop @p2 (xrf0)  }
0x122: {  	v7, _, _ =	vpop @p2 (xrf0)  }
0x123: {  	s28 =	simm.s32 $0x0;
	v8, _, _ =	vpop @p2 (xrf0)  }
0x124: {  	s28 =	smov.u32 @p2 s26;
	v61, _, _ =	vpop (xrf0)  }
0x125: {  	v9 =	vadd.s32 s28, v61  }
0x126: {  	vm3 =	vgt.s32 v9, $0x166665  }
0x127: {  	v62 =	vmctz.xlane vm3  }
0x128: {  	v63 =	vsel vm0, $0x0, v9  }
0x129: {  	(xrf0) =	vadd.scan.msk.s32 $0xffff, v63;
	v10 =	vxor.u32 $0x80000000, v62  }
0x12a: {  	(xrf0) =	vmax.scan.msk.u32 $0xffff, v10;
	_ =	sdelay $0x2  }
0x12b: {  	(v2sf) =	vpush @p2 v6, $0xF  }
0x12c: {  	(v2sf) =	vpush @p2 v7, $0xF  }
0x12d: {  	(v2sf) =	vpush @p2 v8, $0xF;
	v6, _, _ =	vpop (xrf0)  }
0x12e: {  	(v2sf) =	vpush v6, $0xF;
	v6, _, _ =	vpop (xrf0)  }
0x12f: {  	(v2sf) =	vpush v6, $0xF;
	_ =	sdelay $0xa  }
0x130: {  	s26 =	spop @p2 (v2sf)  }
0x131: {  	s28 =	spop @p2 (v2sf)  }
0x132: {  	s29 =	spop @p2 (v2sf)  }
0x133: {  	s30 =	spop (v2sf)  }
0x134: {  	s30 =	spop (v2sf)  }
0x135: {  	v6 =	vmpcnt.ones.xlane vm3;
	s31 =	sxor.u32 $0x80000000, s30  }
0x136: {  	v7 =	vmov s31  }
0x137: {  	v6 =	vxor.u32 $0x80000000, v6;
	vm3 =	veq.s32 v7, v0  }
0x138: {  	(xrf0) =	vmax.scan.msk.u32 $0xffff, v6;
	v6 =	vnsel vm3, $0x0, v9  }
0x139: {  	v5 =	vnsel vm3, $0x0, v5;
	(xrf0) =	vadd.scan.msk.s32 $0xffff, v6  }
0x13a: {  	(xrf0) =	vadd.scan.msk.s32 $0xffff, v5;
	_ =	sdelay $0x3  }
0x13b: {  	v5, _, _ =	vpop (xrf0)  }
0x13c: {  	(v2sf) =	vpush v5, $0xF;
	v5, _, _ =	vpop (xrf0)  }
0x13d: {  	(v2sf) =	vpush v5, $0xF;
	v5, _, _ =	vpop (xrf0)  }
0x13e: {  	(v2sf) =	vpush v5, $0xF  }
0x13f: {  	p0 =	sgt.u32 @p3 s24, $0x80000000  }
0x140: {  	p1 =	por @p3 !p0, !p5  }
0x141: {  	p1 =	por @p3 !p1, !p1  }
0x142: {  	s18 =	ssub.s32 @p3 s18, s22;
	p5 =	por !p1, !p3;
	p1 =	por @p3 p4, p0  }
0x143: {  	s18 =	smov.u32 @p5 s20;
	p1 =	por @!p3 p6, p6;
	s20 =	ssub.s32 @p3 s25, s23  }
0x144: {  	p0 =	por @p2 !p1, !p1;
	s20 =	sadd.s32 @p3 $0x166666, s20  }
0x145: {  	p0 =	por @!p2 p0, p0;
	s20 =	smov.u32 @p5 s19;
	s19 =	simm.s32 $0x0  }
0x146: {  	s19 =	smov.u32 @p3 s18;
	s18 =	simm.s32 $0x1;
	p4 =	sgt.u32 @p2 s26, $0x80000000  }
0x147: {  	s17 =	smov.u32 @p2 s17;
	s18 =	smov.u32 @p3 s20;
	p0 =	por @p2 !p4, !p0  }
0x148: {  	s20 =	ssub.s32 @p2 s17, s21;
	p1 =	por @p2 p1, p4;
	p0 =	por @p2 !p0, !p0  }
0x149: {  	p1 =	por @!p2 p6, p6;
	p0 =	por !p0, !p2;
	s17 =	ssub.s32 @p2 s29, s28  }
0x14a: {  	p5 =	por !p1, !p1;
	s20 =	smov.u32 @p0 s19;
	s19 =	sadd.s32 @p2 $0x166666, s17  }
0x14b: {  	s17 =	simm.s32 $0x0;
	s19 =	smov.u32 @p0 s18;
	s26 =	spop (v2sf)  }
0x14c: {  	s17 =	smov.u32 @p2 s20;
	p6 =	sgt.u32 s26, $0x80000000;
	s28 =	spop (v2sf)  }
0x14d: {  	s18 =	simm.s32 $0x1;
	p0 =	por !p6, !p5;
	s29 =	spop (v2sf)  }
0x14e: {  	s16 =	ssub.s32 s16, s30;
	p0 =	por !p0, !p0;
	s31 =	ssub.s32 s29, s28  }
0x14f: {  	s18 =	smov.u32 @p2 s19;
	s17 =	smov.u32 @p0 s16;
	s19 =	sadd.s32 $0x166666, s31  }
0x150: {  	s16 =	simm.s32 $0x0;
	s18 =	smov.u32 @p0 s19;
	s19 =	simm.s32 $0x200  }
.LBB2_10:
0x151: {  	p1 =	seq.s32 s19, $0x20200;
	[tilespmem:s16+$0x14070] =	vst v2  }
0x152: {  	[tilespmem:s16+$0x14000] =	vst v2  }
0x153: {  	[tilespmem:s16+$0x14010] =	vst v2  }
.Ltmp4:
0x154: {  	[tilespmem:s16+$0x14020] =	vst v2;
	(pc) =	sbr.rel @!p1 .LBB2_10-.Ltmp4, $4  }
0x155: {  	[tilespmem:s16+$0x14030] =	vst v2  }
0x156: {  	[tilespmem:s16+$0x14040] =	vst v2  }
0x157: {  	[tilespmem:s16+$0x14050] =	vst v2  }
0x158: {  	[tilespmem:s16+$0x14060] =	vst v2;
	s16 =	sshra.s32 s19, $0x2;
	s19 =	sadd.s32 $0x200, s19  }
0x159: {  	[tilespmem:s16+$0x14070] =	vst v2  }
0x15a: {  	[tilespmem:s16+$0x14000] =	vst v2  }
0x15b: {  	[tilespmem:s16+$0x14010] =	vst v2  }
0x15c: {  	[tilespmem:s16+$0x14020] =	vst v2  }
0x15d: {  	[tilespmem:s16+$0x14030] =	vst v2  }
0x15e: {  	[tilespmem:s16+$0x14040] =	vst v2  }
0x15f: {  	[tilespmem:s16+$0x14050] =	vst v2  }
0x160: {  	[tilespmem:s16+$0x14060] =	vst v2;
	v5 =	vmov s17;
	s16 =	simm.s32 $0x0  }
.LBB2_12:
0x161: {  	s19 =	sadd.s32 s5, s16  }
0x162: {  	s19 =	sshll.u32 s19, $0xE  }
0x163: {  	s19 =	sadd.s32 s19, s6  }
0x164: {  	[tilespmem:s11], [sflag:$0x1] =	stream.strided.gather [hbm4b:s19+s9], $0x4000, s10, s9, $0x38;
	[tilespmem:$0x1C980] =	vst v63  }
0x165: {  	_ =	swait.ge [sflag:s12], $0x4000  }
0x166: {  	[sflag:s12] =	ssyncset.done $0x0  }
0x167: {  	s19 =	simm.s32 $0x0;
	[sflag:s12] =	ssyncadd.s32 $0xFFFFC000  }
.LBB2_13:
0x168: {  	s20 =	sshra.s32 s19, $0x2  }
0x169: {  	v6 =	vld [tilespmem:s20+$0x10000];
	_ =	sdelay $0x4  }
0x16a: {  	v7 =	vshra.s32 v6, $0x15;
	v6 =	vshrl.u32 v6, $0xA  }
0x16b: {  	vm3 =	veq.s32 v7, v5;
	v6 =	vand.u32 $0x7FF, v6  }
0x16c: {  	v6 =	vadd.s32 v3, v6;
	_ =	sdelay $0x4  }
0x16d: {  	[tilespmem:v6+s13+$0x0] =	vst.idx.add.s32.msk vm3, v4  }
0x16e: {  	v6 =	vld [tilespmem:s20+$0x10010];
	_ =	sdelay $0x4  }
0x16f: {  	v7 =	vshra.s32 v6, $0x15;
	v6 =	vshrl.u32 v6, $0xA  }
0x170: {  	vm3 =	veq.s32 v7, v5;
	v6 =	vand.u32 $0x7FF, v6  }
0x171: {  	v6 =	vadd.s32 v3, v6;
	_ =	sdelay $0x4  }
0x172: {  	[tilespmem:v6+s13+$0x0] =	vst.idx.add.s32.msk vm3, v4  }
0x173: {  	v6 =	vld [tilespmem:s20+$0x10020];
	_ =	sdelay $0x4  }
0x174: {  	v7 =	vshra.s32 v6, $0x15;
	v6 =	vshrl.u32 v6, $0xA  }
0x175: {  	vm3 =	veq.s32 v7, v5;
	v6 =	vand.u32 $0x7FF, v6  }
0x176: {  	v6 =	vadd.s32 v3, v6;
	_ =	sdelay $0x4  }
0x177: {  	[tilespmem:v6+s13+$0x0] =	vst.idx.add.s32.msk vm3, v4  }
0x178: {  	v6 =	vld [tilespmem:s20+$0x10030];
	_ =	sdelay $0x4  }
0x179: {  	v7 =	vshra.s32 v6, $0x15;
	v6 =	vshrl.u32 v6, $0xA  }
0x17a: {  	vm3 =	veq.s32 v7, v5;
	v6 =	vand.u32 $0x7FF, v6  }
0x17b: {  	v6 =	vadd.s32 v3, v6;
	_ =	sdelay $0x4  }
0x17c: {  	[tilespmem:v6+s13+$0x0] =	vst.idx.add.s32.msk vm3, v4  }
0x17d: {  	v6 =	vld [tilespmem:s20+$0x10040];
	_ =	sdelay $0x4  }
0x17e: {  	v7 =	vshra.s32 v6, $0x15;
	v6 =	vshrl.u32 v6, $0xA  }
0x17f: {  	vm3 =	veq.s32 v7, v5;
	v6 =	vand.u32 $0x7FF, v6  }
0x180: {  	v6 =	vadd.s32 v3, v6;
	_ =	sdelay $0x4  }
0x181: {  	[tilespmem:v6+s13+$0x0] =	vst.idx.add.s32.msk vm3, v4  }
0x182: {  	v6 =	vld [tilespmem:s20+$0x10050];
	_ =	sdelay $0x4  }
0x183: {  	v7 =	vshra.s32 v6, $0x15;
	v6 =	vshrl.u32 v6, $0xA  }
0x184: {  	vm3 =	veq.s32 v7, v5;
	v6 =	vand.u32 $0x7FF, v6  }
0x185: {  	v6 =	vadd.s32 v3, v6;
	_ =	sdelay $0x4  }
0x186: {  	[tilespmem:v6+s13+$0x0] =	vst.idx.add.s32.msk vm3, v4  }
0x187: {  	v6 =	vld [tilespmem:s20+$0x10060];
	_ =	sdelay $0x4  }
0x188: {  	v7 =	vshra.s32 v6, $0x15;
	v6 =	vshrl.u32 v6, $0xA  }
0x189: {  	vm3 =	veq.s32 v7, v5;
	v6 =	vand.u32 $0x7FF, v6  }
0x18a: {  	v6 =	vadd.s32 v3, v6;
	_ =	sdelay $0x4  }
0x18b: {  	[tilespmem:v6+s13+$0x0] =	vst.idx.add.s32.msk vm3, v4  }
0x18c: {  	v6 =	vld [tilespmem:s20+$0x10070];
	_ =	sdelay $0x4  }
0x18d: {  	v7 =	vshra.s32 v6, $0x15;
	v6 =	vshrl.u32 v6, $0xA  }
0x18e: {  	vm3 =	veq.s32 v7, v5;
	v6 =	vand.u32 $0x7FF, v6  }
0x18f: {  	p0 =	sne.s32 s19, $0xFE00;
	v6 =	vadd.s32 v3, v6  }
.Ltmp5:
0x190: {  	_ = 	snop;
	(pc) =	sbr.rel @p0 .LBB2_13-.Ltmp5, $2  }
0x191: {  	_ =	sdelay $0x2  }
0x192: {  	s19 =	sadd.s32 $0x200, s19;
	[tilespmem:v6+s13+$0x0] =	vst.idx.add.s32.msk vm3, v4  }
0x193: {  	s16 =	sadd.s32 $0x1, s16  }
0x194: {  	p0 =	sne.s32 s16, $0x4  }
.Ltmp6:
0x195: {  	_ = 	snop;
	(pc) =	sbr.rel @p0 .LBB2_12-.Ltmp6, $1  }
0x196: {  	_ =	sdelay $0x3  }
0x197: {  	s16 =	simm.s32 $0x0  }
0x198: {  	v5 =	vld [tilespmem:s16+$0x14000]  }
0x199: {  	v6 =	vld [tilespmem:s16+$0x14811]  }
0x19a: {  	v7 =	vld [tilespmem:s16+$0x15022]  }
0x19b: {  	v8 =	vld [tilespmem:s16+$0x15833]  }
0x19c: {  	v9 =	vld [tilespmem:s16+$0x16044]  }
0x19d: {  	v10 =	vld [tilespmem:s16+$0x16855]  }
0x19e: {  	v5 =	vadd.s32 v5, v6;
	v6 =	vld [tilespmem:s16+$0x17066]  }
0x19f: {  	v5 =	vadd.s32 v7, v5;
	v7 =	vld [tilespmem:s16+$0x17877]  }
0x1a0: {  	v5 =	vadd.s32 v8, v5;
	v8 =	vld [tilespmem:s16+$0x18088]  }
0x1a1: {  	v5 =	vadd.s32 v9, v5;
	v9 =	vld [tilespmem:s16+$0x18899]  }
0x1a2: {  	v5 =	vadd.s32 v10, v5;
	v10 =	vld [tilespmem:s16+$0x190AA]  }
0x1a3: {  	v11 =	vld [tilespmem:s16+$0x198BB];
	v5 =	vadd.s32 v6, v5  }
0x1a4: {  	v6 =	vld [tilespmem:s16+$0x1A0CC];
	v5 =	vadd.s32 v7, v5  }
0x1a5: {  	v7 =	vld [tilespmem:s16+$0x1A8DD];
	v5 =	vadd.s32 v8, v5  }
0x1a6: {  	v8 =	vld [tilespmem:s16+$0x1B0EE];
	v5 =	vadd.s32 v9, v5  }
0x1a7: {  	s19 =	simm.s32 $0x10;
	v9 =	vld [tilespmem:s16+$0x1B8FF];
	v10 =	vadd.s32 v10, v5  }
0x1a8: {  	s20 =	simm.s32 $0x80;
	v5 =	vld [tilespmem:s19+$0x14000];
	v10 =	vadd.s32 v11, v10  }
.LBB2_16:
0x1a9: {  	p1 =	sne.s32 s20, $0x1FC0;
	v11 =	vld [tilespmem:s19+$0x14811];
	v6 =	vadd.s32 v6, v10  }
0x1aa: {  	v10 =	vld [tilespmem:s19+$0x15022];
	v6 =	vadd.s32 v7, v6  }
0x1ab: {  	v7 =	vld [tilespmem:s19+$0x15833];
	v6 =	vadd.s32 v8, v6  }
0x1ac: {  	v8 =	vld [tilespmem:s19+$0x16044];
	v6 =	vadd.s32 v9, v6  }
0x1ad: {  	v9 =	vld [tilespmem:s19+$0x16855];
	[tilespmem:s16+$0x1C100] =	vst v6;
	s16 =	smov.u32 s19  }
0x1ae: {  	v5 =	vadd.s32 v5, v11;
	v6 =	vld [tilespmem:s16+$0x17066]  }
0x1af: {  	v5 =	vadd.s32 v10, v5;
	v10 =	vld [tilespmem:s16+$0x17877]  }
0x1b0: {  	v5 =	vadd.s32 v7, v5;
	v7 =	vld [tilespmem:s16+$0x18088]  }
0x1b1: {  	v5 =	vadd.s32 v8, v5;
	v8 =	vld [tilespmem:s16+$0x18899]  }
0x1b2: {  	v5 =	vadd.s32 v9, v5;
	v9 =	vld [tilespmem:s16+$0x190AA]  }
0x1b3: {  	v5 =	vadd.s32 v6, v5;
	v11 =	vld [tilespmem:s16+$0x198BB]  }
.Ltmp7:
0x1b4: {  	v5 =	vadd.s32 v10, v5;
	v6 =	vld [tilespmem:s16+$0x1A0CC];
	(pc) =	sbr.rel @p1 .LBB2_16-.Ltmp7, $4  }
0x1b5: {  	v5 =	vadd.s32 v7, v5;
	v7 =	vld [tilespmem:s16+$0x1A8DD]  }
0x1b6: {  	v5 =	vadd.s32 v8, v5;
	v8 =	vld [tilespmem:s16+$0x1B0EE]  }
0x1b7: {  	s19 =	sshra.s32 s20, $0x2;
	v10 =	vadd.s32 v9, v5;
	v9 =	vld [tilespmem:s16+$0x1B8FF]  }
0x1b8: {  	s20 =	sadd.s32 $0x40, s20;
	v5 =	vld [tilespmem:s19+$0x14000];
	v10 =	vadd.s32 v11, v10  }
0x1b9: {  	v11 =	vld [tilespmem:s19+$0x14811];
	v6 =	vadd.s32 v6, v10  }
0x1ba: {  	v55 =	vld [tilespmem:s19+$0x15022];
	v6 =	vadd.s32 v7, v6  }
0x1bb: {  	v7 =	vld [tilespmem:s19+$0x15833];
	v6 =	vadd.s32 v8, v6  }
0x1bc: {  	v56 =	vld [tilespmem:s19+$0x16044];
	v6 =	vadd.s32 v9, v6  }
0x1bd: {  	v57 =	vld [tilespmem:s19+$0x16855];
	[tilespmem:s16+$0x1C100] =	vst v6  }
0x1be: {  	v5 =	vadd.s32 v5, v11;
	v6 =	vld [tilespmem:s19+$0x17066]  }
0x1bf: {  	v58 =	vld [tilespmem:s19+$0x17877];
	v5 =	vadd.s32 v55, v5  }
0x1c0: {  	v5 =	vadd.s32 v7, v5;
	v7 =	vld [tilespmem:s19+$0x18088]  }
0x1c1: {  	v59 =	vld [tilespmem:s19+$0x18899];
	v5 =	vadd.s32 v56, v5  }
0x1c2: {  	v60 =	vld [tilespmem:s19+$0x190AA];
	v5 =	vadd.s32 v57, v5  }
0x1c3: {  	v5 =	vadd.s32 v6, v5;
	v6 =	vld [tilespmem:s19+$0x198BB]  }
0x1c4: {  	v61 =	vld [tilespmem:s19+$0x1A0CC];
	v5 =	vadd.s32 v58, v5  }
0x1c5: {  	v5 =	vadd.s32 v7, v5;
	v7 =	vld [tilespmem:s19+$0x1A8DD]  }
0x1c6: {  	v62 =	vld [tilespmem:s19+$0x1B0EE];
	v5 =	vadd.s32 v59, v5  }
0x1c7: {  	v63 =	vld [tilespmem:s19+$0x1B8FF];
	v5 =	vadd.s32 v60, v5  }
0x1c8: {  	v5 =	vadd.s32 v6, v5  }
0x1c9: {  	v5 =	vadd.s32 v61, v5  }
0x1ca: {  	v5 =	vadd.s32 v7, v5  }
0x1cb: {  	v5 =	vadd.s32 v62, v5  }
0x1cc: {  	v5 =	vadd.s32 v63, v5  }
0x1cd: {  	[tilespmem:s19+$0x1C100] =	vst v5  }
0x1ce: {  	[hbm4b:s7+s9] =	stream.strided.scatter [tilespmem:s14], [sflag:$0x1], $0x800, s10, s9, $0x38;
	[tilespmem:$0x1C980] =	vst v63  }
0x1cf: {  	_ =	swait.ge [sflag:s12], $0x800  }
0x1d0: {  	s31 =	sld [smem:$0x7FD];
	_ =	sdelay $0x2  }
0x1d1: {  	p1 =	seq.s32 s31, $0x1  }
0x1d2: {  	v5 =	vmov @!p1 s17  }
0x1d3: {  	[sflag:s12] =	ssyncset.done $0x0;
	v5 =	vnsel @!p1 vm1, $0x0, v5  }
0x1d4: {  	s15 =	sadd.s32 $0x1, s15;
	[sflag:s12] =	ssyncadd.s32 $0xFFFFF800;
	v5 =	vsel @!p1 vm2, s18, v5  }
0x1d5: {  	p0 =	sne.s32 s15, s8;
	s16 =	simm.s32 @!p1 $0x0;
	s17 =	simm.s32 @!p1 $0x1C900;
	[tilespmem:$0x1C900] =	vst @!p1 v5  }
0x1d6: {  	[hbm4b:s2+s16] =	stream.linear.scatter @!p1 [tilespmem:s17], [sflag:$0x1], $0x80, $0x38;
	[tilespmem:$0x1C980] =	vst v63  }
.Ltmp8:
0x1d7: {  	_ = 	snop;
	(pc) =	sbr.rel @p0 .LBB2_1-.Ltmp8, $4  }
.Ltmp9:
0x1d8: {  	s16 =	simm.s32 @!p1 $0x1;
	(pc) =	sbr.rel @!p0 .LBB2_18-.Ltmp9, $4  }
0x1d9: {  	_ =	swait.ge @!p1 [sflag:s16], $0x80  }
0x1da: {  	[sflag:s16] =	ssyncset.done @!p1 $0x0  }
0x1db: {  	[sflag:s16] =	ssyncadd.s32 @!p1 $0xFFFFFF80  }
0x1dc: {  	_ = 	snop  }
.LBB2_2:
.Ltmp10:
0x1dd: {  	(pc) =	sbr.rel .LBB2_9-.Ltmp10, $3  }
0x1de: {  	_ =	sdelay $0x1  }
0x1df: {  	s17 =	simm.s32 $0x800003FF;
	p4 =	por $0x0, $0x0  }
0x1e0: {  	s20 =	simm.s32 $0x0;
	s23 =	simm.s32 $0x1F80;
	s19 =	simm.s32 $0x1  }
.LBB2_4:
.Ltmp11:
0x1e1: {  	(pc) =	sbr.rel .LBB2_9-.Ltmp11, $3  }
0x1e2: {  	_ =	sdelay $0x1  }
0x1e3: {  	s17 =	simm.s32 $0x800003FF  }
0x1e4: {  	p4 =	por $0x0, $0x0;
	s20 =	simm.s32 $0x0;
	s19 =	simm.s32 $0x1  }
.LBB2_6:
.Ltmp12:
0x1e5: {  	(pc) =	sbr.rel .LBB2_9-.Ltmp12, $4  }
0x1e6: {  	_ = 	snop  }
0x1e7: {  	s18 =	simm.s32 $0x800003FF  }
0x1e8: {  	p4 =	por $0x0, $0x0;
	s24 =	smov.u32 s22;
	s20 =	simm.s32 $0x0  }
0x1e9: {  	s23 =	simm.s32 $0x1E80;
	s19 =	simm.s32 $0x1;
	p6 =	por $0x0, $0x0  }
.LBB2_18:
0x1ea: {  	_ =	sfence.sel $0x180000  }
0x1eb: {  	[bflag:$0x0] =	sbarrier.arrive $0xFFFF  }
0x1ec: {  	p0 =	sne.s32 s1, $0x0;
	_ =	strace $0x9000004D  }
0x1ed: {  	s0 =	sadd.s32 @!p0 $0x100000, s0;
	[bflag:$0x2] =	sbarrier.arrive $0xFFFF  }
0x1ee: {  	[sflag:s0] =	ssyncadd.tile.s32 @!p0 $0x1;
	_ =	shalt  }
.Lfunc_end2:
_tile_overlayer_lowered:
.L_overlay_start_2:
0x1ef: {  	(tag) =	ssettag $0x2  }
0x1f0: {  	s0 =	rddreg [dreg:$0x0];
	s2 =	stileid.u32  }
0x1f1: {  	s1 =	rddreg [dreg:$0x1];
	p0 =	sne.s32 s2, $0x0  }
0x1f2: {  	s3 =	rddreg [dreg:$0x2];
	[bflag:$0x3] =	sbarrier.arrive $0xFFFF;
	s2 =	simm.s32 @!p0 $0x1C01  }
0x1f3: {  	[timem:s3], [sflag:s2] =	dma.local @!p0 [hbm:s0], s1  }
0x1f4: {  	s0 =	simm.s32 @!p0 $0x1  }
0x1f5: {  	_ =	swait.ge @!p0 [sflag:s0], s1  }
0x1f6: {  	s1 =	ssub.s32 @!p0 $0x0, s1;
	[sflag:s0] =	ssyncset.done @!p0 $0x0  }
0x1f7: {  	[sflag:s0] =	ssyncadd.s32 @!p0 s1  }
0x1f8: {  	[bflag:$0x3] =	sbarrier.arrive $0xFFFF  }
0x1f9: {  	_ =	shalt  }

// kernel: kernel.8.cloned.1.call-start
scs
__scs_entry_jumppad:
0x0: {  	(pc) =	sbr.rel $0x88, $3  }
0x1: {  	(tag) =	ssettag $0x0;
	lr =	simm.s32 $0x1  }
0x2: {  	[smem:$0x3F9F] =	sst lr;
	_ =	strace $0xD0000000  }
0x3: {  	_ = 	snop  }
0x4: {  	_ = 	snop  }
0x5: {  	_ = 	snop  }
0x6: {  	_ = 	snop  }
0x7: {  	_ = 	snop  }
__scs_overlays_trampoline_lowered:
0x8: {  	[smem:$0x3FAE] =	sst s0  }
0x9: {  	[smem:$0x3FAF] =	sst s1  }
0xa: {  	[smem:$0x3FB0] =	sst s2  }
0xb: {  	[smem:$0x3FB1] =	sst s3  }
0xc: {  	[smem:$0x3FB2] =	sst s4  }
0xd: {  	[smem:$0x3FB3] =	sst s5  }
0xe: {  	[smem:$0x3FB4] =	sst s6  }
0xf: {  	[smem:$0x3FB5] =	sst s7  }
0x10: {  	[smem:$0x3FB6] =	sst s8  }
0x11: {  	[smem:$0x3FB7] =	sst s9;
	s0 =	simm.s32 @!p0 $0x0  }
0x12: {  	s1 =	sld [smem:$0x3F9D];
	s0 =	simm.s32 @p0 $0x1  }
0x13: {  	[smem:$0x3FB8] =	sst s0;
	s0 =	simm.s32 @!p1 $0x0  }
0x14: {  	s2 =	sld [smem:$0x3F9C];
	s0 =	simm.s32 @p1 $0x1  }
0x15: {  	[smem:$0x3FB9] =	sst s0;
	s0 =	simm.s32 @!p2 $0x0  }
0x16: {  	s3 =	sld [smem:$0x3FDB];
	s0 =	simm.s32 @p2 $0x1  }
0x17: {  	s4 =	simm.s32 $0x1BF5;
	[smem:$0x3FBB] =	sst s0  }
0x18: {  	s0 =	sld [smem:$0x3F9E];
	_ =	swait.ge [sflag:s4], $0x0  }
0x19: {  	s7 =	sld [smem:$0x3F9F]  }
0x1a: {  	s8 =	sadd.s32 $0xFFFFE003, lr  }
0x1b: {  	s9 =	sadd.s32 $0xFFFFFEF7, lr;
	s5 =	simm.s32 $0xFFFFFFFF;
	p2 =	slt.u32 s8, $0xFFFFF086  }
0x1c: {  	p1 =	slt.u32 s9, $0xF7A;
	s5 =	simm.s32 @!p2 $0x0  }
0x1d: {  	s5 =	simm.s32 @p1 $0x1;
	p0 =	seq.s32 s7, s2  }
0x1e: {  	s7 =	smul.u32 @!p0 $0xF7A, s2;
	p2 =	seq.s32 @!p0 s5, $0x0  }
0x1f: {  	s9 =	smul.u32 $0xF7A, s1;
	s8 =	simm.s32 @!p0 $0x1BF5;
	p2 =	por !p2, p0  }
0x20: {  	[sflag:s8] =	ssyncset.s32 @!p0 $0xFFFFF086;
	s6 =	sadd.s32 @!p0 s3, s7;
	s7 =	simm.s32 @!p0 $0x108  }
0x21: {  	s3 =	sadd.s32 s3, s9;
	s6 =	sadd.s32 @!p0 $0x88, s6;
	s7 =	simm.s32 @p2 $0x1082  }
0x22: {  	[simem:s7], [sflag:s8] =	dma.local @!p0 [hbm:s6], $0xF7A  }
0x23: {  	s9 =	sor.u32 $0xD0000000, s2;
	s6 =	simm.s32 $0x108;
	_ =	swait.ge @!p0 [sflag:s8], $0x0  }
0x24: {  	s3 =	sadd.s32 $0x88, s3;
	s6 =	simm.s32 @!p1 $0x1082;
	[sflag:s4] =	ssyncset.s32 $0xFFFFF086  }
0x25: {  	[simem:s6], [sflag:s4] =	dma.local [hbm:s3], $0xF7A  }
0x26: {  	[smem:$0x3F9F] =	sst s1;
	(tag) =	ssettag s2;
	_ =	strace s9  }
0x27: {  	s1 =	sld [smem:$0x3FAF]  }
0x28: {  	s2 =	sld [smem:$0x3FB0]  }
0x29: {  	s4 =	sld [smem:$0x3FB2]  }
0x2a: {  	p0 =	seq.s32 s5, $0x0;
	s5 =	sld [smem:$0x3FB3]  }
0x2b: {  	s6 =	sld [smem:$0x3FB4]  }
0x2c: {  	s7 =	sld [smem:$0x3FB5]  }
0x2d: {  	s3 =	simm.s32 $0x108;
	s8 =	sld [smem:$0x3FB6]  }
0x2e: {  	s3 =	simm.s32 @!p0 $0x1082;
	s9 =	sld [smem:$0x3FB7]  }
0x2f: {  	lr =	sadd.s32 s0, s3;
	s0 =	sld [smem:$0x3FAE]  }
0x30: {  	s3 =	sld [smem:$0x3FB1]  }
0x31: {  	[smem:$0x3FBA] =	sst s10  }
0x32: {  	s10 =	sld [smem:$0x3FB8];
	_ =	sdelay $0x3  }
0x33: {  	p0 =	seq.s32 s10, $0x1;
	s10 =	sld [smem:$0x3FBA];
	_ =	sdelay $0x3  }
0x34: {  	[smem:$0x3FBA] =	sst s10  }
0x35: {  	s10 =	sld [smem:$0x3FB9];
	_ =	sdelay $0x3  }
0x36: {  	p1 =	seq.s32 s10, $0x1;
	s10 =	sld [smem:$0x3FBA];
	_ =	sdelay $0x3  }
0x37: {  	[smem:$0x3FBA] =	sst s10  }
0x38: {  	s10 =	sld [smem:$0x3FBB]  }
0x39: {  	_ = 	snop;
	(pc) =	sbr.ind lr, $3  }
0x3a: {  	_ = 	snop  }
0x3b: {  	_ = 	snop  }
0x3c: {  	p2 =	seq.s32 s10, $0x1;
	s10 =	sld [smem:$0x3FBA]  }
0x3d: {  	_ =	shalt  }
0x3e: {  	_ =	shalt  }
0x3f: {  	_ =	shalt  }
0x40: {  	_ =	shalt  }
0x41: {  	_ =	shalt  }
0x42: {  	_ =	shalt  }
0x43: {  	_ =	shalt  }
0x44: {  	_ =	shalt  }
0x45: {  	_ =	shalt  }
0x46: {  	_ =	shalt  }
0x47: {  	_ =	shalt  }
0x48: {  	_ =	shalt  }
0x49: {  	_ =	shalt  }
0x4a: {  	_ =	shalt  }
0x4b: {  	_ =	shalt  }
0x4c: {  	_ =	shalt  }
0x4d: {  	_ =	shalt  }
0x4e: {  	_ =	shalt  }
0x4f: {  	_ =	shalt  }
0x50: {  	_ =	shalt  }
0x51: {  	_ =	shalt  }
0x52: {  	_ =	shalt  }
0x53: {  	_ =	shalt  }
0x54: {  	_ =	shalt  }
0x55: {  	_ =	shalt  }
0x56: {  	_ =	shalt  }
0x57: {  	_ =	shalt  }
0x58: {  	_ =	shalt  }
0x59: {  	_ =	shalt  }
0x5a: {  	_ =	shalt  }
0x5b: {  	_ =	shalt  }
0x5c: {  	_ =	shalt  }
0x5d: {  	_ =	shalt  }
0x5e: {  	_ =	shalt  }
0x5f: {  	_ =	shalt  }
0x60: {  	_ =	shalt  }
0x61: {  	_ =	shalt  }
0x62: {  	_ =	shalt  }
0x63: {  	_ =	shalt  }
0x64: {  	_ =	shalt  }
0x65: {  	_ =	shalt  }
0x66: {  	_ =	shalt  }
0x67: {  	_ =	shalt  }
0x68: {  	_ =	shalt  }
0x69: {  	_ =	shalt  }
0x6a: {  	_ =	shalt  }
0x6b: {  	_ =	shalt  }
0x6c: {  	_ =	shalt  }
0x6d: {  	_ =	shalt  }
0x6e: {  	_ =	shalt  }
0x6f: {  	_ =	shalt  }
0x70: {  	_ =	shalt  }
0x71: {  	_ =	shalt  }
0x72: {  	_ =	shalt  }
0x73: {  	_ =	shalt  }
0x74: {  	_ =	shalt  }
0x75: {  	_ =	shalt  }
0x76: {  	_ =	shalt  }
0x77: {  	_ =	shalt  }
0x78: {  	_ =	shalt  }
0x79: {  	_ =	shalt  }
0x7a: {  	_ =	shalt  }
0x7b: {  	_ =	shalt  }
0x7c: {  	_ =	shalt  }
0x7d: {  	_ =	shalt  }
0x7e: {  	_ =	shalt  }
0x7f: {  	_ =	shalt  }
0x80: {  	_ =	shalt  }
0x81: {  	_ =	shalt  }
0x82: {  	_ =	shalt  }
0x83: {  	_ =	shalt  }
0x84: {  	_ =	shalt  }
0x85: {  	_ =	shalt  }
0x86: {  	_ =	shalt  }
0x87: {  	_ =	shalt  }
.Lfunc_end0:
.L_simem_size_0:
called_computation_lowered:
.L_overlay_start_0:
0x88: {  	s2 =	sld [smem:$0x3FD9]  }
0x89: {  	s3 =	sld [smem:$0x3FFE];
	_ =	sdelay $0x1  }
0x8a: {  	s1 =	srdreg.scid  }
0x8b: {  	s0 =	sand.u32 $0x1, s1  }
0x8c: {  	s17 =	sshll.u32 s0, $0xA;
	s2 =	sadd.s32 s3, s2  }
0x8d: {  	s2 =	sadd.s32 s2, s17  }
0x8e: {  	[smem:$0x3FC6] =	sst s2  }
0x8f: {  	_ = 	snop  }
0x90: {  	(tm) =	ssettm $0x1  }
0x91: {  	s18 =	sld [smem:$0x3FFB];
	_ =	sdelay $0x3  }
0x92: {  	_ =	strace s18  }
0x93: {  	s2 =	sld [smem:$0x3FFC];
	_ =	sdelay $0x3  }
0x94: {  	_ =	strace s2  }
0x95: {  	s2 =	sld [smem:$0x3FFD];
	_ =	sdelay $0x3  }
0x96: {  	_ =	strace s2  }
0x97: {  	_ =	strace $0x8FFFFFFF  }
0x98: {  	s19 =	sld [smem:$0x3FDB];
	_ =	sdelay $0x1  }
0x99: {  	s20 =	simm.s32 $_scs_section_size  }
0x9a: {  	s4 =	simm.s32 $_size__tile_overlayer_lowered;
	s5 =	simm.s32 $_tile_overlayer_lowered  }
0x9b: {  	s6 =	simm.s32 $0x1BFF;
	s21 =	sshll.u32 s5, $0x1;
	s3 =	sadd.s32 s20, s19  }
0x9c: {  	s22 =	simm.s32 $0x0;
	s4 =	sshll.u32 s4, $0x1;
	s5 =	sadd.s32 s21, s3  }
0x9d: {  	[timem:s22], [sflag:s6] =	dma.local [hbm:s5], s4  }
0x9e: {  	_ =	swait.ge [sflag:s6], s4  }
0x9f: {  	s4 =	ssub.s32 $0x0, s4;
	[sflag:s6] =	ssyncset.done $0x0  }
0xa0: {  	[sflag:s6] =	ssyncadd.s32 s4;
	_ =	sdelay $0x1  }
0xa1: {  	s23 =	simm.s32 $0x1B8B  }
0xa2: {  	_ =	swait.ge [sflag:s23], $0x1  }
0xa3: {  	[sflag:s23] =	ssyncset.done $0x0  }
0xa4: {  	[sflag:s23] =	ssyncadd.s32 $0xFFFFFFFF  }
0xa5: {  	s4 =	sld [smem:$0x0]  }
0xa6: {  	s5 =	sand.u32 $0xFFFFFFFE, s1  }
0xa7: {  	p0 =	sne.s32 s1, s5  }
0xa8: {  	s5 =	sshll.u32 @p0 s5, $0xE  }
0xa9: {  	s5 =	sadd.s32 @p0 $0x11B8D, s5;
	s6 =	sshll.u32 @p0 s4, $0x11  }
0xaa: {  	s5 =	sor.u32 @p0 s6, s5  }
0xab: {  	[sflag:s5] =	ssyncadd.remote.s32 @p0 $0x1;
	_ =	sdelay $0x1  }
0xac: {  	s5 =	simm.s32 @p0 $0x1B8D  }
0xad: {  	_ =	swait.eq @p0 [sflag:s5], $0x1  }
0xae: {  	[sflag:s5] =	ssyncadd.s32 @p0 $0xFFFFFFFF  }
0xaf: {  	s6 =	sshll.u32 @!p0 s1, $0xE  }
0xb0: {  	s6 =	sor.u32 @!p0 $0x4000, s6;
	s5 =	simm.s32 @!p0 $0x1B8D  }
0xb1: {  	s4 =	sshll.u32 @!p0 s4, $0x11;
	s6 =	sadd.s32 @!p0 $0x11B8D, s6;
	_ =	swait.eq @!p0 [sflag:s5], $0x1  }
0xb2: {  	s4 =	sor.u32 @!p0 s4, s6;
	[sflag:s5] =	ssyncadd.s32 @!p0 $0xFFFFFFFF  }
0xb3: {  	s25 =	simm.s32 $0x1B8E;
	s24 =	sld [smem:$0x3FFE];
	[sflag:s4] =	ssyncadd.remote.s32 @!p0 $0x1  }
0xb4: {  	s26 =	simm.s32 $execute0_lowered;
	[smem:$0x3FD2] =	sst s25  }
0xb5: {  	s5 =	sshll.u32 s26, $0x1;
	_ =	strace $0x80000049;
	[dreg:$0x1] =	wrdreg $0xFFFFFFFF  }
0xb6: {  	s28 =	simm.s32 $_size_execute0_lowered;
	s3 =	sadd.s32 s3, s5;
	[dreg:$0x0] =	wrdreg $0x0  }
0xb7: {  	s5 =	sshll.u32 s28, $0x1;
	[dreg:$0x2] =	wrdreg s3  }
0xb8: {  	[dreg:$0x3] =	wrdreg s5  }
0xb9: {  	[dreg:$0x4] =	wrdreg $0xC0  }
0xba: {  	_ =	task [dreg:s22], $0x5FFFF  }
0xbb: {  	[dreg:$0x1] =	wrdreg $0xFFFFFFFF  }
0xbc: {  	[dreg:$0x0] =	wrdreg $0x60  }
0xbd: {  	[dreg:$0x2] =	wrdreg s24  }
0xbe: {  	[dreg:$0x3] =	wrdreg $0x9  }
0xbf: {  	_ =	task.clear_ibuf [dreg:s22], $0x4FFFF;
	_ =	strace $0x90000049  }
0xc0: {  	s29 =	simm.s32 $0x9;
	_ =	strace $0x8000004B  }
0xc1: {  	_ =	swait.ge [sflag:s29], $0x1  }
0xc2: {  	[sflag:s29] =	ssyncadd.s32 $0xFFFFFFFF  }
0xc3: {  	_ =	strace $0x9000004B  }
0xc4: {  	_ =	sfence  }
0xc5: {  	s30 =	sld [smem:$0x0];
	_ =	sdelay $0x2  }
0xc6: {  	s31 =	sshll.u32 s1, $0xD;
	s1 =	sshrl.u32 s1, $0x2  }
0xc7: {  	s4 =	sand.u32 $0x4000, s31;
	s1 =	sadd.s32 s1, s30  }
0xc8: {  	s0 =	sor.u32 s4, s0;
	s1 =	sshll.u32 s1, $0x11  }
0xc9: {  	s0 =	sor.u32 s1, s0  }
0xca: {  	s0 =	sadd.s32 $0x8F2B, s0  }
0xcb: {  	[sflag:s0] =	ssyncadd.remote.s32 $0x1  }
0xcc: {  	_ =	sfence.sel $0xFFFF  }
0xcd: {  	[dreg:$0x0] =	wrdreg $0xFFFFFFFF;
	(pc) =	sbr.abs _section_cstart, $3  }
0xce: {  	[dreg:$0x1] =	wrdreg $0xFFFFFFFF  }
0xcf: {  	_ =	task.clear_ibuf [dreg:s22], $0x2FFFF;
	_ =	strace $0x9FFFFFFF  }
0xd0: {  	(tm) =	ssettm $0x7FFFFFFF  }
0xd1: {  	_ =	shalt  }
tec
execute0_lowered:
.L_overlay_start_1:
0x0: {  	(tag) =	ssettag $0x1  }
0x1: {  	s3 =	rddreg [dreg:$0x0]  }
0x2: {  	s0 =	rddreg [dreg:$0x1];
	s2 =	simm.s32 $0x0  }
0x3: {  	s4 =	srdreg.scid;
	s1 =	stileid.u32;
	s8 =	simm.s32 $0x1  }
0x4: {  	s9 =	simm.s32 $0x8000;
	s10 =	simm.s32 $0xC100;
	s11 =	simm.s32 $0x0  }
0x5: {  	[smem:$0x7FF] =	sst s2;
	s4 =	sand.u32 $0x1, s4;
	s5 =	sshll.u32 s1, $0x8  }
0x6: {  	s6 =	sshrl.u32 s1, $0x2;
	s7 =	sshll.u32 s4, $0x7;
	s5 =	sand.u32 $0x300, s5  }
0x7: {  	s29 =	sshll.u32 s6, $0x12;
	s6 =	sshll.u32 s6, $0xD;
	s5 =	sor.u32 s7, s5  }
0x8: {  	_ =	strace $0x8000004A;
	s7 =	sor.u32 s29, s5;
	s5 =	sor.u32 s6, s5  }
0x9: {  	s4 =	ssub.s32 $0x2, s4;
	s30 =	sshrl.u32 s7, $0x3;
	s5 =	sshrl.u32 s5, $0x3  }
0xa: {  	s31 =	sshrl.u32 s4, $0x1;
	s6 =	sadd.s32 s30, s3;
	s5 =	sadd.s32 s5, s3  }
0xb: {  	v1 =	vlaneseq.u32;
	s7 =	ssub.s32 s4, s31;
	s3 =	sadd.s32 $0x22800, s6;
	s4 =	sadd.s32 $0x42800, s5  }
0xc: {  	v0 =	vimm.s32 $0x0;
	v2 =	vimm.s32 $0x1;
	v1 =	vmul.u32 $0x411, v1;
	s5 =	smax.u32 s7, $0x1;
	s6 =	simm.s32 $0x80;
	s7 =	simm.s32 $0x400  }
.LBB2_1:
0xd: {  	[tilespmem:s2], [sflag:$0x1] =	stream.strided.gather [hbm4b:s3+s6], $0x8000, s7, s6, $0x38;
	[tilespmem:$0xC500] =	vst v63  }
0xe: {  	_ =	swait.ge [sflag:s8], $0x8000  }
0xf: {  	[sflag:s8] =	ssyncset.done $0x0  }
0x10: {  	s13 =	simm.s32 $0x0;
	s12 =	simm.s32 $0x200;
	[sflag:s8] =	ssyncadd.s32 $0xFFFF8000  }
.LBB2_2:
0x11: {  	p0 =	sne.s32 s12, $0x10200;
	[tilespmem:s13+$0x8070] =	vst v0  }
0x12: {  	[tilespmem:s13+$0x8000] =	vst v0  }
0x13: {  	[tilespmem:s13+$0x8010] =	vst v0  }
.Ltmp0:
0x14: {  	[tilespmem:s13+$0x8020] =	vst v0;
	(pc) =	sbr.rel @p0 .LBB2_2-.Ltmp0, $4  }
0x15: {  	[tilespmem:s13+$0x8030] =	vst v0  }
0x16: {  	[tilespmem:s13+$0x8040] =	vst v0  }
0x17: {  	[tilespmem:s13+$0x8050] =	vst v0  }
0x18: {  	[tilespmem:s13+$0x8060] =	vst v0;
	s13 =	sshra.s32 s12, $0x2;
	s12 =	sadd.s32 $0x200, s12  }
0x19: {  	[tilespmem:s13+$0x8070] =	vst v0  }
0x1a: {  	[tilespmem:s13+$0x8000] =	vst v0  }
0x1b: {  	[tilespmem:s13+$0x8010] =	vst v0  }
0x1c: {  	[tilespmem:s13+$0x8020] =	vst v0  }
0x1d: {  	[tilespmem:s13+$0x8030] =	vst v0  }
0x1e: {  	[tilespmem:s13+$0x8040] =	vst v0  }
0x1f: {  	[tilespmem:s13+$0x8050] =	vst v0  }
0x20: {  	s12 =	simm.s32 $0x0;
	[tilespmem:s13+$0x8060] =	vst v0  }
.LBB2_4:
0x21: {  	s13 =	sshra.s32 s12, $0x2  }
0x22: {  	v3 =	vld [tilespmem:s13+$0x0];
	_ =	sdelay $0x4  }
0x23: {  	v3 =	vshra.s32 v3, $0x15  }
0x24: {  	v3 =	vadd.s32 v1, v3;
	_ =	sdelay $0x4  }
0x25: {  	[tilespmem:v3+s9+$0x0] =	vst.idx.add.s32.msk $0xffff, v2  }
0x26: {  	v3 =	vld [tilespmem:s13+$0x10];
	_ =	sdelay $0x4  }
0x27: {  	v3 =	vshra.s32 v3, $0x15  }
0x28: {  	v3 =	vadd.s32 v1, v3;
	_ =	sdelay $0x4  }
0x29: {  	[tilespmem:v3+s9+$0x0] =	vst.idx.add.s32.msk $0xffff, v2  }
0x2a: {  	v3 =	vld [tilespmem:s13+$0x20];
	_ =	sdelay $0x4  }
0x2b: {  	v3 =	vshra.s32 v3, $0x15  }
0x2c: {  	v3 =	vadd.s32 v1, v3;
	_ =	sdelay $0x4  }
0x2d: {  	[tilespmem:v3+s9+$0x0] =	vst.idx.add.s32.msk $0xffff, v2  }
0x2e: {  	v3 =	vld [tilespmem:s13+$0x30];
	_ =	sdelay $0x4  }
0x2f: {  	v3 =	vshra.s32 v3, $0x15  }
0x30: {  	v3 =	vadd.s32 v1, v3;
	_ =	sdelay $0x4  }
0x31: {  	[tilespmem:v3+s9+$0x0] =	vst.idx.add.s32.msk $0xffff, v2  }
0x32: {  	v3 =	vld [tilespmem:s13+$0x40];
	_ =	sdelay $0x4  }
0x33: {  	v3 =	vshra.s32 v3, $0x15  }
0x34: {  	v3 =	vadd.s32 v1, v3;
	_ =	sdelay $0x4  }
0x35: {  	[tilespmem:v3+s9+$0x0] =	vst.idx.add.s32.msk $0xffff, v2  }
0x36: {  	v3 =	vld [tilespmem:s13+$0x50];
	_ =	sdelay $0x4  }
0x37: {  	v3 =	vshra.s32 v3, $0x15  }
0x38: {  	v3 =	vadd.s32 v1, v3;
	_ =	sdelay $0x4  }
0x39: {  	[tilespmem:v3+s9+$0x0] =	vst.idx.add.s32.msk $0xffff, v2  }
0x3a: {  	v3 =	vld [tilespmem:s13+$0x60];
	_ =	sdelay $0x4  }
0x3b: {  	v3 =	vshra.s32 v3, $0x15  }
0x3c: {  	v3 =	vadd.s32 v1, v3;
	_ =	sdelay $0x4  }
0x3d: {  	[tilespmem:v3+s9+$0x0] =	vst.idx.add.s32.msk $0xffff, v2  }
0x3e: {  	v3 =	vld [tilespmem:s13+$0x70];
	_ =	sdelay $0x4  }
0x3f: {  	v3 =	vshra.s32 v3, $0x15  }
0x40: {  	p0 =	sne.s32 s12, $0x1FE00;
	v3 =	vadd.s32 v1, v3  }
.Ltmp1:
0x41: {  	_ = 	snop;
	(pc) =	sbr.rel @p0 .LBB2_4-.Ltmp1, $2  }
0x42: {  	_ =	sdelay $0x2  }
0x43: {  	s12 =	sadd.s32 $0x200, s12;
	[tilespmem:v3+s9+$0x0] =	vst.idx.add.s32.msk $0xffff, v2  }
0x44: {  	s12 =	simm.s32 $0x0  }
0x45: {  	v3 =	vld [tilespmem:s12+$0x8000]  }
0x46: {  	v4 =	vld [tilespmem:s12+$0x8411]  }
0x47: {  	v5 =	vld [tilespmem:s12+$0x8822]  }
0x48: {  	v6 =	vld [tilespmem:s12+$0x8C33]  }
0x49: {  	v7 =	vld [tilespmem:s12+$0x9044]  }
0x4a: {  	v8 =	vld [tilespmem:s12+$0x9455]  }
0x4b: {  	v3 =	vadd.s32 v3, v4;
	v4 =	vld [tilespmem:s12+$0x9866]  }
0x4c: {  	v3 =	vadd.s32 v5, v3;
	v5 =	vld [tilespmem:s12+$0x9C77]  }
0x4d: {  	v3 =	vadd.s32 v6, v3;
	v6 =	vld [tilespmem:s12+$0xA088]  }
0x4e: {  	v3 =	vadd.s32 v7, v3;
	v7 =	vld [tilespmem:s12+$0xA499]  }
0x4f: {  	v3 =	vadd.s32 v8, v3;
	v8 =	vld [tilespmem:s12+$0xA8AA]  }
0x50: {  	v9 =	vld [tilespmem:s12+$0xACBB];
	v3 =	vadd.s32 v4, v3  }
0x51: {  	v4 =	vld [tilespmem:s12+$0xB0CC];
	v3 =	vadd.s32 v5, v3  }
0x52: {  	v5 =	vld [tilespmem:s12+$0xB4DD];
	v3 =	vadd.s32 v6, v3  }
0x53: {  	v6 =	vld [tilespmem:s12+$0xB8EE];
	v3 =	vadd.s32 v7, v3  }
0x54: {  	s13 =	simm.s32 $0x10;
	v7 =	vld [tilespmem:s12+$0xBCFF];
	v8 =	vadd.s32 v8, v3  }
0x55: {  	s14 =	simm.s32 $0x80;
	v3 =	vld [tilespmem:s13+$0x8000];
	v8 =	vadd.s32 v9, v8  }
.LBB2_6:
0x56: {  	p0 =	sne.s32 s14, $0xFC0;
	v9 =	vld [tilespmem:s13+$0x8411];
	v4 =	vadd.s32 v4, v8  }
0x57: {  	v8 =	vld [tilespmem:s13+$0x8822];
	v4 =	vadd.s32 v5, v4  }
0x58: {  	v5 =	vld [tilespmem:s13+$0x8C33];
	v4 =	vadd.s32 v6, v4  }
0x59: {  	v6 =	vld [tilespmem:s13+$0x9044];
	v4 =	vadd.s32 v7, v4  }
0x5a: {  	v7 =	vld [tilespmem:s13+$0x9455];
	[tilespmem:s12+$0xC100] =	vst v4;
	s12 =	smov.u32 s13  }
0x5b: {  	v3 =	vadd.s32 v3, v9;
	v4 =	vld [tilespmem:s12+$0x9866]  }
0x5c: {  	v3 =	vadd.s32 v8, v3;
	v8 =	vld [tilespmem:s12+$0x9C77]  }
0x5d: {  	v3 =	vadd.s32 v5, v3;
	v5 =	vld [tilespmem:s12+$0xA088]  }
0x5e: {  	v3 =	vadd.s32 v6, v3;
	v6 =	vld [tilespmem:s12+$0xA499]  }
0x5f: {  	v3 =	vadd.s32 v7, v3;
	v7 =	vld [tilespmem:s12+$0xA8AA]  }
0x60: {  	v3 =	vadd.s32 v4, v3;
	v9 =	vld [tilespmem:s12+$0xACBB]  }
.Ltmp2:
0x61: {  	v3 =	vadd.s32 v8, v3;
	v4 =	vld [tilespmem:s12+$0xB0CC];
	(pc) =	sbr.rel @p0 .LBB2_6-.Ltmp2, $4  }
0x62: {  	v3 =	vadd.s32 v5, v3;
	v5 =	vld [tilespmem:s12+$0xB4DD]  }
0x63: {  	v3 =	vadd.s32 v6, v3;
	v6 =	vld [tilespmem:s12+$0xB8EE]  }
0x64: {  	s13 =	sshra.s32 s14, $0x2;
	v8 =	vadd.s32 v7, v3;
	v7 =	vld [tilespmem:s12+$0xBCFF]  }
0x65: {  	s14 =	sadd.s32 $0x40, s14;
	v3 =	vld [tilespmem:s13+$0x8000];
	v8 =	vadd.s32 v9, v8  }
0x66: {  	v9 =	vld [tilespmem:s13+$0x8411];
	v4 =	vadd.s32 v4, v8  }
0x67: {  	v51 =	vld [tilespmem:s13+$0x8822];
	v4 =	vadd.s32 v5, v4  }
0x68: {  	v52 =	vld [tilespmem:s13+$0x8C33];
	v4 =	vadd.s32 v6, v4  }
0x69: {  	v53 =	vld [tilespmem:s13+$0x9044];
	v4 =	vadd.s32 v7, v4  }
0x6a: {  	v54 =	vld [tilespmem:s13+$0x9455];
	[tilespmem:s12+$0xC100] =	vst v4  }
0x6b: {  	v3 =	vadd.s32 v3, v9;
	v4 =	vld [tilespmem:s13+$0x9866]  }
0x6c: {  	v55 =	vld [tilespmem:s13+$0x9C77];
	v3 =	vadd.s32 v51, v3  }
0x6d: {  	v56 =	vld [tilespmem:s13+$0xA088];
	v3 =	vadd.s32 v52, v3  }
0x6e: {  	v57 =	vld [tilespmem:s13+$0xA499];
	v3 =	vadd.s32 v53, v3  }
0x6f: {  	v58 =	vld [tilespmem:s13+$0xA8AA];
	v3 =	vadd.s32 v54, v3  }
0x70: {  	v59 =	vld [tilespmem:s13+$0xACBB];
	v3 =	vadd.s32 v4, v3  }
0x71: {  	v60 =	vld [tilespmem:s13+$0xB0CC];
	v3 =	vadd.s32 v55, v3  }
0x72: {  	v61 =	vld [tilespmem:s13+$0xB4DD];
	v3 =	vadd.s32 v56, v3  }
0x73: {  	v62 =	vld [tilespmem:s13+$0xB8EE];
	v3 =	vadd.s32 v57, v3  }
0x74: {  	v63 =	vld [tilespmem:s13+$0xBCFF];
	v3 =	vadd.s32 v58, v3  }
0x75: {  	v3 =	vadd.s32 v59, v3  }
0x76: {  	v3 =	vadd.s32 v60, v3  }
0x77: {  	v3 =	vadd.s32 v61, v3  }
0x78: {  	s11 =	sadd.s32 $0x1, s11;
	v3 =	vadd.s32 v62, v3  }
0x79: {  	p0 =	sne.s32 s11, s5;
	v3 =	vadd.s32 v63, v3  }
.Ltmp3:
0x7a: {  	[tilespmem:s13+$0xC100] =	vst v3;
	(pc) =	sbr.rel @p0 .LBB2_1-.Ltmp3, $4  }
0x7b: {  	[hbm4b:s4+s6] =	stream.strided.scatter [tilespmem:s10], [sflag:$0x1], $0x400, s7, s6, $0x38;
	[tilespmem:$0xC500] =	vst v63  }
0x7c: {  	_ =	swait.ge [sflag:s8], $0x400  }
0x7d: {  	[sflag:s8] =	ssyncset.done $0x0  }
0x7e: {  	[sflag:s8] =	ssyncadd.s32 $0xFFFFFC00  }
0x7f: {  	_ =	sfence.sel $0x180000  }
0x80: {  	[bflag:$0x0] =	sbarrier.arrive $0xFFFF  }
0x81: {  	p0 =	sne.s32 s1, $0x0;
	_ =	strace $0x9000004A  }
0x82: {  	s0 =	sadd.s32 @!p0 $0x100000, s0;
	[bflag:$0x2] =	sbarrier.arrive $0xFFFF  }
0x83: {  	[sflag:s0] =	ssyncadd.tile.s32 @!p0 $0x1;
	_ =	shalt  }
.Lfunc_end2:
_tile_overlayer_lowered:
.L_overlay_start_2:
0x84: {  	(tag) =	ssettag $0x2  }
0x85: {  	s0 =	rddreg [dreg:$0x0];
	s2 =	stileid.u32  }
0x86: {  	s1 =	rddreg [dreg:$0x1];
	p0 =	sne.s32 s2, $0x0  }
0x87: {  	s3 =	rddreg [dreg:$0x2];
	[bflag:$0x3] =	sbarrier.arrive $0xFFFF;
	s2 =	simm.s32 @!p0 $0x1C01  }
0x88: {  	[timem:s3], [sflag:s2] =	dma.local @!p0 [hbm:s0], s1  }
0x89: {  	s0 =	simm.s32 @!p0 $0x1  }
0x8a: {  	_ =	swait.ge @!p0 [sflag:s0], s1  }
0x8b: {  	s1 =	ssub.s32 @!p0 $0x0, s1;
	[sflag:s0] =	ssyncset.done @!p0 $0x0  }
0x8c: {  	[sflag:s0] =	ssyncadd.s32 @!p0 s1  }
0x8d: {  	[bflag:$0x3] =	sbarrier.arrive $0xFFFF  }
0x8e: {  	_ =	shalt  }

</sc_bundles>
